<compile_context>
chip_gen: v7x
topology: tpu7x:2x2x1
jax: 0.10.2.dev20260603
libtpu: 0.0.44.dev20260713+nightly
codegen_flags: <defaults>
</compile_context>

<pallas_src>
import functools

import jax
import jax.numpy as jnp
from jax import lax
from jax.experimental import pallas as pl
from jax.experimental.pallas import tpu as pltpu
from jax.experimental.pallas import tpu_sc as plsc

_N = 10000
_E = 160000
_D = 128
_H = 64

_NC = 2
_NS = 16
_DH = _D // _NC

_CHUNK = 125
_CPT = 80
_NBUF = 5
_RPS = _N // _NS
_CW = 16

_TILE_ROWS = 2000


def _sc_segment_sums(x_item, x_user, src_iu, dst_iu, src_ui, dst_ui,
                     zrow, zcnt, ones_h):
    mesh = plsc.VectorSubcoreMesh(core_axis_name="c", subcore_axis_name="s")

    @functools.partial(
        pl.kernel,
        out_type=(
            jax.ShapeDtypeStruct((_NC, _N, _DH), jnp.float32),
            jax.ShapeDtypeStruct((_N, _CW), jnp.float32),
            jax.ShapeDtypeStruct((_NC, _N, _DH), jnp.float32),
            jax.ShapeDtypeStruct((_N, _CW), jnp.float32),
            jax.ShapeDtypeStruct((_NC * _N, _DH), jnp.float32),
            jax.ShapeDtypeStruct((_NC * _N, _DH), jnp.float32),
        ),
        mesh=mesh,
        compiler_params=pltpu.CompilerParams(use_tc_tiling_on_sc=False),
        scratch_types=[
            pltpu.VMEM((_CPT, _CHUNK), jnp.int32),
            pltpu.VMEM((_CPT, _CHUNK), jnp.int32),
            pltpu.VMEM((_CHUNK, _DH), jnp.float32),
            pltpu.VMEM((_CHUNK, _DH), jnp.float32),
            pltpu.VMEM((_CHUNK, _DH), jnp.float32),
            pltpu.VMEM((_CHUNK, _DH), jnp.float32),
            pltpu.VMEM((_CHUNK, _DH), jnp.float32),
            pltpu.VMEM((_CHUNK, _CW), jnp.float32),
            pltpu.VMEM_SHARED((_N, _DH), jnp.float32),
            pltpu.VMEM_SHARED((_N, _CW), jnp.float32),
            pltpu.SemaphoreType.DMA,
            pltpu.SemaphoreType.DMA,
            pltpu.SemaphoreType.DMA,
            pltpu.SemaphoreType.DMA,
            pltpu.SemaphoreType.DMA,
            pltpu.SemaphoreType.DMA,
            pltpu.SemaphoreType.DMA,
            pltpu.SemaphoreType.DMA,
            pltpu.SemaphoreType.DMA,
            pltpu.SemaphoreType.DMA,
            pltpu.SemaphoreType.DMA,
        ],
    )
    def k(x_item_h, x_user_h, src_iu_h, dst_iu_h, src_ui_h, dst_ui_h,
          zrow_h, zcnt_h, ones_hh,
          out_su, out_cu, out_si, out_ci, tbl_iu_h, tbl_ui_h,
          srcv, dstv, b0, b1, b2, b3, b4, onesv, acc, accc,
          sg0, sg1, sg2, sg3, sg4, ss0, ss1, ss2, ss3, ss4, sc):
        cid = lax.axis_index("c")
        sid = lax.axis_index("s")
        r0 = sid * _RPS
        bufs = ((b0, sg0, ss0), (b1, sg1, ss1), (b2, sg2, ss2),
                (b3, sg3, ss3), (b4, sg4, ss4))

        pltpu.sync_copy(ones_hh, onesv)

        def zero_acc():
            pltpu.sync_copy(zrow_h, acc.at[pl.ds(r0, _RPS)])
            pltpu.sync_copy(zcnt_h, accc.at[pl.ds(r0, _RPS)])

        def stack_tables():
            jobs = []
            for kk in range(_RPS // _CHUNK):
                rr = r0 + kk * _CHUNK
                jobs.append((x_item_h, tbl_iu_h, rr))
                jobs.append((x_user_h, tbl_ui_h, rr))

            def rd(n):
                xh, _, rr = jobs[n]
                return xh.at[pl.ds(rr, _CHUNK), pl.ds(cid * _DH, _DH)]

            for n in range(min(_NBUF, len(jobs))):
                pltpu.async_copy(rd(n), bufs[n][0], bufs[n][1])
            for n in range(len(jobs)):
                buf, sg, _ = bufs[n % _NBUF]
                pltpu.make_async_copy(rd(n), buf, sg).wait()
                _, dsth, rr = jobs[n]
                pltpu.sync_copy(buf, dsth.at[pl.ds(cid * _N + rr, _CHUNK)])
                if n + _NBUF < len(jobs):
                    pltpu.async_copy(rd(n + _NBUF), buf, sg)

        def run_type(src_h, dst_h, table_h, out_s, out_c, cnt_core):
            pltpu.sync_copy(src_h.at[cid, sid], srcv)
            pltpu.sync_copy(dst_h.at[sid], dstv)
            do_cnt = cid == cnt_core

            def fire_gather(t, buf, sem):
                pltpu.async_copy(table_h.at[srcv.at[t]], buf, sem)

            def wait_gather(t, buf, sem):
                pltpu.make_async_copy(table_h.at[srcv.at[t]], buf, sem).wait()

            def fire_scatter(t, buf, sem):
                pltpu.async_copy(buf, acc.at[dstv.at[t]], sem, add=True)

                @pl.when(do_cnt)
                def _():
                    pltpu.async_copy(onesv, accc.at[dstv.at[t]], sc, add=True)

            def wait_scatter(t, buf, sem):
                pltpu.make_async_copy(buf, acc.at[dstv.at[t]], sem).wait()

                @pl.when(do_cnt)
                def _():
                    pltpu.make_async_copy(onesv, accc.at[dstv.at[t]], sc).wait()

            fire_gather(0, b0, sg0)
            fire_gather(1, b1, sg1)

            def body(i, carry):
                for kk in range(_NBUF):
                    t = _NBUF * i + kk
                    buf, sg, ss = bufs[kk]
                    rbuf, rsg, rss = bufs[(kk + 2) % _NBUF]
                    slack = _NBUF - 2
                    if kk >= slack:
                        wait_scatter(t - slack, rbuf, rss)
                    else:
                        @pl.when(t >= slack)
                        def _():
                            wait_scatter(t - slack, rbuf, rss)

                    @pl.when(t + 2 < _CPT)
                    def _():
                        fire_gather(t + 2, rbuf, rsg)

                    wait_gather(t, buf, sg)
                    fire_scatter(t, buf, ss)
                return carry

            lax.fori_loop(0, _CPT // _NBUF, body, 0)
            for t in range(_CPT - (_NBUF - 2), _CPT):
                wait_scatter(t, bufs[t % _NBUF][0], bufs[t % _NBUF][2])
            plsc.subcore_barrier()
            pltpu.sync_copy(acc.at[pl.ds(r0, _RPS)],
                            out_s.at[cid, pl.ds(r0, _RPS)])

            @pl.when(do_cnt)
            def _():
                pltpu.sync_copy(accc.at[pl.ds(r0, _RPS)],
                                out_c.at[pl.ds(r0, _RPS)])

        zero_acc()
        stack_tables()
        plsc.subcore_barrier()
        run_type(src_iu_h, dst_iu_h, tbl_iu_h, out_su, out_cu, 0)
        zero_acc()
        plsc.subcore_barrier()
        run_type(src_ui_h, dst_ui_h, tbl_ui_h, out_si, out_ci, 1)

    return k(x_item, x_user, src_iu, dst_iu, src_ui, dst_ui,
             zrow, zcnt, ones_h)[:4]


def _dense_body(xu, xi, su, cu, si, ci,
                wmiu, bmiu, wmui, bmui, wp1, bp1, wp2, bp2,
                wsu, bsu, wsi, bsi, wcu, bcu, wci, bci,
                out_u, out_i):
    f32 = jnp.float32
    cuv = cu[:, 0:1]
    gu = jnp.concatenate([su[0], su[1]], -1) / jnp.maximum(cuv, 1.0)
    mu = (cuv > 0.0).astype(f32)
    xuv = xu[...]
    h = jnp.maximum(jnp.dot(xuv, wp1[...]) + bp1[...], 0.0)
    pred = jnp.dot(h, wp2[...]) + bp2[...]
    aggstd = jnp.dot(gu, wmiu[...]) + bmiu[...] * mu
    neigh = 0.5 * (aggstd + gu - pred * mu)
    selfu = jnp.dot(xuv, wsu[...]) + bsu[...]
    wcu_t = wcu[...]
    out_u[...] = jnp.maximum(
        jnp.dot(selfu, wcu_t[:_D]) + jnp.dot(neigh, wcu_t[_D:]) + bcu[...], 0.0)
    civ = ci[:, 0:1]
    gi = jnp.concatenate([si[0], si[1]], -1) / jnp.maximum(civ, 1.0)
    mi = (civ > 0.0).astype(f32)
    xiv = xi[...]
    aggi = jnp.dot(gi, wmui[...]) + bmui[...] * mi
    selfi = jnp.dot(xiv, wsi[...]) + bsi[...]
    wci_t = wci[...]
    out_i[...] = jnp.maximum(
        jnp.dot(selfi, wci_t[:_D]) + jnp.dot(aggi, wci_t[_D:]) + bci[...], 0.0)


def _dense_combine(xu, xi, su, cu, si, ci,
                   wmiu, bmiu, wmui, bmui, wp1, bp1, wp2, bp2,
                   wsu, bsu, wsi, bsi, wcu, bcu, wci, bci):
    grid = _N // _TILE_ROWS
    row = lambda width: pl.BlockSpec((_TILE_ROWS, width), lambda i: (i, 0))
    half = pl.BlockSpec((_NC, _TILE_ROWS, _DH), lambda i: (0, i, 0))
    full = lambda a, b: pl.BlockSpec((a, b), lambda i: (0, 0))
    return pl.pallas_call(
        _dense_body,
        grid=(grid,),
        in_specs=[
            row(_D), row(_D),
            half, row(_CW),
            half, row(_CW),
            full(_D, _D), full(1, _D),
            full(_D, _D), full(1, _D),
            full(_D, _H), full(1, _H),
            full(_H, _D), full(1, _D),
            full(_D, _D), full(1, _D),
            full(_D, _D), full(1, _D),
            full(2 * _D, _D), full(1, _D),
            full(2 * _D, _D), full(1, _D),
        ],
        out_specs=[row(_D), row(_D)],
        out_shape=[
            jax.ShapeDtypeStruct((_N, _D), jnp.float32),
            jax.ShapeDtypeStruct((_N, _D), jnp.float32),
        ],
    )(xu, xi, su, cu, si, ci,
      wmiu, bmiu, wmui, bmui, wp1, bp1, wp2, bp2,
      wsu, bsu, wsi, bsi, wcu, bcu, wci, bci)


def _prep_edges(ei):
    src = ei[0].astype(jnp.int32)
    dst = ei[1].astype(jnp.int32)
    src2 = jnp.stack([src, src + _N]).reshape(_NC, _NS, _CPT, _CHUNK)
    return src2, dst.reshape(_NS, _CPT, _CHUNK)


def kernel(x_user, x_item, edge_index_item_to_user, edge_index_user_rev_item,
           W_msg_iu, b_msg_iu, W_msg_ui, b_msg_ui,
           W_pred1, b_pred1, W_pred2, b_pred2,
           W_self_user, b_self_user, W_self_item, b_self_item,
           W_comb_user, b_comb_user, W_comb_item, b_comb_item):
    x_user = x_user.astype(jnp.float32)
    x_item = x_item.astype(jnp.float32)
    src_iu, dst_iu = _prep_edges(edge_index_item_to_user)
    src_ui, dst_ui = _prep_edges(edge_index_user_rev_item)

    zrow = jnp.zeros((_RPS, _DH), jnp.float32)
    zcnt = jnp.zeros((_RPS, _CW), jnp.float32)
    ones_h = jnp.ones((_CHUNK, _CW), jnp.float32)

    su, cu, si, ci = _sc_segment_sums(
        x_item, x_user, src_iu, dst_iu, src_ui, dst_ui, zrow, zcnt, ones_h)
    out_u, out_i = _dense_combine(
        x_user, x_item, su, cu, si, ci,
        W_msg_iu.T, b_msg_iu.reshape(1, _D),
        W_msg_ui.T, b_msg_ui.reshape(1, _D),
        W_pred1.T, b_pred1.reshape(1, _H),
        W_pred2.T, b_pred2.reshape(1, _D),
        W_self_user.T, b_self_user.reshape(1, _D),
        W_self_item.T, b_self_item.reshape(1, _D),
        W_comb_user.T, b_comb_user.reshape(1, _D),
        W_comb_item.T, b_comb_item.reshape(1, _D))
    return (out_u, out_i)

# --- scband reference (transcript-rebuilt; emitter-appended) ---
"""Pipeline reference for scband-prmpconv-layer-1099511628138 (READ-ONLY COPY).

The authoritative reference and input builder live on the scoring server;
editing this copy changes nothing except your own understanding.
"""

import jax, jax.numpy as jnp
import numpy as np

N_USER = 10000
N_ITEM = 10000
E = 160000
D = 128
H = 64


def scatter_mean(vals, idx, num):
    s = jax.ops.segment_sum(vals, idx, num_segments=num)
    c = jax.ops.segment_sum(jnp.ones((vals.shape[0], 1), vals.dtype), idx, num_segments=num)
    return s / jnp.clip(c, 1.0)


def setup_inputs(seed: int = 0) -> dict:
    key = jax.random.key(seed)
    ks = jax.random.split(key, 24)

    def lin_w(k, out_f, in_f):
        b = 1.0 / np.sqrt(in_f)
        return jax.random.uniform(k, (out_f, in_f), minval=-b, maxval=b, dtype=jnp.float32)

    def lin_b(k, out_f, in_f):
        b = 1.0 / np.sqrt(in_f)
        return jax.random.uniform(k, (out_f,), minval=-b, maxval=b, dtype=jnp.float32)

    inp = {}
    inp['x_user'] = jax.random.normal(ks[0], (N_USER, D), dtype=jnp.float32)
    inp['x_item'] = jax.random.normal(ks[1], (N_ITEM, D), dtype=jnp.float32)
    inp['edge_index_item_to_user'] = jax.random.randint(ks[2], (2, E), 0, N_USER, dtype=jnp.int64 if jax.config.read('jax_enable_x64') else jnp.int32)
    inp['edge_index_user_rev_item'] = jax.random.randint(ks[3], (2, E), 0, N_ITEM, dtype=jnp.int64 if jax.config.read('jax_enable_x64') else jnp.int32)
    # message linears per edge type
    inp['W_msg_iu'] = lin_w(ks[4], D, D); inp['b_msg_iu'] = lin_b(ks[5], D, D)
    inp['W_msg_ui'] = lin_w(ks[6], D, D); inp['b_msg_ui'] = lin_b(ks[7], D, D)
    # prediction MLP for FK edge (item->user): parent(user) predicts child(item)
    inp['W_pred1'] = lin_w(ks[8], H, D); inp['b_pred1'] = lin_b(ks[9], H, D)
    inp['W_pred2'] = lin_w(ks[10], D, H); inp['b_pred2'] = lin_b(ks[11], D, H)
    # self linears per node type
    inp['W_self_user'] = lin_w(ks[12], D, D); inp['b_self_user'] = lin_b(ks[13], D, D)
    inp['W_self_item'] = lin_w(ks[14], D, D); inp['b_self_item'] = lin_b(ks[15], D, D)
    # combine linears per node type (2D -> D)
    inp['W_comb_user'] = lin_w(ks[16], D, 2 * D); inp['b_comb_user'] = lin_b(ks[17], D, 2 * D)
    inp['W_comb_item'] = lin_w(ks[18], D, 2 * D); inp['b_comb_item'] = lin_b(ks[19], D, 2 * D)
    return inp


def reference(x_user, x_item, edge_index_item_to_user, edge_index_user_rev_item,
              W_msg_iu, b_msg_iu, W_msg_ui, b_msg_ui,
              W_pred1, b_pred1, W_pred2, b_pred2,
              W_self_user, b_self_user, W_self_item, b_self_item,
              W_comb_user, b_comb_user, W_comb_item, b_comb_item):
    # edge type ('item','to','user') : src=item, dst=user (FK edge)
    ei = edge_index_item_to_user
    msg = x_item[ei[0]] @ W_msg_iu.T + b_msg_iu
    agg_u_std = scatter_mean(msg, ei[1], N_USER)
    # PRMP: parent (user) predicts child (item) features; residual aggregated
    h = jax.nn.relu(x_user[ei[1]] @ W_pred1.T + b_pred1)
    predicted_child = h @ W_pred2.T + b_pred2
    actual_child = x_item[ei[0]]
    residuals = actual_child - predicted_child
    agg_u_prmp = scatter_mean(residuals, ei[1], N_USER)
    # edge type ('user','rev','item') : src=user, dst=item (non-FK)
    ei2 = edge_index_user_rev_item
    msg2 = x_user[ei2[0]] @ W_msg_ui.T + b_msg_ui
    agg_i = scatter_mean(msg2, ei2[1], N_ITEM)
    # update: user has two aggregated signals (mean over stack), item has one
    self_u = x_user @ W_self_user.T + b_self_user
    neigh_u = (agg_u_std + agg_u_prmp) / 2.0
    out_user = jax.nn.relu(jnp.concatenate([self_u, neigh_u], axis=-1) @ W_comb_user.T + b_comb_user)
    self_i = x_item @ W_self_item.T + b_self_item
    out_item = jax.nn.relu(jnp.concatenate([self_i, agg_i], axis=-1) @ W_comb_item.T + b_comb_item)
    return (out_user, out_item)

if __name__ == "__main__":
    import jax
    _d = setup_inputs()
    print(jax.jit(kernel)(*tuple(_d.values())))

</pallas_src>

<mosaic_0001>
#map = affine_map<(d0, d1) -> (0, 0)>
#map1 = affine_map<(d0, d1) -> (0, 0, 0, 0)>
#map2 = affine_map<(d0, d1) -> (0, 0, 0)>
module attributes {stable_mosaic.version = 14 : i64} {
  func.func @k(%arg0: i32, %arg1: i32, %arg2: memref<10000x128xf32, #tpu.memory_space<hbm>>, %arg3: memref<10000x128xf32, #tpu.memory_space<hbm>>, %arg4: memref<2x16x80x125xi32, #tpu.memory_space<hbm>>, %arg5: memref<16x80x125xi32, #tpu.memory_space<hbm>>, %arg6: memref<2x16x80x125xi32, #tpu.memory_space<hbm>>, %arg7: memref<16x80x125xi32, #tpu.memory_space<hbm>>, %arg8: memref<625x64xf32, #tpu.memory_space<hbm>>, %arg9: memref<625x16xf32, #tpu.memory_space<hbm>>, %arg10: memref<125x16xf32, #tpu.memory_space<hbm>>, %arg11: memref<2x10000x64xf32, #tpu.memory_space<hbm>>, %arg12: memref<10000x16xf32, #tpu.memory_space<hbm>>, %arg13: memref<2x10000x64xf32, #tpu.memory_space<hbm>>, %arg14: memref<10000x16xf32, #tpu.memory_space<hbm>>, %arg15: memref<20000x64xf32, #tpu.memory_space<hbm>>, %arg16: memref<20000x64xf32, #tpu.memory_space<hbm>>, %arg17: memref<80x125xi32, #tpu.memory_space<vmem>>, %arg18: memref<80x125xi32, #tpu.memory_space<vmem>>, %arg19: memref<125x64xf32, #tpu.memory_space<vmem>>, %arg20: memref<125x64xf32, #tpu.memory_space<vmem>>, %arg21: memref<125x64xf32, #tpu.memory_space<vmem>>, %arg22: memref<125x64xf32, #tpu.memory_space<vmem>>, %arg23: memref<125x64xf32, #tpu.memory_space<vmem>>, %arg24: memref<125x16xf32, #tpu.memory_space<vmem>>, %arg25: memref<10000x64xf32, #tpu.memory_space<vmem_shared>>, %arg26: memref<10000x16xf32, #tpu.memory_space<vmem_shared>>, %arg27: memref<!tpu.dma_semaphore, #tpu.memory_space<semaphore_mem>>, %arg28: memref<!tpu.dma_semaphore, #tpu.memory_space<semaphore_mem>>, %arg29: memref<!tpu.dma_semaphore, #tpu.memory_space<semaphore_mem>>, %arg30: memref<!tpu.dma_semaphore, #tpu.memory_space<semaphore_mem>>, %arg31: memref<!tpu.dma_semaphore, #tpu.memory_space<semaphore_mem>>, %arg32: memref<!tpu.dma_semaphore, #tpu.memory_space<semaphore_mem>>, %arg33: memref<!tpu.dma_semaphore, #tpu.memory_space<semaphore_mem>>, %arg34: memref<!tpu.dma_semaphore, #tpu.memory_space<semaphore_mem>>, %arg35: memref<!tpu.dma_semaphore, #tpu.memory_space<semaphore_mem>>, %arg36: memref<!tpu.dma_semaphore, #tpu.memory_space<semaphore_mem>>, %arg37: memref<!tpu.dma_semaphore, #tpu.memory_space<semaphore_mem>>) attributes {dimension_semantics = [#tpu.dimension_semantics<core_parallel>, #tpu.dimension_semantics<subcore_parallel>], iteration_bounds = array<i64: 2, 16>, scalar_prefetch = 0 : i64, scratch_operands = 21 : i64, tpu.core_type = #tpu.core_type<sc_vector_subcore>, window_params = [{transform_indices = #map}, {transform_indices = #map}, {transform_indices = #map1}, {transform_indices = #map2}, {transform_indices = #map1}, {transform_indices = #map2}, {transform_indices = #map}, {transform_indices = #map}, {transform_indices = #map}, {transform_indices = #map2}, {transform_indices = #map}, {transform_indices = #map2}, {transform_indices = #map}, {transform_indices = #map}, {transform_indices = #map}]} {
    %mul3A = arith.constant 625 : i32
    %mul3A_0 = arith.muli %arg1, %mul3A : i32
    "tpu.region"() ({
      %run_scoped3A = tpu.sem_alloc : memref<!tpu.dma_semaphore, #tpu.memory_space<semaphore_mem>>
      tpu.enqueue_dma source(%arg10 : memref<125x16xf32, #tpu.memory_space<hbm>>) target(%arg24 : memref<125x16xf32, #tpu.memory_space<vmem>>) target_semaphore(%run_scoped3A : memref<!tpu.dma_semaphore, #tpu.memory_space<semaphore_mem>>)
      tpu.wait_dma2 semaphore(%run_scoped3A : memref<!tpu.dma_semaphore, #tpu.memory_space<semaphore_mem>>) src(%arg10 : memref<125x16xf32, #tpu.memory_space<hbm>>) dst(%arg24 : memref<125x16xf32, #tpu.memory_space<vmem>>)
      tpu.yield
    }) : () -> ()
    "tpu.region"() ({
      %run_scoped3A = tpu.sem_alloc : memref<!tpu.dma_semaphore, #tpu.memory_space<semaphore_mem>>
      %dma_start3A_227 = arith.constant 0 : i32
      %dma_start3A_228 = tpu.memref_slice %arg25[%mul3A_0, %dma_start3A_227] : memref<10000x64xf32, #tpu.memory_space<vmem_shared>> -> memref<625x64xf32, #tpu.memory_space<vmem_shared>>
      tpu.enqueue_dma source(%arg8 : memref<625x64xf32, #tpu.memory_space<hbm>>) target(%dma_start3A_228 : memref<625x64xf32, #tpu.memory_space<vmem_shared>>) target_semaphore(%run_scoped3A : memref<!tpu.dma_semaphore, #tpu.memory_space<semaphore_mem>>)
      %dma_wait3A_229 = arith.constant 0 : i32
      %dma_wait3A_230 = tpu.memref_slice %arg25[%mul3A_0, %dma_wait3A_229] : memref<10000x64xf32, #tpu.memory_space<vmem_shared>> -> memref<625x64xf32, #tpu.memory_space<vmem_shared>>
      tpu.wait_dma2 semaphore(%run_scoped3A : memref<!tpu.dma_semaphore, #tpu.memory_space<semaphore_mem>>) src(%arg8 : memref<625x64xf32, #tpu.memory_space<hbm>>) dst(%dma_wait3A_230 : memref<625x64xf32, #tpu.memory_space<vmem_shared>>)
      tpu.yield
    }) : () -> ()
    "tpu.region"() ({
      %run_scoped3A = tpu.sem_alloc : memref<!tpu.dma_semaphore, #tpu.memory_space<semaphore_mem>>
      %dma_start3A_227 = arith.constant 0 : i32
      %dma_start3A_228 = tpu.memref_slice %arg26[%mul3A_0, %dma_start3A_227] : memref<10000x16xf32, #tpu.memory_space<vmem_shared>> -> memref<625x16xf32, #tpu.memory_space<vmem_shared>>
      tpu.enqueue_dma source(%arg9 : memref<625x16xf32, #tpu.memory_space<hbm>>) target(%dma_start3A_228 : memref<625x16xf32, #tpu.memory_space<vmem_shared>>) target_semaphore(%run_scoped3A : memref<!tpu.dma_semaphore, #tpu.memory_space<semaphore_mem>>)
      %dma_wait3A_229 = arith.constant 0 : i32
      %dma_wait3A_230 = tpu.memref_slice %arg26[%mul3A_0, %dma_wait3A_229] : memref<10000x16xf32, #tpu.memory_space<vmem_shared>> -> memref<625x16xf32, #tpu.memory_space<vmem_shared>>
      tpu.wait_dma2 semaphore(%run_scoped3A : memref<!tpu.dma_semaphore, #tpu.memory_space<semaphore_mem>>) src(%arg9 : memref<625x16xf32, #tpu.memory_space<hbm>>) dst(%dma_wait3A_230 : memref<625x16xf32, #tpu.memory_space<vmem_shared>>)
      tpu.yield
    }) : () -> ()
    %add3A = arith.constant 0 : i32
    %add3A_1 = arith.addi %mul3A_0, %add3A : i32
    %add3A_2 = arith.constant 125 : i32
    %add3A_3 = arith.addi %mul3A_0, %add3A_2 : i32
    %add3A_4 = arith.constant 250 : i32
    %add3A_5 = arith.addi %mul3A_0, %add3A_4 : i32
    %add3A_6 = arith.constant 375 : i32
    %add3A_7 = arith.addi %mul3A_0, %add3A_6 : i32
    %add3A_8 = arith.constant 500 : i32
    %add3A_9 = arith.addi %mul3A_0, %add3A_8 : i32
    %mul3A_10 = arith.constant 64 : i32
    %mul3A_11 = arith.muli %arg0, %mul3A_10 : i32
    %dma_start3A = tpu.memref_slice %arg2[%add3A_1, %mul3A_11] : memref<10000x128xf32, #tpu.memory_space<hbm>> -> memref<125x64xf32, #tpu.memory_space<hbm>>
    %dma_start3A_12 = tpu.memref_slice %arg2[%add3A_1, %mul3A_11] : memref<10000x128xf32, #tpu.memory_space<hbm>> -> memref<125x64xf32, #tpu.memory_space<hbm>>
    tpu.enqueue_dma source(%dma_start3A_12 : memref<125x64xf32, #tpu.memory_space<hbm>>) target(%arg19 : memref<125x64xf32, #tpu.memory_space<vmem>>) target_semaphore(%arg27 : memref<!tpu.dma_semaphore, #tpu.memory_space<semaphore_mem>>)
    %mul3A_13 = arith.constant 64 : i32
    %mul3A_14 = arith.muli %arg0, %mul3A_13 : i32
    %dma_start3A_15 = tpu.memref_slice %arg3[%add3A_1, %mul3A_14] : memref<10000x128xf32, #tpu.memory_space<hbm>> -> memref<125x64xf32, #tpu.memory_space<hbm>>
    %dma_start3A_16 = tpu.memref_slice %arg3[%add3A_1, %mul3A_14] : memref<10000x128xf32, #tpu.memory_space<hbm>> -> memref<125x64xf32, #tpu.memory_space<hbm>>
    tpu.enqueue_dma source(%dma_start3A_16 : memref<125x64xf32, #tpu.memory_space<hbm>>) target(%arg20 : memref<125x64xf32, #tpu.memory_space<vmem>>) target_semaphore(%arg28 : memref<!tpu.dma_semaphore, #tpu.memory_space<semaphore_mem>>)
    %mul3A_17 = arith.constant 64 : i32
    %mul3A_18 = arith.muli %arg0, %mul3A_17 : i32
    %dma_start3A_19 = tpu.memref_slice %arg2[%add3A_3, %mul3A_18] : memref<10000x128xf32, #tpu.memory_space<hbm>> -> memref<125x64xf32, #tpu.memory_space<hbm>>
    %dma_start3A_20 = tpu.memref_slice %arg2[%add3A_3, %mul3A_18] : memref<10000x128xf32, #tpu.memory_space<hbm>> -> memref<125x64xf32, #tpu.memory_space<hbm>>
    tpu.enqueue_dma source(%dma_start3A_20 : memref<125x64xf32, #tpu.memory_space<hbm>>) target(%arg21 : memref<125x64xf32, #tpu.memory_space<vmem>>) target_semaphore(%arg29 : memref<!tpu.dma_semaphore, #tpu.memory_space<semaphore_mem>>)
    %mul3A_21 = arith.constant 64 : i32
    %mul3A_22 = arith.muli %arg0, %mul3A_21 : i32
    %dma_start3A_23 = tpu.memref_slice %arg3[%add3A_3, %mul3A_22] : memref<10000x128xf32, #tpu.memory_space<hbm>> -> memref<125x64xf32, #tpu.memory_space<hbm>>
    %dma_start3A_24 = tpu.memref_slice %arg3[%add3A_3, %mul3A_22] : memref<10000x128xf32, #tpu.memory_space<hbm>> -> memref<125x64xf32, #tpu.memory_space<hbm>>
    tpu.enqueue_dma source(%dma_start3A_24 : memref<125x64xf32, #tpu.memory_space<hbm>>) target(%arg22 : memref<125x64xf32, #tpu.memory_space<vmem>>) target_semaphore(%arg30 : memref<!tpu.dma_semaphore, #tpu.memory_space<semaphore_mem>>)
    %mul3A_25 = arith.constant 64 : i32
    %mul3A_26 = arith.muli %arg0, %mul3A_25 : i32
    %dma_start3A_27 = tpu.memref_slice %arg2[%add3A_5, %mul3A_26] : memref<10000x128xf32, #tpu.memory_space<hbm>> -> memref<125x64xf32, #tpu.memory_space<hbm>>
    %dma_start3A_28 = tpu.memref_slice %arg2[%add3A_5, %mul3A_26] : memref<10000x128xf32, #tpu.memory_space<hbm>> -> memref<125x64xf32, #tpu.memory_space<hbm>>
    tpu.enqueue_dma source(%dma_start3A_28 : memref<125x64xf32, #tpu.memory_space<hbm>>) target(%arg23 : memref<125x64xf32, #tpu.memory_space<vmem>>) target_semaphore(%arg31 : memref<!tpu.dma_semaphore, #tpu.memory_space<semaphore_mem>>)
    %mul3A_29 = arith.constant 64 : i32
    %mul3A_30 = arith.muli %arg0, %mul3A_29 : i32
    %dma_wait3A = tpu.memref_slice %arg2[%add3A_1, %mul3A_30] : memref<10000x128xf32, #tpu.memory_space<hbm>> -> memref<125x64xf32, #tpu.memory_space<hbm>>
    %dma_wait3A_31 = tpu.memref_slice %arg2[%add3A_1, %mul3A_30] : memref<10000x128xf32, #tpu.memory_space<hbm>> -> memref<125x64xf32, #tpu.memory_space<hbm>>
    tpu.wait_dma2 semaphore(%arg27 : memref<!tpu.dma_semaphore, #tpu.memory_space<semaphore_mem>>) src(%dma_wait3A_31 : memref<125x64xf32, #tpu.memory_space<hbm>>) dst(%arg19 : memref<125x64xf32, #tpu.memory_space<vmem>>)
    %mul3A_32 = arith.constant 10000 : i32
    %mul3A_33 = arith.muli %arg0, %mul3A_32 : i32
    %add3A_34 = arith.addi %mul3A_33, %add3A_1 : i32
    "tpu.region"() ({
      %run_scoped3A = tpu.sem_alloc : memref<!tpu.dma_semaphore, #tpu.memory_space<semaphore_mem>>
      %dma_start3A_227 = arith.constant 0 : i32
      %dma_start3A_228 = tpu.memref_slice %arg15[%add3A_34, %dma_start3A_227] : memref<20000x64xf32, #tpu.memory_space<hbm>> -> memref<125x64xf32, #tpu.memory_space<hbm>>
      %dma_start3A_229 = arith.constant 0 : i32
      %dma_start3A_230 = tpu.memref_slice %arg15[%add3A_34, %dma_start3A_229] : memref<20000x64xf32, #tpu.memory_space<hbm>> -> memref<125x64xf32, #tpu.memory_space<hbm>>
      tpu.enqueue_dma source(%arg19 : memref<125x64xf32, #tpu.memory_space<vmem>>) target(%dma_start3A_230 : memref<125x64xf32, #tpu.memory_space<hbm>>) target_semaphore(%run_scoped3A : memref<!tpu.dma_semaphore, #tpu.memory_space<semaphore_mem>>)
      %dma_wait3A_231 = arith.constant 0 : i32
      %dma_wait3A_232 = tpu.memref_slice %arg15[%add3A_34, %dma_wait3A_231] : memref<20000x64xf32, #tpu.memory_space<hbm>> -> memref<125x64xf32, #tpu.memory_space<hbm>>
      %dma_wait3A_233 = arith.constant 0 : i32
      %dma_wait3A_234 = tpu.memref_slice %arg15[%add3A_34, %dma_wait3A_233] : memref<20000x64xf32, #tpu.memory_space<hbm>> -> memref<125x64xf32, #tpu.memory_space<hbm>>
      tpu.wait_dma2 semaphore(%run_scoped3A : memref<!tpu.dma_semaphore, #tpu.memory_space<semaphore_mem>>) src(%arg19 : memref<125x64xf32, #tpu.memory_space<vmem>>) dst(%dma_wait3A_234 : memref<125x64xf32, #tpu.memory_space<hbm>>)
      tpu.yield
    }) : () -> ()
    %mul3A_35 = arith.constant 64 : i32
    %mul3A_36 = arith.muli %arg0, %mul3A_35 : i32
    %dma_start3A_37 = tpu.memref_slice %arg3[%add3A_5, %mul3A_36] : memref<10000x128xf32, #tpu.memory_space<hbm>> -> memref<125x64xf32, #tpu.memory_space<hbm>>
    %dma_start3A_38 = tpu.memref_slice %arg3[%add3A_5, %mul3A_36] : memref<10000x128xf32, #tpu.memory_space<hbm>> -> memref<125x64xf32, #tpu.memory_space<hbm>>
    tpu.enqueue_dma source(%dma_start3A_38 : memref<125x64xf32, #tpu.memory_space<hbm>>) target(%arg19 : memref<125x64xf32, #tpu.memory_space<vmem>>) target_semaphore(%arg27 : memref<!tpu.dma_semaphore, #tpu.memory_space<semaphore_mem>>)
    %mul3A_39 = arith.constant 64 : i32
    %mul3A_40 = arith.muli %arg0, %mul3A_39 : i32
    %dma_wait3A_41 = tpu.memref_slice %arg3[%add3A_1, %mul3A_40] : memref<10000x128xf32, #tpu.memory_space<hbm>> -> memref<125x64xf32, #tpu.memory_space<hbm>>
    %dma_wait3A_42 = tpu.memref_slice %arg3[%add3A_1, %mul3A_40] : memref<10000x128xf32, #tpu.memory_space<hbm>> -> memref<125x64xf32, #tpu.memory_space<hbm>>
    tpu.wait_dma2 semaphore(%arg28 : memref<!tpu.dma_semaphore, #tpu.memory_space<semaphore_mem>>) src(%dma_wait3A_42 : memref<125x64xf32, #tpu.memory_space<hbm>>) dst(%arg20 : memref<125x64xf32, #tpu.memory_space<vmem>>)
    %mul3A_43 = arith.constant 10000 : i32
    %mul3A_44 = arith.muli %arg0, %mul3A_43 : i32
    %add3A_45 = arith.addi %mul3A_44, %add3A_1 : i32
    "tpu.region"() ({
      %run_scoped3A = tpu.sem_alloc : memref<!tpu.dma_semaphore, #tpu.memory_space<semaphore_mem>>
      %dma_start3A_227 = arith.constant 0 : i32
      %dma_start3A_228 = tpu.memref_slice %arg16[%add3A_45, %dma_start3A_227] : memref<20000x64xf32, #tpu.memory_space<hbm>> -> memref<125x64xf32, #tpu.memory_space<hbm>>
      %dma_start3A_229 = arith.constant 0 : i32
      %dma_start3A_230 = tpu.memref_slice %arg16[%add3A_45, %dma_start3A_229] : memref<20000x64xf32, #tpu.memory_space<hbm>> -> memref<125x64xf32, #tpu.memory_space<hbm>>
      tpu.enqueue_dma source(%arg20 : memref<125x64xf32, #tpu.memory_space<vmem>>) target(%dma_start3A_230 : memref<125x64xf32, #tpu.memory_space<hbm>>) target_semaphore(%run_scoped3A : memref<!tpu.dma_semaphore, #tpu.memory_space<semaphore_mem>>)
      %dma_wait3A_231 = arith.constant 0 : i32
      %dma_wait3A_232 = tpu.memref_slice %arg16[%add3A_45, %dma_wait3A_231] : memref<20000x64xf32, #tpu.memory_space<hbm>> -> memref<125x64xf32, #tpu.memory_space<hbm>>
      %dma_wait3A_233 = arith.constant 0 : i32
      %dma_wait3A_234 = tpu.memref_slice %arg16[%add3A_45, %dma_wait3A_233] : memref<20000x64xf32, #tpu.memory_space<hbm>> -> memref<125x64xf32, #tpu.memory_space<hbm>>
      tpu.wait_dma2 semaphore(%run_scoped3A : memref<!tpu.dma_semaphore, #tpu.memory_space<semaphore_mem>>) src(%arg20 : memref<125x64xf32, #tpu.memory_space<vmem>>) dst(%dma_wait3A_234 : memref<125x64xf32, #tpu.memory_space<hbm>>)
      tpu.yield
    }) : () -> ()
    %mul3A_46 = arith.constant 64 : i32
    %mul3A_47 = arith.muli %arg0, %mul3A_46 : i32
    %dma_start3A_48 = tpu.memref_slice %arg2[%add3A_7, %mul3A_47] : memref<10000x128xf32, #tpu.memory_space<hbm>> -> memref<125x64xf32, #tpu.memory_space<hbm>>
    %dma_start3A_49 = tpu.memref_slice %arg2[%add3A_7, %mul3A_47] : memref<10000x128xf32, #tpu.memory_space<hbm>> -> memref<125x64xf32, #tpu.memory_space<hbm>>
    tpu.enqueue_dma source(%dma_start3A_49 : memref<125x64xf32, #tpu.memory_space<hbm>>) target(%arg20 : memref<125x64xf32, #tpu.memory_space<vmem>>) target_semaphore(%arg28 : memref<!tpu.dma_semaphore, #tpu.memory_space<semaphore_mem>>)
    %mul3A_50 = arith.constant 64 : i32
    %mul3A_51 = arith.muli %arg0, %mul3A_50 : i32
    %dma_wait3A_52 = tpu.memref_slice %arg2[%add3A_3, %mul3A_51] : memref<10000x128xf32, #tpu.memory_space<hbm>> -> memref<125x64xf32, #tpu.memory_space<hbm>>
    %dma_wait3A_53 = tpu.memref_slice %arg2[%add3A_3, %mul3A_51] : memref<10000x128xf32, #tpu.memory_space<hbm>> -> memref<125x64xf32, #tpu.memory_space<hbm>>
    tpu.wait_dma2 semaphore(%arg29 : memref<!tpu.dma_semaphore, #tpu.memory_space<semaphore_mem>>) src(%dma_wait3A_53 : memref<125x64xf32, #tpu.memory_space<hbm>>) dst(%arg21 : memref<125x64xf32, #tpu.memory_space<vmem>>)
    %mul3A_54 = arith.constant 10000 : i32
    %mul3A_55 = arith.muli %arg0, %mul3A_54 : i32
    %add3A_56 = arith.addi %mul3A_55, %add3A_3 : i32
    "tpu.region"() ({
      %run_scoped3A = tpu.sem_alloc : memref<!tpu.dma_semaphore, #tpu.memory_space<semaphore_mem>>
      %dma_start3A_227 = arith.constant 0 : i32
      %dma_start3A_228 = tpu.memref_slice %arg15[%add3A_56, %dma_start3A_227] : memref<20000x64xf32, #tpu.memory_space<hbm>> -> memref<125x64xf32, #tpu.memory_space<hbm>>
      %dma_start3A_229 = arith.constant 0 : i32
      %dma_start3A_230 = tpu.memref_slice %arg15[%add3A_56, %dma_start3A_229] : memref<20000x64xf32, #tpu.memory_space<hbm>> -> memref<125x64xf32, #tpu.memory_space<hbm>>
      tpu.enqueue_dma source(%arg21 : memref<125x64xf32, #tpu.memory_space<vmem>>) target(%dma_start3A_230 : memref<125x64xf32, #tpu.memory_space<hbm>>) target_semaphore(%run_scoped3A : memref<!tpu.dma_semaphore, #tpu.memory_space<semaphore_mem>>)
      %dma_wait3A_231 = arith.constant 0 : i32
      %dma_wait3A_232 = tpu.memref_slice %arg15[%add3A_56, %dma_wait3A_231] : memref<20000x64xf32, #tpu.memory_space<hbm>> -> memref<125x64xf32, #tpu.memory_space<hbm>>
      %dma_wait3A_233 = arith.constant 0 : i32
      %dma_wait3A_234 = tpu.memref_slice %arg15[%add3A_56, %dma_wait3A_233] : memref<20000x64xf32, #tpu.memory_space<hbm>> -> memref<125x64xf32, #tpu.memory_space<hbm>>
      tpu.wait_dma2 semaphore(%run_scoped3A : memref<!tpu.dma_semaphore, #tpu.memory_space<semaphore_mem>>) src(%arg21 : memref<125x64xf32, #tpu.memory_space<vmem>>) dst(%dma_wait3A_234 : memref<125x64xf32, #tpu.memory_space<hbm>>)
      tpu.yield
    }) : () -> ()
    %mul3A_57 = arith.constant 64 : i32
    %mul3A_58 = arith.muli %arg0, %mul3A_57 : i32
    %dma_start3A_59 = tpu.memref_slice %arg3[%add3A_7, %mul3A_58] : memref<10000x128xf32, #tpu.memory_space<hbm>> -> memref<125x64xf32, #tpu.memory_space<hbm>>
    %dma_start3A_60 = tpu.memref_slice %arg3[%add3A_7, %mul3A_58] : memref<10000x128xf32, #tpu.memory_space<hbm>> -> memref<125x64xf32, #tpu.memory_space<hbm>>
    tpu.enqueue_dma source(%dma_start3A_60 : memref<125x64xf32, #tpu.memory_space<hbm>>) target(%arg21 : memref<125x64xf32, #tpu.memory_space<vmem>>) target_semaphore(%arg29 : memref<!tpu.dma_semaphore, #tpu.memory_space<semaphore_mem>>)
    %mul3A_61 = arith.constant 64 : i32
    %mul3A_62 = arith.muli %arg0, %mul3A_61 : i32
    %dma_wait3A_63 = tpu.memref_slice %arg3[%add3A_3, %mul3A_62] : memref<10000x128xf32, #tpu.memory_space<hbm>> -> memref<125x64xf32, #tpu.memory_space<hbm>>
    %dma_wait3A_64 = tpu.memref_slice %arg3[%add3A_3, %mul3A_62] : memref<10000x128xf32, #tpu.memory_space<hbm>> -> memref<125x64xf32, #tpu.memory_space<hbm>>
    tpu.wait_dma2 semaphore(%arg30 : memref<!tpu.dma_semaphore, #tpu.memory_space<semaphore_mem>>) src(%dma_wait3A_64 : memref<125x64xf32, #tpu.memory_space<hbm>>) dst(%arg22 : memref<125x64xf32, #tpu.memory_space<vmem>>)
    %mul3A_65 = arith.constant 10000 : i32
    %mul3A_66 = arith.muli %arg0, %mul3A_65 : i32
    %add3A_67 = arith.addi %mul3A_66, %add3A_3 : i32
    "tpu.region"() ({
      %run_scoped3A = tpu.sem_alloc : memref<!tpu.dma_semaphore, #tpu.memory_space<semaphore_mem>>
      %dma_start3A_227 = arith.constant 0 : i32
      %dma_start3A_228 = tpu.memref_slice %arg16[%add3A_67, %dma_start3A_227] : memref<20000x64xf32, #tpu.memory_space<hbm>> -> memref<125x64xf32, #tpu.memory_space<hbm>>
      %dma_start3A_229 = arith.constant 0 : i32
      %dma_start3A_230 = tpu.memref_slice %arg16[%add3A_67, %dma_start3A_229] : memref<20000x64xf32, #tpu.memory_space<hbm>> -> memref<125x64xf32, #tpu.memory_space<hbm>>
      tpu.enqueue_dma source(%arg22 : memref<125x64xf32, #tpu.memory_space<vmem>>) target(%dma_start3A_230 : memref<125x64xf32, #tpu.memory_space<hbm>>) target_semaphore(%run_scoped3A : memref<!tpu.dma_semaphore, #tpu.memory_space<semaphore_mem>>)
      %dma_wait3A_231 = arith.constant 0 : i32
      %dma_wait3A_232 = tpu.memref_slice %arg16[%add3A_67, %dma_wait3A_231] : memref<20000x64xf32, #tpu.memory_space<hbm>> -> memref<125x64xf32, #tpu.memory_space<hbm>>
      %dma_wait3A_233 = arith.constant 0 : i32
      %dma_wait3A_234 = tpu.memref_slice %arg16[%add3A_67, %dma_wait3A_233] : memref<20000x64xf32, #tpu.memory_space<hbm>> -> memref<125x64xf32, #tpu.memory_space<hbm>>
      tpu.wait_dma2 semaphore(%run_scoped3A : memref<!tpu.dma_semaphore, #tpu.memory_space<semaphore_mem>>) src(%arg22 : memref<125x64xf32, #tpu.memory_space<vmem>>) dst(%dma_wait3A_234 : memref<125x64xf32, #tpu.memory_space<hbm>>)
      tpu.yield
    }) : () -> ()
    %mul3A_68 = arith.constant 64 : i32
    %mul3A_69 = arith.muli %arg0, %mul3A_68 : i32
    %dma_start3A_70 = tpu.memref_slice %arg2[%add3A_9, %mul3A_69] : memref<10000x128xf32, #tpu.memory_space<hbm>> -> memref<125x64xf32, #tpu.memory_space<hbm>>
    %dma_start3A_71 = tpu.memref_slice %arg2[%add3A_9, %mul3A_69] : memref<10000x128xf32, #tpu.memory_space<hbm>> -> memref<125x64xf32, #tpu.memory_space<hbm>>
    tpu.enqueue_dma source(%dma_start3A_71 : memref<125x64xf32, #tpu.memory_space<hbm>>) target(%arg22 : memref<125x64xf32, #tpu.memory_space<vmem>>) target_semaphore(%arg30 : memref<!tpu.dma_semaphore, #tpu.memory_space<semaphore_mem>>)
    %mul3A_72 = arith.constant 64 : i32
    %mul3A_73 = arith.muli %arg0, %mul3A_72 : i32
    %dma_wait3A_74 = tpu.memref_slice %arg2[%add3A_5, %mul3A_73] : memref<10000x128xf32, #tpu.memory_space<hbm>> -> memref<125x64xf32, #tpu.memory_space<hbm>>
    %dma_wait3A_75 = tpu.memref_slice %arg2[%add3A_5, %mul3A_73] : memref<10000x128xf32, #tpu.memory_space<hbm>> -> memref<125x64xf32, #tpu.memory_space<hbm>>
    tpu.wait_dma2 semaphore(%arg31 : memref<!tpu.dma_semaphore, #tpu.memory_space<semaphore_mem>>) src(%dma_wait3A_75 : memref<125x64xf32, #tpu.memory_space<hbm>>) dst(%arg23 : memref<125x64xf32, #tpu.memory_space<vmem>>)
    %mul3A_76 = arith.constant 10000 : i32
    %mul3A_77 = arith.muli %arg0, %mul3A_76 : i32
    %add3A_78 = arith.addi %mul3A_77, %add3A_5 : i32
    "tpu.region"() ({
      %run_scoped3A = tpu.sem_alloc : memref<!tpu.dma_semaphore, #tpu.memory_space<semaphore_mem>>
      %dma_start3A_227 = arith.constant 0 : i32
      %dma_start3A_228 = tpu.memref_slice %arg15[%add3A_78, %dma_start3A_227] : memref<20000x64xf32, #tpu.memory_space<hbm>> -> memref<125x64xf32, #tpu.memory_space<hbm>>
      %dma_start3A_229 = arith.constant 0 : i32
      %dma_start3A_230 = tpu.memref_slice %arg15[%add3A_78, %dma_start3A_229] : memref<20000x64xf32, #tpu.memory_space<hbm>> -> memref<125x64xf32, #tpu.memory_space<hbm>>
      tpu.enqueue_dma source(%arg23 : memref<125x64xf32, #tpu.memory_space<vmem>>) target(%dma_start3A_230 : memref<125x64xf32, #tpu.memory_space<hbm>>) target_semaphore(%run_scoped3A : memref<!tpu.dma_semaphore, #tpu.memory_space<semaphore_mem>>)
      %dma_wait3A_231 = arith.constant 0 : i32
      %dma_wait3A_232 = tpu.memref_slice %arg15[%add3A_78, %dma_wait3A_231] : memref<20000x64xf32, #tpu.memory_space<hbm>> -> memref<125x64xf32, #tpu.memory_space<hbm>>
      %dma_wait3A_233 = arith.constant 0 : i32
      %dma_wait3A_234 = tpu.memref_slice %arg15[%add3A_78, %dma_wait3A_233] : memref<20000x64xf32, #tpu.memory_space<hbm>> -> memref<125x64xf32, #tpu.memory_space<hbm>>
      tpu.wait_dma2 semaphore(%run_scoped3A : memref<!tpu.dma_semaphore, #tpu.memory_space<semaphore_mem>>) src(%arg23 : memref<125x64xf32, #tpu.memory_space<vmem>>) dst(%dma_wait3A_234 : memref<125x64xf32, #tpu.memory_space<hbm>>)
      tpu.yield
    }) : () -> ()
    %mul3A_79 = arith.constant 64 : i32
    %mul3A_80 = arith.muli %arg0, %mul3A_79 : i32
    %dma_start3A_81 = tpu.memref_slice %arg3[%add3A_9, %mul3A_80] : memref<10000x128xf32, #tpu.memory_space<hbm>> -> memref<125x64xf32, #tpu.memory_space<hbm>>
    %dma_start3A_82 = tpu.memref_slice %arg3[%add3A_9, %mul3A_80] : memref<10000x128xf32, #tpu.memory_space<hbm>> -> memref<125x64xf32, #tpu.memory_space<hbm>>
    tpu.enqueue_dma source(%dma_start3A_82 : memref<125x64xf32, #tpu.memory_space<hbm>>) target(%arg23 : memref<125x64xf32, #tpu.memory_space<vmem>>) target_semaphore(%arg31 : memref<!tpu.dma_semaphore, #tpu.memory_space<semaphore_mem>>)
    %mul3A_83 = arith.constant 64 : i32
    %mul3A_84 = arith.muli %arg0, %mul3A_83 : i32
    %dma_wait3A_85 = tpu.memref_slice %arg3[%add3A_5, %mul3A_84] : memref<10000x128xf32, #tpu.memory_space<hbm>> -> memref<125x64xf32, #tpu.memory_space<hbm>>
    %dma_wait3A_86 = tpu.memref_slice %arg3[%add3A_5, %mul3A_84] : memref<10000x128xf32, #tpu.memory_space<hbm>> -> memref<125x64xf32, #tpu.memory_space<hbm>>
    tpu.wait_dma2 semaphore(%arg27 : memref<!tpu.dma_semaphore, #tpu.memory_space<semaphore_mem>>) src(%dma_wait3A_86 : memref<125x64xf32, #tpu.memory_space<hbm>>) dst(%arg19 : memref<125x64xf32, #tpu.memory_space<vmem>>)
    %mul3A_87 = arith.constant 10000 : i32
    %mul3A_88 = arith.muli %arg0, %mul3A_87 : i32
    %add3A_89 = arith.addi %mul3A_88, %add3A_5 : i32
    "tpu.region"() ({
      %run_scoped3A = tpu.sem_alloc : memref<!tpu.dma_semaphore, #tpu.memory_space<semaphore_mem>>
      %dma_start3A_227 = arith.constant 0 : i32
      %dma_start3A_228 = tpu.memref_slice %arg16[%add3A_89, %dma_start3A_227] : memref<20000x64xf32, #tpu.memory_space<hbm>> -> memref<125x64xf32, #tpu.memory_space<hbm>>
      %dma_start3A_229 = arith.constant 0 : i32
      %dma_start3A_230 = tpu.memref_slice %arg16[%add3A_89, %dma_start3A_229] : memref<20000x64xf32, #tpu.memory_space<hbm>> -> memref<125x64xf32, #tpu.memory_space<hbm>>
      tpu.enqueue_dma source(%arg19 : memref<125x64xf32, #tpu.memory_space<vmem>>) target(%dma_start3A_230 : memref<125x64xf32, #tpu.memory_space<hbm>>) target_semaphore(%run_scoped3A : memref<!tpu.dma_semaphore, #tpu.memory_space<semaphore_mem>>)
      %dma_wait3A_231 = arith.constant 0 : i32
      %dma_wait3A_232 = tpu.memref_slice %arg16[%add3A_89, %dma_wait3A_231] : memref<20000x64xf32, #tpu.memory_space<hbm>> -> memref<125x64xf32, #tpu.memory_space<hbm>>
      %dma_wait3A_233 = arith.constant 0 : i32
      %dma_wait3A_234 = tpu.memref_slice %arg16[%add3A_89, %dma_wait3A_233] : memref<20000x64xf32, #tpu.memory_space<hbm>> -> memref<125x64xf32, #tpu.memory_space<hbm>>
      tpu.wait_dma2 semaphore(%run_scoped3A : memref<!tpu.dma_semaphore, #tpu.memory_space<semaphore_mem>>) src(%arg19 : memref<125x64xf32, #tpu.memory_space<vmem>>) dst(%dma_wait3A_234 : memref<125x64xf32, #tpu.memory_space<hbm>>)
      tpu.yield
    }) : () -> ()
    %mul3A_90 = arith.constant 64 : i32
    %mul3A_91 = arith.muli %arg0, %mul3A_90 : i32
    %dma_wait3A_92 = tpu.memref_slice %arg2[%add3A_7, %mul3A_91] : memref<10000x128xf32, #tpu.memory_space<hbm>> -> memref<125x64xf32, #tpu.memory_space<hbm>>
    %dma_wait3A_93 = tpu.memref_slice %arg2[%add3A_7, %mul3A_91] : memref<10000x128xf32, #tpu.memory_space<hbm>> -> memref<125x64xf32, #tpu.memory_space<hbm>>
    tpu.wait_dma2 semaphore(%arg28 : memref<!tpu.dma_semaphore, #tpu.memory_space<semaphore_mem>>) src(%dma_wait3A_93 : memref<125x64xf32, #tpu.memory_space<hbm>>) dst(%arg20 : memref<125x64xf32, #tpu.memory_space<vmem>>)
    %mul3A_94 = arith.constant 10000 : i32
    %mul3A_95 = arith.muli %arg0, %mul3A_94 : i32
    %add3A_96 = arith.addi %mul3A_95, %add3A_7 : i32
    "tpu.region"() ({
      %run_scoped3A = tpu.sem_alloc : memref<!tpu.dma_semaphore, #tpu.memory_space<semaphore_mem>>
      %dma_start3A_227 = arith.constant 0 : i32
      %dma_start3A_228 = tpu.memref_slice %arg15[%add3A_96, %dma_start3A_227] : memref<20000x64xf32, #tpu.memory_space<hbm>> -> memref<125x64xf32, #tpu.memory_space<hbm>>
      %dma_start3A_229 = arith.constant 0 : i32
      %dma_start3A_230 = tpu.memref_slice %arg15[%add3A_96, %dma_start3A_229] : memref<20000x64xf32, #tpu.memory_space<hbm>> -> memref<125x64xf32, #tpu.memory_space<hbm>>
      tpu.enqueue_dma source(%arg20 : memref<125x64xf32, #tpu.memory_space<vmem>>) target(%dma_start3A_230 : memref<125x64xf32, #tpu.memory_space<hbm>>) target_semaphore(%run_scoped3A : memref<!tpu.dma_semaphore, #tpu.memory_space<semaphore_mem>>)
      %dma_wait3A_231 = arith.constant 0 : i32
      %dma_wait3A_232 = tpu.memref_slice %arg15[%add3A_96, %dma_wait3A_231] : memref<20000x64xf32, #tpu.memory_space<hbm>> -> memref<125x64xf32, #tpu.memory_space<hbm>>
      %dma_wait3A_233 = arith.constant 0 : i32
      %dma_wait3A_234 = tpu.memref_slice %arg15[%add3A_96, %dma_wait3A_233] : memref<20000x64xf32, #tpu.memory_space<hbm>> -> memref<125x64xf32, #tpu.memory_space<hbm>>
      tpu.wait_dma2 semaphore(%run_scoped3A : memref<!tpu.dma_semaphore, #tpu.memory_space<semaphore_mem>>) src(%arg20 : memref<125x64xf32, #tpu.memory_space<vmem>>) dst(%dma_wait3A_234 : memref<125x64xf32, #tpu.memory_space<hbm>>)
      tpu.yield
    }) : () -> ()
    %mul3A_97 = arith.constant 64 : i32
    %mul3A_98 = arith.muli %arg0, %mul3A_97 : i32
    %dma_wait3A_99 = tpu.memref_slice %arg3[%add3A_7, %mul3A_98] : memref<10000x128xf32, #tpu.memory_space<hbm>> -> memref<125x64xf32, #tpu.memory_space<hbm>>
    %dma_wait3A_100 = tpu.memref_slice %arg3[%add3A_7, %mul3A_98] : memref<10000x128xf32, #tpu.memory_space<hbm>> -> memref<125x64xf32, #tpu.memory_space<hbm>>
    tpu.wait_dma2 semaphore(%arg29 : memref<!tpu.dma_semaphore, #tpu.memory_space<semaphore_mem>>) src(%dma_wait3A_100 : memref<125x64xf32, #tpu.memory_space<hbm>>) dst(%arg21 : memref<125x64xf32, #tpu.memory_space<vmem>>)
    %mul3A_101 = arith.constant 10000 : i32
    %mul3A_102 = arith.muli %arg0, %mul3A_101 : i32
    %add3A_103 = arith.addi %mul3A_102, %add3A_7 : i32
    "tpu.region"() ({
      %run_scoped3A = tpu.sem_alloc : memref<!tpu.dma_semaphore, #tpu.memory_space<semaphore_mem>>
      %dma_start3A_227 = arith.constant 0 : i32
      %dma_start3A_228 = tpu.memref_slice %arg16[%add3A_103, %dma_start3A_227] : memref<20000x64xf32, #tpu.memory_space<hbm>> -> memref<125x64xf32, #tpu.memory_space<hbm>>
      %dma_start3A_229 = arith.constant 0 : i32
      %dma_start3A_230 = tpu.memref_slice %arg16[%add3A_103, %dma_start3A_229] : memref<20000x64xf32, #tpu.memory_space<hbm>> -> memref<125x64xf32, #tpu.memory_space<hbm>>
      tpu.enqueue_dma source(%arg21 : memref<125x64xf32, #tpu.memory_space<vmem>>) target(%dma_start3A_230 : memref<125x64xf32, #tpu.memory_space<hbm>>) target_semaphore(%run_scoped3A : memref<!tpu.dma_semaphore, #tpu.memory_space<semaphore_mem>>)
      %dma_wait3A_231 = arith.constant 0 : i32
      %dma_wait3A_232 = tpu.memref_slice %arg16[%add3A_103, %dma_wait3A_231] : memref<20000x64xf32, #tpu.memory_space<hbm>> -> memref<125x64xf32, #tpu.memory_space<hbm>>
      %dma_wait3A_233 = arith.constant 0 : i32
      %dma_wait3A_234 = tpu.memref_slice %arg16[%add3A_103, %dma_wait3A_233] : memref<20000x64xf32, #tpu.memory_space<hbm>> -> memref<125x64xf32, #tpu.memory_space<hbm>>
      tpu.wait_dma2 semaphore(%run_scoped3A : memref<!tpu.dma_semaphore, #tpu.memory_space<semaphore_mem>>) src(%arg21 : memref<125x64xf32, #tpu.memory_space<vmem>>) dst(%dma_wait3A_234 : memref<125x64xf32, #tpu.memory_space<hbm>>)
      tpu.yield
    }) : () -> ()
    %mul3A_104 = arith.constant 64 : i32
    %mul3A_105 = arith.muli %arg0, %mul3A_104 : i32
    %dma_wait3A_106 = tpu.memref_slice %arg2[%add3A_9, %mul3A_105] : memref<10000x128xf32, #tpu.memory_space<hbm>> -> memref<125x64xf32, #tpu.memory_space<hbm>>
    %dma_wait3A_107 = tpu.memref_slice %arg2[%add3A_9, %mul3A_105] : memref<10000x128xf32, #tpu.memory_space<hbm>> -> memref<125x64xf32, #tpu.memory_space<hbm>>
    tpu.wait_dma2 semaphore(%arg30 : memref<!tpu.dma_semaphore, #tpu.memory_space<semaphore_mem>>) src(%dma_wait3A_107 : memref<125x64xf32, #tpu.memory_space<hbm>>) dst(%arg22 : memref<125x64xf32, #tpu.memory_space<vmem>>)
    %mul3A_108 = arith.constant 10000 : i32
    %mul3A_109 = arith.muli %arg0, %mul3A_108 : i32
    %add3A_110 = arith.addi %mul3A_109, %add3A_9 : i32
    "tpu.region"() ({
      %run_scoped3A = tpu.sem_alloc : memref<!tpu.dma_semaphore, #tpu.memory_space<semaphore_mem>>
      %dma_start3A_227 = arith.constant 0 : i32
      %dma_start3A_228 = tpu.memref_slice %arg15[%add3A_110, %dma_start3A_227] : memref<20000x64xf32, #tpu.memory_space<hbm>> -> memref<125x64xf32, #tpu.memory_space<hbm>>
      %dma_start3A_229 = arith.constant 0 : i32
      %dma_start3A_230 = tpu.memref_slice %arg15[%add3A_110, %dma_start3A_229] : memref<20000x64xf32, #tpu.memory_space<hbm>> -> memref<125x64xf32, #tpu.memory_space<hbm>>
      tpu.enqueue_dma source(%arg22 : memref<125x64xf32, #tpu.memory_space<vmem>>) target(%dma_start3A_230 : memref<125x64xf32, #tpu.memory_space<hbm>>) target_semaphore(%run_scoped3A : memref<!tpu.dma_semaphore, #tpu.memory_space<semaphore_mem>>)
      %dma_wait3A_231 = arith.constant 0 : i32
      %dma_wait3A_232 = tpu.memref_slice %arg15[%add3A_110, %dma_wait3A_231] : memref<20000x64xf32, #tpu.memory_space<hbm>> -> memref<125x64xf32, #tpu.memory_space<hbm>>
      %dma_wait3A_233 = arith.constant 0 : i32
      %dma_wait3A_234 = tpu.memref_slice %arg15[%add3A_110, %dma_wait3A_233] : memref<20000x64xf32, #tpu.memory_space<hbm>> -> memref<125x64xf32, #tpu.memory_space<hbm>>
      tpu.wait_dma2 semaphore(%run_scoped3A : memref<!tpu.dma_semaphore, #tpu.memory_space<semaphore_mem>>) src(%arg22 : memref<125x64xf32, #tpu.memory_space<vmem>>) dst(%dma_wait3A_234 : memref<125x64xf32, #tpu.memory_space<hbm>>)
      tpu.yield
    }) : () -> ()
    %mul3A_111 = arith.constant 64 : i32
    %mul3A_112 = arith.muli %arg0, %mul3A_111 : i32
    %dma_wait3A_113 = tpu.memref_slice %arg3[%add3A_9, %mul3A_112] : memref<10000x128xf32, #tpu.memory_space<hbm>> -> memref<125x64xf32, #tpu.memory_space<hbm>>
    %dma_wait3A_114 = tpu.memref_slice %arg3[%add3A_9, %mul3A_112] : memref<10000x128xf32, #tpu.memory_space<hbm>> -> memref<125x64xf32, #tpu.memory_space<hbm>>
    tpu.wait_dma2 semaphore(%arg31 : memref<!tpu.dma_semaphore, #tpu.memory_space<semaphore_mem>>) src(%dma_wait3A_114 : memref<125x64xf32, #tpu.memory_space<hbm>>) dst(%arg23 : memref<125x64xf32, #tpu.memory_space<vmem>>)
    %mul3A_115 = arith.constant 10000 : i32
    %mul3A_116 = arith.muli %arg0, %mul3A_115 : i32
    %add3A_117 = arith.addi %mul3A_116, %add3A_9 : i32
    "tpu.region"() ({
      %run_scoped3A = tpu.sem_alloc : memref<!tpu.dma_semaphore, #tpu.memory_space<semaphore_mem>>
      %dma_start3A_227 = arith.constant 0 : i32
      %dma_start3A_228 = tpu.memref_slice %arg16[%add3A_117, %dma_start3A_227] : memref<20000x64xf32, #tpu.memory_space<hbm>> -> memref<125x64xf32, #tpu.memory_space<hbm>>
      %dma_start3A_229 = arith.constant 0 : i32
      %dma_start3A_230 = tpu.memref_slice %arg16[%add3A_117, %dma_start3A_229] : memref<20000x64xf32, #tpu.memory_space<hbm>> -> memref<125x64xf32, #tpu.memory_space<hbm>>
      tpu.enqueue_dma source(%arg23 : memref<125x64xf32, #tpu.memory_space<vmem>>) target(%dma_start3A_230 : memref<125x64xf32, #tpu.memory_space<hbm>>) target_semaphore(%run_scoped3A : memref<!tpu.dma_semaphore, #tpu.memory_space<semaphore_mem>>)
      %dma_wait3A_231 = arith.constant 0 : i32
      %dma_wait3A_232 = tpu.memref_slice %arg16[%add3A_117, %dma_wait3A_231] : memref<20000x64xf32, #tpu.memory_space<hbm>> -> memref<125x64xf32, #tpu.memory_space<hbm>>
      %dma_wait3A_233 = arith.constant 0 : i32
      %dma_wait3A_234 = tpu.memref_slice %arg16[%add3A_117, %dma_wait3A_233] : memref<20000x64xf32, #tpu.memory_space<hbm>> -> memref<125x64xf32, #tpu.memory_space<hbm>>
      tpu.wait_dma2 semaphore(%run_scoped3A : memref<!tpu.dma_semaphore, #tpu.memory_space<semaphore_mem>>) src(%arg23 : memref<125x64xf32, #tpu.memory_space<vmem>>) dst(%dma_wait3A_234 : memref<125x64xf32, #tpu.memory_space<hbm>>)
      tpu.yield
    }) : () -> ()
    %barrier3A = arith.constant 0 : index
    tpu.barrier barrier_id(%barrier3A)
    "tpu.region"() ({
      %run_scoped3A = tpu.sem_alloc : memref<!tpu.dma_semaphore, #tpu.memory_space<semaphore_mem>>
      %dma_start3A_227 = arith.constant 0 : i32
      %dma_start3A_228 = arith.constant 0 : i32
      %dma_start3A_229 = tpu.memref_slice %arg4[%arg0, %arg1, %dma_start3A_227, %dma_start3A_228] : memref<2x16x80x125xi32, #tpu.memory_space<hbm>> -> memref<1x1x80x125xi32, #tpu.memory_space<hbm>>
      %dma_start3A_230 = tpu.memref_squeeze %dma_start3A_229 : memref<1x1x80x125xi32, #tpu.memory_space<hbm>> -> memref<80x125xi32, #tpu.memory_space<hbm>>
      %dma_start3A_231 = arith.constant 0 : i32
      %dma_start3A_232 = arith.constant 0 : i32
      %dma_start3A_233 = tpu.memref_slice %arg4[%arg0, %arg1, %dma_start3A_231, %dma_start3A_232] : memref<2x16x80x125xi32, #tpu.memory_space<hbm>> -> memref<1x1x80x125xi32, #tpu.memory_space<hbm>>
      %dma_start3A_234 = tpu.memref_squeeze %dma_start3A_233 : memref<1x1x80x125xi32, #tpu.memory_space<hbm>> -> memref<80x125xi32, #tpu.memory_space<hbm>>
      tpu.enqueue_dma source(%dma_start3A_234 : memref<80x125xi32, #tpu.memory_space<hbm>>) target(%arg17 : memref<80x125xi32, #tpu.memory_space<vmem>>) target_semaphore(%run_scoped3A : memref<!tpu.dma_semaphore, #tpu.memory_space<semaphore_mem>>)
      %dma_wait3A_235 = arith.constant 0 : i32
      %dma_wait3A_236 = arith.constant 0 : i32
      %dma_wait3A_237 = tpu.memref_slice %arg4[%arg0, %arg1, %dma_wait3A_235, %dma_wait3A_236] : memref<2x16x80x125xi32, #tpu.memory_space<hbm>> -> memref<1x1x80x125xi32, #tpu.memory_space<hbm>>
      %dma_wait3A_238 = tpu.memref_squeeze %dma_wait3A_237 : memref<1x1x80x125xi32, #tpu.memory_space<hbm>> -> memref<80x125xi32, #tpu.memory_space<hbm>>
      %dma_wait3A_239 = arith.constant 0 : i32
      %dma_wait3A_240 = arith.constant 0 : i32
      %dma_wait3A_241 = tpu.memref_slice %arg4[%arg0, %arg1, %dma_wait3A_239, %dma_wait3A_240] : memref<2x16x80x125xi32, #tpu.memory_space<hbm>> -> memref<1x1x80x125xi32, #tpu.memory_space<hbm>>
      %dma_wait3A_242 = tpu.memref_squeeze %dma_wait3A_241 : memref<1x1x80x125xi32, #tpu.memory_space<hbm>> -> memref<80x125xi32, #tpu.memory_space<hbm>>
      tpu.wait_dma2 semaphore(%run_scoped3A : memref<!tpu.dma_semaphore, #tpu.memory_space<semaphore_mem>>) src(%dma_wait3A_242 : memref<80x125xi32, #tpu.memory_space<hbm>>) dst(%arg17 : memref<80x125xi32, #tpu.memory_space<vmem>>)
      tpu.yield
    }) : () -> ()
    "tpu.region"() ({
      %run_scoped3A = tpu.sem_alloc : memref<!tpu.dma_semaphore, #tpu.memory_space<semaphore_mem>>
      %dma_start3A_227 = arith.constant 0 : i32
      %dma_start3A_228 = arith.constant 0 : i32
      %dma_start3A_229 = tpu.memref_slice %arg5[%arg1, %dma_start3A_227, %dma_start3A_228] : memref<16x80x125xi32, #tpu.memory_space<hbm>> -> memref<1x80x125xi32, #tpu.memory_space<hbm>>
      %dma_start3A_230 = tpu.memref_squeeze %dma_start3A_229 : memref<1x80x125xi32, #tpu.memory_space<hbm>> -> memref<80x125xi32, #tpu.memory_space<hbm>>
      %dma_start3A_231 = arith.constant 0 : i32
      %dma_start3A_232 = arith.constant 0 : i32
      %dma_start3A_233 = tpu.memref_slice %arg5[%arg1, %dma_start3A_231, %dma_start3A_232] : memref<16x80x125xi32, #tpu.memory_space<hbm>> -> memref<1x80x125xi32, #tpu.memory_space<hbm>>
      %dma_start3A_234 = tpu.memref_squeeze %dma_start3A_233 : memref<1x80x125xi32, #tpu.memory_space<hbm>> -> memref<80x125xi32, #tpu.memory_space<hbm>>
      tpu.enqueue_dma source(%dma_start3A_234 : memref<80x125xi32, #tpu.memory_space<hbm>>) target(%arg18 : memref<80x125xi32, #tpu.memory_space<vmem>>) target_semaphore(%run_scoped3A : memref<!tpu.dma_semaphore, #tpu.memory_space<semaphore_mem>>)
      %dma_wait3A_235 = arith.constant 0 : i32
      %dma_wait3A_236 = arith.constant 0 : i32
      %dma_wait3A_237 = tpu.memref_slice %arg5[%arg1, %dma_wait3A_235, %dma_wait3A_236] : memref<16x80x125xi32, #tpu.memory_space<hbm>> -> memref<1x80x125xi32, #tpu.memory_space<hbm>>
      %dma_wait3A_238 = tpu.memref_squeeze %dma_wait3A_237 : memref<1x80x125xi32, #tpu.memory_space<hbm>> -> memref<80x125xi32, #tpu.memory_space<hbm>>
      %dma_wait3A_239 = arith.constant 0 : i32
      %dma_wait3A_240 = arith.constant 0 : i32
      %dma_wait3A_241 = tpu.memref_slice %arg5[%arg1, %dma_wait3A_239, %dma_wait3A_240] : memref<16x80x125xi32, #tpu.memory_space<hbm>> -> memref<1x80x125xi32, #tpu.memory_space<hbm>>
      %dma_wait3A_242 = tpu.memref_squeeze %dma_wait3A_241 : memref<1x80x125xi32, #tpu.memory_space<hbm>> -> memref<80x125xi32, #tpu.memory_space<hbm>>
      tpu.wait_dma2 semaphore(%run_scoped3A : memref<!tpu.dma_semaphore, #tpu.memory_space<semaphore_mem>>) src(%dma_wait3A_242 : memref<80x125xi32, #tpu.memory_space<hbm>>) dst(%arg18 : memref<80x125xi32, #tpu.memory_space<vmem>>)
      tpu.yield
    }) : () -> ()
    %eq3A = arith.constant 0 : i32
    %eq3A_118 = arith.cmpi eq, %arg0, %eq3A : i32
    %dma_start3A_119 = arith.constant 0 : i32
    %dma_start3A_120 = arith.constant 0 : i32
    %dma_start3A_121 = tpu.memref_slice %arg17[%dma_start3A_119, %dma_start3A_120] : memref<80x125xi32, #tpu.memory_space<vmem>> -> memref<1x125xi32, #tpu.memory_space<vmem>>
    %dma_start3A_122 = tpu.memref_squeeze %dma_start3A_121 : memref<1x125xi32, #tpu.memory_space<vmem>> -> memref<125xi32, #tpu.memory_space<vmem>>
    %dma_start3A_123 = arith.constant 0 : i32
    %dma_start3A_124 = arith.constant 0 : i32
    %dma_start3A_125 = tpu.memref_slice %arg15[%dma_start3A_123, %dma_start3A_124] : memref<20000x64xf32, #tpu.memory_space<hbm>> -> memref<20000x64xf32, #tpu.memory_space<hbm>>
    tpu.enqueue_indirect_dma source(%dma_start3A_125 : memref<20000x64xf32, #tpu.memory_space<hbm>>) target(%arg19 : memref<125x64xf32, #tpu.memory_space<vmem>>) offsets(%dma_start3A_122 : memref<125xi32, #tpu.memory_space<vmem>>) semaphore(%arg27 : memref<!tpu.dma_semaphore, #tpu.memory_space<semaphore_mem>>)
    %dma_start3A_126 = arith.constant 1 : i32
    %dma_start3A_127 = arith.constant 0 : i32
    %dma_start3A_128 = tpu.memref_slice %arg17[%dma_start3A_126, %dma_start3A_127] : memref<80x125xi32, #tpu.memory_space<vmem>> -> memref<1x125xi32, #tpu.memory_space<vmem>>
    %dma_start3A_129 = tpu.memref_squeeze %dma_start3A_128 : memref<1x125xi32, #tpu.memory_space<vmem>> -> memref<125xi32, #tpu.memory_space<vmem>>
    %dma_start3A_130 = arith.constant 0 : i32
    %dma_start3A_131 = arith.constant 0 : i32
    %dma_start3A_132 = tpu.memref_slice %arg15[%dma_start3A_130, %dma_start3A_131] : memref<20000x64xf32, #tpu.memory_space<hbm>> -> memref<20000x64xf32, #tpu.memory_space<hbm>>
    tpu.enqueue_indirect_dma source(%dma_start3A_132 : memref<20000x64xf32, #tpu.memory_space<hbm>>) target(%arg20 : memref<125x64xf32, #tpu.memory_space<vmem>>) offsets(%dma_start3A_129 : memref<125xi32, #tpu.memory_space<vmem>>) semaphore(%arg28 : memref<!tpu.dma_semaphore, #tpu.memory_space<semaphore_mem>>)
    %scan3A = arith.constant 0 : i32
    %scan3A_133 = arith.constant 0 : i32
    %scan3A_134 = arith.constant 16 : i32
    %scan3A_135 = arith.addi %scan3A_133, %scan3A_134 : i32
    %scan3A_136 = arith.constant 1 : i32
    scf.for %scan3A_227 = %scan3A_133 to %scan3A_135 step %scan3A_136  : i32 {
      %mul3A_228 = arith.constant 5 : i32
      %mul3A_229 = arith.muli %mul3A_228, %scan3A_227 : i32
      %add3A_230 = arith.constant 0 : i32
      %add3A_231 = arith.addi %mul3A_229, %add3A_230 : i32
      %ge3A = arith.constant 3 : i32
      %ge3A_232 = arith.cmpi sge, %add3A_231, %ge3A : i32
      %convert_element_type3A_233 = arith.extui %ge3A_232 : i1 to i32
      %cond3A_234 = arith.constant 0 : i32
      %cond3A_235 = arith.cmpi ne, %convert_element_type3A_233, %cond3A_234 : i32
      scf.if %cond3A_235 {
        %sub3A_392 = arith.constant 3 : i32
        %sub3A_393 = arith.subi %add3A_231, %sub3A_392 : i32
        %dma_wait3A_394 = arith.constant 0 : i32
        %dma_wait3A_395 = tpu.memref_slice %arg18[%sub3A_393, %dma_wait3A_394] : memref<80x125xi32, #tpu.memory_space<vmem>> -> memref<1x125xi32, #tpu.memory_space<vmem>>
        %dma_wait3A_396 = tpu.memref_squeeze %dma_wait3A_395 : memref<1x125xi32, #tpu.memory_space<vmem>> -> memref<125xi32, #tpu.memory_space<vmem>>
        %dma_wait3A_397 = arith.constant 0 : i32
        %dma_wait3A_398 = arith.constant 0 : i32
        %dma_wait3A_399 = tpu.memref_slice %arg25[%dma_wait3A_397, %dma_wait3A_398] : memref<10000x64xf32, #tpu.memory_space<vmem_shared>> -> memref<10000x64xf32, #tpu.memory_space<vmem_shared>>
        tpu.wait_indirect_dma semaphore(%arg34 : memref<!tpu.dma_semaphore, #tpu.memory_space<semaphore_mem>>) src(%arg21 : memref<125x64xf32, #tpu.memory_space<vmem>>) dst(%dma_wait3A_399 : memref<10000x64xf32, #tpu.memory_space<vmem_shared>>)
        %convert_element_type3A_400 = arith.extui %eq3A_118 : i1 to i32
        %cond3A_401 = arith.constant 0 : i32
        %cond3A_402 = arith.cmpi ne, %convert_element_type3A_400, %cond3A_401 : i32
        scf.if %cond3A_402 {
          %dma_wait3A_403 = arith.constant 0 : i32
          %dma_wait3A_404 = tpu.memref_slice %arg18[%sub3A_393, %dma_wait3A_403] : memref<80x125xi32, #tpu.memory_space<vmem>> -> memref<1x125xi32, #tpu.memory_space<vmem>>
          %dma_wait3A_405 = tpu.memref_squeeze %dma_wait3A_404 : memref<1x125xi32, #tpu.memory_space<vmem>> -> memref<125xi32, #tpu.memory_space<vmem>>
          %dma_wait3A_406 = arith.constant 0 : i32
          %dma_wait3A_407 = arith.constant 0 : i32
          %dma_wait3A_408 = tpu.memref_slice %arg26[%dma_wait3A_406, %dma_wait3A_407] : memref<10000x16xf32, #tpu.memory_space<vmem_shared>> -> memref<10000x16xf32, #tpu.memory_space<vmem_shared>>
          tpu.wait_indirect_dma semaphore(%arg37 : memref<!tpu.dma_semaphore, #tpu.memory_space<semaphore_mem>>) src(%arg24 : memref<125x16xf32, #tpu.memory_space<vmem>>) dst(%dma_wait3A_408 : memref<10000x16xf32, #tpu.memory_space<vmem_shared>>)
        } else {
        }
      } else {
      }
      %add3A_236 = arith.constant 2 : i32
      %add3A_237 = arith.addi %add3A_231, %add3A_236 : i32
      %lt3A = arith.constant 80 : i32
      %lt3A_238 = arith.cmpi slt, %add3A_237, %lt3A : i32
      %convert_element_type3A_239 = arith.extui %lt3A_238 : i1 to i32
      %cond3A_240 = arith.constant 0 : i32
      %cond3A_241 = arith.cmpi ne, %convert_element_type3A_239, %cond3A_240 : i32
      scf.if %cond3A_241 {
        %add3A_392 = arith.constant 2 : i32
        %add3A_393 = arith.addi %add3A_231, %add3A_392 : i32
        %dma_start3A_394 = arith.constant 0 : i32
        %dma_start3A_395 = tpu.memref_slice %arg17[%add3A_393, %dma_start3A_394] : memref<80x125xi32, #tpu.memory_space<vmem>> -> memref<1x125xi32, #tpu.memory_space<vmem>>
        %dma_start3A_396 = tpu.memref_squeeze %dma_start3A_395 : memref<1x125xi32, #tpu.memory_space<vmem>> -> memref<125xi32, #tpu.memory_space<vmem>>
        %dma_start3A_397 = arith.constant 0 : i32
        %dma_start3A_398 = arith.constant 0 : i32
        %dma_start3A_399 = tpu.memref_slice %arg15[%dma_start3A_397, %dma_start3A_398] : memref<20000x64xf32, #tpu.memory_space<hbm>> -> memref<20000x64xf32, #tpu.memory_space<hbm>>
        tpu.enqueue_indirect_dma source(%dma_start3A_399 : memref<20000x64xf32, #tpu.memory_space<hbm>>) target(%arg21 : memref<125x64xf32, #tpu.memory_space<vmem>>) offsets(%dma_start3A_396 : memref<125xi32, #tpu.memory_space<vmem>>) semaphore(%arg29 : memref<!tpu.dma_semaphore, #tpu.memory_space<semaphore_mem>>)
      } else {
      }
      %dma_wait3A_242 = arith.constant 0 : i32
      %dma_wait3A_243 = tpu.memref_slice %arg17[%add3A_231, %dma_wait3A_242] : memref<80x125xi32, #tpu.memory_space<vmem>> -> memref<1x125xi32, #tpu.memory_space<vmem>>
      %dma_wait3A_244 = tpu.memref_squeeze %dma_wait3A_243 : memref<1x125xi32, #tpu.memory_space<vmem>> -> memref<125xi32, #tpu.memory_space<vmem>>
      %dma_wait3A_245 = arith.constant 0 : i32
      %dma_wait3A_246 = arith.constant 0 : i32
      %dma_wait3A_247 = tpu.memref_slice %arg15[%dma_wait3A_245, %dma_wait3A_246] : memref<20000x64xf32, #tpu.memory_space<hbm>> -> memref<20000x64xf32, #tpu.memory_space<hbm>>
      tpu.wait_indirect_dma semaphore(%arg27 : memref<!tpu.dma_semaphore, #tpu.memory_space<semaphore_mem>>) src(%dma_wait3A_247 : memref<20000x64xf32, #tpu.memory_space<hbm>>) dst(%arg19 : memref<125x64xf32, #tpu.memory_space<vmem>>)
      %dma_start3A_248 = arith.constant 0 : i32
      %dma_start3A_249 = tpu.memref_slice %arg18[%add3A_231, %dma_start3A_248] : memref<80x125xi32, #tpu.memory_space<vmem>> -> memref<1x125xi32, #tpu.memory_space<vmem>>
      %dma_start3A_250 = tpu.memref_squeeze %dma_start3A_249 : memref<1x125xi32, #tpu.memory_space<vmem>> -> memref<125xi32, #tpu.memory_space<vmem>>
      %dma_start3A_251 = arith.constant 0 : i32
      %dma_start3A_252 = arith.constant 0 : i32
      %dma_start3A_253 = tpu.memref_slice %arg25[%dma_start3A_251, %dma_start3A_252] : memref<10000x64xf32, #tpu.memory_space<vmem_shared>> -> memref<10000x64xf32, #tpu.memory_space<vmem_shared>>
      tpu.enqueue_indirect_dma source(%arg19 : memref<125x64xf32, #tpu.memory_space<vmem>>) target(%dma_start3A_253 : memref<10000x64xf32, #tpu.memory_space<vmem_shared>>) offsets(%dma_start3A_250 : memref<125xi32, #tpu.memory_space<vmem>>) semaphore(%arg32 : memref<!tpu.dma_semaphore, #tpu.memory_space<semaphore_mem>>) {add = true}
      %convert_element_type3A_254 = arith.extui %eq3A_118 : i1 to i32
      %cond3A_255 = arith.constant 0 : i32
      %cond3A_256 = arith.cmpi ne, %convert_element_type3A_254, %cond3A_255 : i32
      scf.if %cond3A_256 {
        %dma_start3A_392 = arith.constant 0 : i32
        %dma_start3A_393 = tpu.memref_slice %arg18[%add3A_231, %dma_start3A_392] : memref<80x125xi32, #tpu.memory_space<vmem>> -> memref<1x125xi32, #tpu.memory_space<vmem>>
        %dma_start3A_394 = tpu.memref_squeeze %dma_start3A_393 : memref<1x125xi32, #tpu.memory_space<vmem>> -> memref<125xi32, #tpu.memory_space<vmem>>
        %dma_start3A_395 = arith.constant 0 : i32
        %dma_start3A_396 = arith.constant 0 : i32
        %dma_start3A_397 = tpu.memref_slice %arg26[%dma_start3A_395, %dma_start3A_396] : memref<10000x16xf32, #tpu.memory_space<vmem_shared>> -> memref<10000x16xf32, #tpu.memory_space<vmem_shared>>
        tpu.enqueue_indirect_dma source(%arg24 : memref<125x16xf32, #tpu.memory_space<vmem>>) target(%dma_start3A_397 : memref<10000x16xf32, #tpu.memory_space<vmem_shared>>) offsets(%dma_start3A_394 : memref<125xi32, #tpu.memory_space<vmem>>) semaphore(%arg37 : memref<!tpu.dma_semaphore, #tpu.memory_space<semaphore_mem>>) {add = true}
      } else {
      }
      %mul3A_257 = arith.constant 5 : i32
      %mul3A_258 = arith.muli %mul3A_257, %scan3A_227 : i32
      %add3A_259 = arith.constant 1 : i32
      %add3A_260 = arith.addi %mul3A_258, %add3A_259 : i32
      %ge3A_261 = arith.constant 3 : i32
      %ge3A_262 = arith.cmpi sge, %add3A_260, %ge3A_261 : i32
      %convert_element_type3A_263 = arith.extui %ge3A_262 : i1 to i32
      %cond3A_264 = arith.constant 0 : i32
      %cond3A_265 = arith.cmpi ne, %convert_element_type3A_263, %cond3A_264 : i32
      scf.if %cond3A_265 {
        %sub3A_392 = arith.constant 3 : i32
        %sub3A_393 = arith.subi %add3A_260, %sub3A_392 : i32
        %dma_wait3A_394 = arith.constant 0 : i32
        %dma_wait3A_395 = tpu.memref_slice %arg18[%sub3A_393, %dma_wait3A_394] : memref<80x125xi32, #tpu.memory_space<vmem>> -> memref<1x125xi32, #tpu.memory_space<vmem>>
        %dma_wait3A_396 = tpu.memref_squeeze %dma_wait3A_395 : memref<1x125xi32, #tpu.memory_space<vmem>> -> memref<125xi32, #tpu.memory_space<vmem>>
        %dma_wait3A_397 = arith.constant 0 : i32
        %dma_wait3A_398 = arith.constant 0 : i32
        %dma_wait3A_399 = tpu.memref_slice %arg25[%dma_wait3A_397, %dma_wait3A_398] : memref<10000x64xf32, #tpu.memory_space<vmem_shared>> -> memref<10000x64xf32, #tpu.memory_space<vmem_shared>>
        tpu.wait_indirect_dma semaphore(%arg35 : memref<!tpu.dma_semaphore, #tpu.memory_space<semaphore_mem>>) src(%arg22 : memref<125x64xf32, #tpu.memory_space<vmem>>) dst(%dma_wait3A_399 : memref<10000x64xf32, #tpu.memory_space<vmem_shared>>)
        %convert_element_type3A_400 = arith.extui %eq3A_118 : i1 to i32
        %cond3A_401 = arith.constant 0 : i32
        %cond3A_402 = arith.cmpi ne, %convert_element_type3A_400, %cond3A_401 : i32
        scf.if %cond3A_402 {
          %dma_wait3A_403 = arith.constant 0 : i32
          %dma_wait3A_404 = tpu.memref_slice %arg18[%sub3A_393, %dma_wait3A_403] : memref<80x125xi32, #tpu.memory_space<vmem>> -> memref<1x125xi32, #tpu.memory_space<vmem>>
          %dma_wait3A_405 = tpu.memref_squeeze %dma_wait3A_404 : memref<1x125xi32, #tpu.memory_space<vmem>> -> memref<125xi32, #tpu.memory_space<vmem>>
          %dma_wait3A_406 = arith.constant 0 : i32
          %dma_wait3A_407 = arith.constant 0 : i32
          %dma_wait3A_408 = tpu.memref_slice %arg26[%dma_wait3A_406, %dma_wait3A_407] : memref<10000x16xf32, #tpu.memory_space<vmem_shared>> -> memref<10000x16xf32, #tpu.memory_space<vmem_shared>>
          tpu.wait_indirect_dma semaphore(%arg37 : memref<!tpu.dma_semaphore, #tpu.memory_space<semaphore_mem>>) src(%arg24 : memref<125x16xf32, #tpu.memory_space<vmem>>) dst(%dma_wait3A_408 : memref<10000x16xf32, #tpu.memory_space<vmem_shared>>)
        } else {
        }
      } else {
      }
      %add3A_266 = arith.constant 2 : i32
      %add3A_267 = arith.addi %add3A_260, %add3A_266 : i32
      %lt3A_268 = arith.constant 80 : i32
      %lt3A_269 = arith.cmpi slt, %add3A_267, %lt3A_268 : i32
      %convert_element_type3A_270 = arith.extui %lt3A_269 : i1 to i32
      %cond3A_271 = arith.constant 0 : i32
      %cond3A_272 = arith.cmpi ne, %convert_element_type3A_270, %cond3A_271 : i32
      scf.if %cond3A_272 {
        %add3A_392 = arith.constant 2 : i32
        %add3A_393 = arith.addi %add3A_260, %add3A_392 : i32
        %dma_start3A_394 = arith.constant 0 : i32
        %dma_start3A_395 = tpu.memref_slice %arg17[%add3A_393, %dma_start3A_394] : memref<80x125xi32, #tpu.memory_space<vmem>> -> memref<1x125xi32, #tpu.memory_space<vmem>>
        %dma_start3A_396 = tpu.memref_squeeze %dma_start3A_395 : memref<1x125xi32, #tpu.memory_space<vmem>> -> memref<125xi32, #tpu.memory_space<vmem>>
        %dma_start3A_397 = arith.constant 0 : i32
        %dma_start3A_398 = arith.constant 0 : i32
        %dma_start3A_399 = tpu.memref_slice %arg15[%dma_start3A_397, %dma_start3A_398] : memref<20000x64xf32, #tpu.memory_space<hbm>> -> memref<20000x64xf32, #tpu.memory_space<hbm>>
        tpu.enqueue_indirect_dma source(%dma_start3A_399 : memref<20000x64xf32, #tpu.memory_space<hbm>>) target(%arg22 : memref<125x64xf32, #tpu.memory_space<vmem>>) offsets(%dma_start3A_396 : memref<125xi32, #tpu.memory_space<vmem>>) semaphore(%arg30 : memref<!tpu.dma_semaphore, #tpu.memory_space<semaphore_mem>>)
      } else {
      }
      %dma_wait3A_273 = arith.constant 0 : i32
      %dma_wait3A_274 = tpu.memref_slice %arg17[%add3A_260, %dma_wait3A_273] : memref<80x125xi32, #tpu.memory_space<vmem>> -> memref<1x125xi32, #tpu.memory_space<vmem>>
      %dma_wait3A_275 = tpu.memref_squeeze %dma_wait3A_274 : memref<1x125xi32, #tpu.memory_space<vmem>> -> memref<125xi32, #tpu.memory_space<vmem>>
      %dma_wait3A_276 = arith.constant 0 : i32
      %dma_wait3A_277 = arith.constant 0 : i32
      %dma_wait3A_278 = tpu.memref_slice %arg15[%dma_wait3A_276, %dma_wait3A_277] : memref<20000x64xf32, #tpu.memory_space<hbm>> -> memref<20000x64xf32, #tpu.memory_space<hbm>>
      tpu.wait_indirect_dma semaphore(%arg28 : memref<!tpu.dma_semaphore, #tpu.memory_space<semaphore_mem>>) src(%dma_wait3A_278 : memref<20000x64xf32, #tpu.memory_space<hbm>>) dst(%arg20 : memref<125x64xf32, #tpu.memory_space<vmem>>)
      %dma_start3A_279 = arith.constant 0 : i32
      %dma_start3A_280 = tpu.memref_slice %arg18[%add3A_260, %dma_start3A_279] : memref<80x125xi32, #tpu.memory_space<vmem>> -> memref<1x125xi32, #tpu.memory_space<vmem>>
      %dma_start3A_281 = tpu.memref_squeeze %dma_start3A_280 : memref<1x125xi32, #tpu.memory_space<vmem>> -> memref<125xi32, #tpu.memory_space<vmem>>
      %dma_start3A_282 = arith.constant 0 : i32
      %dma_start3A_283 = arith.constant 0 : i32
      %dma_start3A_284 = tpu.memref_slice %arg25[%dma_start3A_282, %dma_start3A_283] : memref<10000x64xf32, #tpu.memory_space<vmem_shared>> -> memref<10000x64xf32, #tpu.memory_space<vmem_shared>>
      tpu.enqueue_indirect_dma source(%arg20 : memref<125x64xf32, #tpu.memory_space<vmem>>) target(%dma_start3A_284 : memref<10000x64xf32, #tpu.memory_space<vmem_shared>>) offsets(%dma_start3A_281 : memref<125xi32, #tpu.memory_space<vmem>>) semaphore(%arg33 : memref<!tpu.dma_semaphore, #tpu.memory_space<semaphore_mem>>) {add = true}
      %convert_element_type3A_285 = arith.extui %eq3A_118 : i1 to i32
      %cond3A_286 = arith.constant 0 : i32
      %cond3A_287 = arith.cmpi ne, %convert_element_type3A_285, %cond3A_286 : i32
      scf.if %cond3A_287 {
        %dma_start3A_392 = arith.constant 0 : i32
        %dma_start3A_393 = tpu.memref_slice %arg18[%add3A_260, %dma_start3A_392] : memref<80x125xi32, #tpu.memory_space<vmem>> -> memref<1x125xi32, #tpu.memory_space<vmem>>
        %dma_start3A_394 = tpu.memref_squeeze %dma_start3A_393 : memref<1x125xi32, #tpu.memory_space<vmem>> -> memref<125xi32, #tpu.memory_space<vmem>>
        %dma_start3A_395 = arith.constant 0 : i32
        %dma_start3A_396 = arith.constant 0 : i32
        %dma_start3A_397 = tpu.memref_slice %arg26[%dma_start3A_395, %dma_start3A_396] : memref<10000x16xf32, #tpu.memory_space<vmem_shared>> -> memref<10000x16xf32, #tpu.memory_space<vmem_shared>>
        tpu.enqueue_indirect_dma source(%arg24 : memref<125x16xf32, #tpu.memory_space<vmem>>) target(%dma_start3A_397 : memref<10000x16xf32, #tpu.memory_space<vmem_shared>>) offsets(%dma_start3A_394 : memref<125xi32, #tpu.memory_space<vmem>>) semaphore(%arg37 : memref<!tpu.dma_semaphore, #tpu.memory_space<semaphore_mem>>) {add = true}
      } else {
      }
      %mul3A_288 = arith.constant 5 : i32
      %mul3A_289 = arith.muli %mul3A_288, %scan3A_227 : i32
      %add3A_290 = arith.constant 2 : i32
      %add3A_291 = arith.addi %mul3A_289, %add3A_290 : i32
      %ge3A_292 = arith.constant 3 : i32
      %ge3A_293 = arith.cmpi sge, %add3A_291, %ge3A_292 : i32
      %convert_element_type3A_294 = arith.extui %ge3A_293 : i1 to i32
      %cond3A_295 = arith.constant 0 : i32
      %cond3A_296 = arith.cmpi ne, %convert_element_type3A_294, %cond3A_295 : i32
      scf.if %cond3A_296 {
        %sub3A_392 = arith.constant 3 : i32
        %sub3A_393 = arith.subi %add3A_291, %sub3A_392 : i32
        %dma_wait3A_394 = arith.constant 0 : i32
        %dma_wait3A_395 = tpu.memref_slice %arg18[%sub3A_393, %dma_wait3A_394] : memref<80x125xi32, #tpu.memory_space<vmem>> -> memref<1x125xi32, #tpu.memory_space<vmem>>
        %dma_wait3A_396 = tpu.memref_squeeze %dma_wait3A_395 : memref<1x125xi32, #tpu.memory_space<vmem>> -> memref<125xi32, #tpu.memory_space<vmem>>
        %dma_wait3A_397 = arith.constant 0 : i32
        %dma_wait3A_398 = arith.constant 0 : i32
        %dma_wait3A_399 = tpu.memref_slice %arg25[%dma_wait3A_397, %dma_wait3A_398] : memref<10000x64xf32, #tpu.memory_space<vmem_shared>> -> memref<10000x64xf32, #tpu.memory_space<vmem_shared>>
        tpu.wait_indirect_dma semaphore(%arg36 : memref<!tpu.dma_semaphore, #tpu.memory_space<semaphore_mem>>) src(%arg23 : memref<125x64xf32, #tpu.memory_space<vmem>>) dst(%dma_wait3A_399 : memref<10000x64xf32, #tpu.memory_space<vmem_shared>>)
        %convert_element_type3A_400 = arith.extui %eq3A_118 : i1 to i32
        %cond3A_401 = arith.constant 0 : i32
        %cond3A_402 = arith.cmpi ne, %convert_element_type3A_400, %cond3A_401 : i32
        scf.if %cond3A_402 {
          %dma_wait3A_403 = arith.constant 0 : i32
          %dma_wait3A_404 = tpu.memref_slice %arg18[%sub3A_393, %dma_wait3A_403] : memref<80x125xi32, #tpu.memory_space<vmem>> -> memref<1x125xi32, #tpu.memory_space<vmem>>
          %dma_wait3A_405 = tpu.memref_squeeze %dma_wait3A_404 : memref<1x125xi32, #tpu.memory_space<vmem>> -> memref<125xi32, #tpu.memory_space<vmem>>
          %dma_wait3A_406 = arith.constant 0 : i32
          %dma_wait3A_407 = arith.constant 0 : i32
          %dma_wait3A_408 = tpu.memref_slice %arg26[%dma_wait3A_406, %dma_wait3A_407] : memref<10000x16xf32, #tpu.memory_space<vmem_shared>> -> memref<10000x16xf32, #tpu.memory_space<vmem_shared>>
          tpu.wait_indirect_dma semaphore(%arg37 : memref<!tpu.dma_semaphore, #tpu.memory_space<semaphore_mem>>) src(%arg24 : memref<125x16xf32, #tpu.memory_space<vmem>>) dst(%dma_wait3A_408 : memref<10000x16xf32, #tpu.memory_space<vmem_shared>>)
        } else {
        }
      } else {
      }
      %add3A_297 = arith.constant 2 : i32
      %add3A_298 = arith.addi %add3A_291, %add3A_297 : i32
      %lt3A_299 = arith.constant 80 : i32
      %lt3A_300 = arith.cmpi slt, %add3A_298, %lt3A_299 : i32
      %convert_element_type3A_301 = arith.extui %lt3A_300 : i1 to i32
      %cond3A_302 = arith.constant 0 : i32
      %cond3A_303 = arith.cmpi ne, %convert_element_type3A_301, %cond3A_302 : i32
      scf.if %cond3A_303 {
        %add3A_392 = arith.constant 2 : i32
        %add3A_393 = arith.addi %add3A_291, %add3A_392 : i32
        %dma_start3A_394 = arith.constant 0 : i32
        %dma_start3A_395 = tpu.memref_slice %arg17[%add3A_393, %dma_start3A_394] : memref<80x125xi32, #tpu.memory_space<vmem>> -> memref<1x125xi32, #tpu.memory_space<vmem>>
        %dma_start3A_396 = tpu.memref_squeeze %dma_start3A_395 : memref<1x125xi32, #tpu.memory_space<vmem>> -> memref<125xi32, #tpu.memory_space<vmem>>
        %dma_start3A_397 = arith.constant 0 : i32
        %dma_start3A_398 = arith.constant 0 : i32
        %dma_start3A_399 = tpu.memref_slice %arg15[%dma_start3A_397, %dma_start3A_398] : memref<20000x64xf32, #tpu.memory_space<hbm>> -> memref<20000x64xf32, #tpu.memory_space<hbm>>
        tpu.enqueue_indirect_dma source(%dma_start3A_399 : memref<20000x64xf32, #tpu.memory_space<hbm>>) target(%arg23 : memref<125x64xf32, #tpu.memory_space<vmem>>) offsets(%dma_start3A_396 : memref<125xi32, #tpu.memory_space<vmem>>) semaphore(%arg31 : memref<!tpu.dma_semaphore, #tpu.memory_space<semaphore_mem>>)
      } else {
      }
      %dma_wait3A_304 = arith.constant 0 : i32
      %dma_wait3A_305 = tpu.memref_slice %arg17[%add3A_291, %dma_wait3A_304] : memref<80x125xi32, #tpu.memory_space<vmem>> -> memref<1x125xi32, #tpu.memory_space<vmem>>
      %dma_wait3A_306 = tpu.memref_squeeze %dma_wait3A_305 : memref<1x125xi32, #tpu.memory_space<vmem>> -> memref<125xi32, #tpu.memory_space<vmem>>
      %dma_wait3A_307 = arith.constant 0 : i32
      %dma_wait3A_308 = arith.constant 0 : i32
      %dma_wait3A_309 = tpu.memref_slice %arg15[%dma_wait3A_307, %dma_wait3A_308] : memref<20000x64xf32, #tpu.memory_space<hbm>> -> memref<20000x64xf32, #tpu.memory_space<hbm>>
      tpu.wait_indirect_dma semaphore(%arg29 : memref<!tpu.dma_semaphore, #tpu.memory_space<semaphore_mem>>) src(%dma_wait3A_309 : memref<20000x64xf32, #tpu.memory_space<hbm>>) dst(%arg21 : memref<125x64xf32, #tpu.memory_space<vmem>>)
      %dma_start3A_310 = arith.constant 0 : i32
      %dma_start3A_311 = tpu.memref_slice %arg18[%add3A_291, %dma_start3A_310] : memref<80x125xi32, #tpu.memory_space<vmem>> -> memref<1x125xi32, #tpu.memory_space<vmem>>
      %dma_start3A_312 = tpu.memref_squeeze %dma_start3A_311 : memref<1x125xi32, #tpu.memory_space<vmem>> -> memref<125xi32, #tpu.memory_space<vmem>>
      %dma_start3A_313 = arith.constant 0 : i32
      %dma_start3A_314 = arith.constant 0 : i32
      %dma_start3A_315 = tpu.memref_slice %arg25[%dma_start3A_313, %dma_start3A_314] : memref<10000x64xf32, #tpu.memory_space<vmem_shared>> -> memref<10000x64xf32, #tpu.memory_space<vmem_shared>>
      tpu.enqueue_indirect_dma source(%arg21 : memref<125x64xf32, #tpu.memory_space<vmem>>) target(%dma_start3A_315 : memref<10000x64xf32, #tpu.memory_space<vmem_shared>>) offsets(%dma_start3A_312 : memref<125xi32, #tpu.memory_space<vmem>>) semaphore(%arg34 : memref<!tpu.dma_semaphore, #tpu.memory_space<semaphore_mem>>) {add = true}
      %convert_element_type3A_316 = arith.extui %eq3A_118 : i1 to i32
      %cond3A_317 = arith.constant 0 : i32
      %cond3A_318 = arith.cmpi ne, %convert_element_type3A_316, %cond3A_317 : i32
      scf.if %cond3A_318 {
        %dma_start3A_392 = arith.constant 0 : i32
        %dma_start3A_393 = tpu.memref_slice %arg18[%add3A_291, %dma_start3A_392] : memref<80x125xi32, #tpu.memory_space<vmem>> -> memref<1x125xi32, #tpu.memory_space<vmem>>
        %dma_start3A_394 = tpu.memref_squeeze %dma_start3A_393 : memref<1x125xi32, #tpu.memory_space<vmem>> -> memref<125xi32, #tpu.memory_space<vmem>>
        %dma_start3A_395 = arith.constant 0 : i32
        %dma_start3A_396 = arith.constant 0 : i32
        %dma_start3A_397 = tpu.memref_slice %arg26[%dma_start3A_395, %dma_start3A_396] : memref<10000x16xf32, #tpu.memory_space<vmem_shared>> -> memref<10000x16xf32, #tpu.memory_space<vmem_shared>>
        tpu.enqueue_indirect_dma source(%arg24 : memref<125x16xf32, #tpu.memory_space<vmem>>) target(%dma_start3A_397 : memref<10000x16xf32, #tpu.memory_space<vmem_shared>>) offsets(%dma_start3A_394 : memref<125xi32, #tpu.memory_space<vmem>>) semaphore(%arg37 : memref<!tpu.dma_semaphore, #tpu.memory_space<semaphore_mem>>) {add = true}
      } else {
      }
      %mul3A_319 = arith.constant 5 : i32
      %mul3A_320 = arith.muli %mul3A_319, %scan3A_227 : i32
      %add3A_321 = arith.constant 3 : i32
      %add3A_322 = arith.addi %mul3A_320, %add3A_321 : i32
      %sub3A = arith.constant 3 : i32
      %sub3A_323 = arith.subi %add3A_322, %sub3A : i32
      %dma_wait3A_324 = arith.constant 0 : i32
      %dma_wait3A_325 = tpu.memref_slice %arg18[%sub3A_323, %dma_wait3A_324] : memref<80x125xi32, #tpu.memory_space<vmem>> -> memref<1x125xi32, #tpu.memory_space<vmem>>
      %dma_wait3A_326 = tpu.memref_squeeze %dma_wait3A_325 : memref<1x125xi32, #tpu.memory_space<vmem>> -> memref<125xi32, #tpu.memory_space<vmem>>
      %dma_wait3A_327 = arith.constant 0 : i32
      %dma_wait3A_328 = arith.constant 0 : i32
      %dma_wait3A_329 = tpu.memref_slice %arg25[%dma_wait3A_327, %dma_wait3A_328] : memref<10000x64xf32, #tpu.memory_space<vmem_shared>> -> memref<10000x64xf32, #tpu.memory_space<vmem_shared>>
      tpu.wait_indirect_dma semaphore(%arg32 : memref<!tpu.dma_semaphore, #tpu.memory_space<semaphore_mem>>) src(%arg19 : memref<125x64xf32, #tpu.memory_space<vmem>>) dst(%dma_wait3A_329 : memref<10000x64xf32, #tpu.memory_space<vmem_shared>>)
      %convert_element_type3A_330 = arith.extui %eq3A_118 : i1 to i32
      %cond3A_331 = arith.constant 0 : i32
      %cond3A_332 = arith.cmpi ne, %convert_element_type3A_330, %cond3A_331 : i32
      scf.if %cond3A_332 {
        %dma_wait3A_392 = arith.constant 0 : i32
        %dma_wait3A_393 = tpu.memref_slice %arg18[%sub3A_323, %dma_wait3A_392] : memref<80x125xi32, #tpu.memory_space<vmem>> -> memref<1x125xi32, #tpu.memory_space<vmem>>
        %dma_wait3A_394 = tpu.memref_squeeze %dma_wait3A_393 : memref<1x125xi32, #tpu.memory_space<vmem>> -> memref<125xi32, #tpu.memory_space<vmem>>
        %dma_wait3A_395 = arith.constant 0 : i32
        %dma_wait3A_396 = arith.constant 0 : i32
        %dma_wait3A_397 = tpu.memref_slice %arg26[%dma_wait3A_395, %dma_wait3A_396] : memref<10000x16xf32, #tpu.memory_space<vmem_shared>> -> memref<10000x16xf32, #tpu.memory_space<vmem_shared>>
        tpu.wait_indirect_dma semaphore(%arg37 : memref<!tpu.dma_semaphore, #tpu.memory_space<semaphore_mem>>) src(%arg24 : memref<125x16xf32, #tpu.memory_space<vmem>>) dst(%dma_wait3A_397 : memref<10000x16xf32, #tpu.memory_space<vmem_shared>>)
      } else {
      }
      %add3A_333 = arith.constant 2 : i32
      %add3A_334 = arith.addi %add3A_322, %add3A_333 : i32
      %lt3A_335 = arith.constant 80 : i32
      %lt3A_336 = arith.cmpi slt, %add3A_334, %lt3A_335 : i32
      %convert_element_type3A_337 = arith.extui %lt3A_336 : i1 to i32
      %cond3A_338 = arith.constant 0 : i32
      %cond3A_339 = arith.cmpi ne, %convert_element_type3A_337, %cond3A_338 : i32
      scf.if %cond3A_339 {
        %add3A_392 = arith.constant 2 : i32
        %add3A_393 = arith.addi %add3A_322, %add3A_392 : i32
        %dma_start3A_394 = arith.constant 0 : i32
        %dma_start3A_395 = tpu.memref_slice %arg17[%add3A_393, %dma_start3A_394] : memref<80x125xi32, #tpu.memory_space<vmem>> -> memref<1x125xi32, #tpu.memory_space<vmem>>
        %dma_start3A_396 = tpu.memref_squeeze %dma_start3A_395 : memref<1x125xi32, #tpu.memory_space<vmem>> -> memref<125xi32, #tpu.memory_space<vmem>>
        %dma_start3A_397 = arith.constant 0 : i32
        %dma_start3A_398 = arith.constant 0 : i32
        %dma_start3A_399 = tpu.memref_slice %arg15[%dma_start3A_397, %dma_start3A_398] : memref<20000x64xf32, #tpu.memory_space<hbm>> -> memref<20000x64xf32, #tpu.memory_space<hbm>>
        tpu.enqueue_indirect_dma source(%dma_start3A_399 : memref<20000x64xf32, #tpu.memory_space<hbm>>) target(%arg19 : memref<125x64xf32, #tpu.memory_space<vmem>>) offsets(%dma_start3A_396 : memref<125xi32, #tpu.memory_space<vmem>>) semaphore(%arg27 : memref<!tpu.dma_semaphore, #tpu.memory_space<semaphore_mem>>)
      } else {
      }
      %dma_wait3A_340 = arith.constant 0 : i32
      %dma_wait3A_341 = tpu.memref_slice %arg17[%add3A_322, %dma_wait3A_340] : memref<80x125xi32, #tpu.memory_space<vmem>> -> memref<1x125xi32, #tpu.memory_space<vmem>>
      %dma_wait3A_342 = tpu.memref_squeeze %dma_wait3A_341 : memref<1x125xi32, #tpu.memory_space<vmem>> -> memref<125xi32, #tpu.memory_space<vmem>>
      %dma_wait3A_343 = arith.constant 0 : i32
      %dma_wait3A_344 = arith.constant 0 : i32
      %dma_wait3A_345 = tpu.memref_slice %arg15[%dma_wait3A_343, %dma_wait3A_344] : memref<20000x64xf32, #tpu.memory_space<hbm>> -> memref<20000x64xf32, #tpu.memory_space<hbm>>
      tpu.wait_indirect_dma semaphore(%arg30 : memref<!tpu.dma_semaphore, #tpu.memory_space<semaphore_mem>>) src(%dma_wait3A_345 : memref<20000x64xf32, #tpu.memory_space<hbm>>) dst(%arg22 : memref<125x64xf32, #tpu.memory_space<vmem>>)
      %dma_start3A_346 = arith.constant 0 : i32
      %dma_start3A_347 = tpu.memref_slice %arg18[%add3A_322, %dma_start3A_346] : memref<80x125xi32, #tpu.memory_space<vmem>> -> memref<1x125xi32, #tpu.memory_space<vmem>>
      %dma_start3A_348 = tpu.memref_squeeze %dma_start3A_347 : memref<1x125xi32, #tpu.memory_space<vmem>> -> memref<125xi32, #tpu.memory_space<vmem>>
      %dma_start3A_349 = arith.constant 0 : i32
      %dma_start3A_350 = arith.constant 0 : i32
      %dma_start3A_351 = tpu.memref_slice %arg25[%dma_start3A_349, %dma_start3A_350] : memref<10000x64xf32, #tpu.memory_space<vmem_shared>> -> memref<10000x64xf32, #tpu.memory_space<vmem_shared>>
      tpu.enqueue_indirect_dma source(%arg22 : memref<125x64xf32, #tpu.memory_space<vmem>>) target(%dma_start3A_351 : memref<10000x64xf32, #tpu.memory_space<vmem_shared>>) offsets(%dma_start3A_348 : memref<125xi32, #tpu.memory_space<vmem>>) semaphore(%arg35 : memref<!tpu.dma_semaphore, #tpu.memory_space<semaphore_mem>>) {add = true}
      %convert_element_type3A_352 = arith.extui %eq3A_118 : i1 to i32
      %cond3A_353 = arith.constant 0 : i32
      %cond3A_354 = arith.cmpi ne, %convert_element_type3A_352, %cond3A_353 : i32
      scf.if %cond3A_354 {
        %dma_start3A_392 = arith.constant 0 : i32
        %dma_start3A_393 = tpu.memref_slice %arg18[%add3A_322, %dma_start3A_392] : memref<80x125xi32, #tpu.memory_space<vmem>> -> memref<1x125xi32, #tpu.memory_space<vmem>>
        %dma_start3A_394 = tpu.memref_squeeze %dma_start3A_393 : memref<1x125xi32, #tpu.memory_space<vmem>> -> memref<125xi32, #tpu.memory_space<vmem>>
        %dma_start3A_395 = arith.constant 0 : i32
        %dma_start3A_396 = arith.constant 0 : i32
        %dma_start3A_397 = tpu.memref_slice %arg26[%dma_start3A_395, %dma_start3A_396] : memref<10000x16xf32, #tpu.memory_space<vmem_shared>> -> memref<10000x16xf32, #tpu.memory_space<vmem_shared>>
        tpu.enqueue_indirect_dma source(%arg24 : memref<125x16xf32, #tpu.memory_space<vmem>>) target(%dma_start3A_397 : memref<10000x16xf32, #tpu.memory_space<vmem_shared>>) offsets(%dma_start3A_394 : memref<125xi32, #tpu.memory_space<vmem>>) semaphore(%arg37 : memref<!tpu.dma_semaphore, #tpu.memory_space<semaphore_mem>>) {add = true}
      } else {
      }
      %mul3A_355 = arith.constant 5 : i32
      %mul3A_356 = arith.muli %mul3A_355, %scan3A_227 : i32
      %add3A_357 = arith.constant 4 : i32
      %add3A_358 = arith.addi %mul3A_356, %add3A_357 : i32
      %sub3A_359 = arith.constant 3 : i32
      %sub3A_360 = arith.subi %add3A_358, %sub3A_359 : i32
      %dma_wait3A_361 = arith.constant 0 : i32
      %dma_wait3A_362 = tpu.memref_slice %arg18[%sub3A_360, %dma_wait3A_361] : memref<80x125xi32, #tpu.memory_space<vmem>> -> memref<1x125xi32, #tpu.memory_space<vmem>>
      %dma_wait3A_363 = tpu.memref_squeeze %dma_wait3A_362 : memref<1x125xi32, #tpu.memory_space<vmem>> -> memref<125xi32, #tpu.memory_space<vmem>>
      %dma_wait3A_364 = arith.constant 0 : i32
      %dma_wait3A_365 = arith.constant 0 : i32
      %dma_wait3A_366 = tpu.memref_slice %arg25[%dma_wait3A_364, %dma_wait3A_365] : memref<10000x64xf32, #tpu.memory_space<vmem_shared>> -> memref<10000x64xf32, #tpu.memory_space<vmem_shared>>
      tpu.wait_indirect_dma semaphore(%arg33 : memref<!tpu.dma_semaphore, #tpu.memory_space<semaphore_mem>>) src(%arg20 : memref<125x64xf32, #tpu.memory_space<vmem>>) dst(%dma_wait3A_366 : memref<10000x64xf32, #tpu.memory_space<vmem_shared>>)
      %convert_element_type3A_367 = arith.extui %eq3A_118 : i1 to i32
      %cond3A_368 = arith.constant 0 : i32
      %cond3A_369 = arith.cmpi ne, %convert_element_type3A_367, %cond3A_368 : i32
      scf.if %cond3A_369 {
        %dma_wait3A_392 = arith.constant 0 : i32
        %dma_wait3A_393 = tpu.memref_slice %arg18[%sub3A_360, %dma_wait3A_392] : memref<80x125xi32, #tpu.memory_space<vmem>> -> memref<1x125xi32, #tpu.memory_space<vmem>>
        %dma_wait3A_394 = tpu.memref_squeeze %dma_wait3A_393 : memref<1x125xi32, #tpu.memory_space<vmem>> -> memref<125xi32, #tpu.memory_space<vmem>>
        %dma_wait3A_395 = arith.constant 0 : i32
        %dma_wait3A_396 = arith.constant 0 : i32
        %dma_wait3A_397 = tpu.memref_slice %arg26[%dma_wait3A_395, %dma_wait3A_396] : memref<10000x16xf32, #tpu.memory_space<vmem_shared>> -> memref<10000x16xf32, #tpu.memory_space<vmem_shared>>
        tpu.wait_indirect_dma semaphore(%arg37 : memref<!tpu.dma_semaphore, #tpu.memory_space<semaphore_mem>>) src(%arg24 : memref<125x16xf32, #tpu.memory_space<vmem>>) dst(%dma_wait3A_397 : memref<10000x16xf32, #tpu.memory_space<vmem_shared>>)
      } else {
      }
      %add3A_370 = arith.constant 2 : i32
      %add3A_371 = arith.addi %add3A_358, %add3A_370 : i32
      %lt3A_372 = arith.constant 80 : i32
      %lt3A_373 = arith.cmpi slt, %add3A_371, %lt3A_372 : i32
      %convert_element_type3A_374 = arith.extui %lt3A_373 : i1 to i32
      %cond3A_375 = arith.constant 0 : i32
      %cond3A_376 = arith.cmpi ne, %convert_element_type3A_374, %cond3A_375 : i32
      scf.if %cond3A_376 {
        %add3A_392 = arith.constant 2 : i32
        %add3A_393 = arith.addi %add3A_358, %add3A_392 : i32
        %dma_start3A_394 = arith.constant 0 : i32
        %dma_start3A_395 = tpu.memref_slice %arg17[%add3A_393, %dma_start3A_394] : memref<80x125xi32, #tpu.memory_space<vmem>> -> memref<1x125xi32, #tpu.memory_space<vmem>>
        %dma_start3A_396 = tpu.memref_squeeze %dma_start3A_395 : memref<1x125xi32, #tpu.memory_space<vmem>> -> memref<125xi32, #tpu.memory_space<vmem>>
        %dma_start3A_397 = arith.constant 0 : i32
        %dma_start3A_398 = arith.constant 0 : i32
        %dma_start3A_399 = tpu.memref_slice %arg15[%dma_start3A_397, %dma_start3A_398] : memref<20000x64xf32, #tpu.memory_space<hbm>> -> memref<20000x64xf32, #tpu.memory_space<hbm>>
        tpu.enqueue_indirect_dma source(%dma_start3A_399 : memref<20000x64xf32, #tpu.memory_space<hbm>>) target(%arg20 : memref<125x64xf32, #tpu.memory_space<vmem>>) offsets(%dma_start3A_396 : memref<125xi32, #tpu.memory_space<vmem>>) semaphore(%arg28 : memref<!tpu.dma_semaphore, #tpu.memory_space<semaphore_mem>>)
      } else {
      }
      %dma_wait3A_377 = arith.constant 0 : i32
      %dma_wait3A_378 = tpu.memref_slice %arg17[%add3A_358, %dma_wait3A_377] : memref<80x125xi32, #tpu.memory_space<vmem>> -> memref<1x125xi32, #tpu.memory_space<vmem>>
      %dma_wait3A_379 = tpu.memref_squeeze %dma_wait3A_378 : memref<1x125xi32, #tpu.memory_space<vmem>> -> memref<125xi32, #tpu.memory_space<vmem>>
      %dma_wait3A_380 = arith.constant 0 : i32
      %dma_wait3A_381 = arith.constant 0 : i32
      %dma_wait3A_382 = tpu.memref_slice %arg15[%dma_wait3A_380, %dma_wait3A_381] : memref<20000x64xf32, #tpu.memory_space<hbm>> -> memref<20000x64xf32, #tpu.memory_space<hbm>>
      tpu.wait_indirect_dma semaphore(%arg31 : memref<!tpu.dma_semaphore, #tpu.memory_space<semaphore_mem>>) src(%dma_wait3A_382 : memref<20000x64xf32, #tpu.memory_space<hbm>>) dst(%arg23 : memref<125x64xf32, #tpu.memory_space<vmem>>)
      %dma_start3A_383 = arith.constant 0 : i32
      %dma_start3A_384 = tpu.memref_slice %arg18[%add3A_358, %dma_start3A_383] : memref<80x125xi32, #tpu.memory_space<vmem>> -> memref<1x125xi32, #tpu.memory_space<vmem>>
      %dma_start3A_385 = tpu.memref_squeeze %dma_start3A_384 : memref<1x125xi32, #tpu.memory_space<vmem>> -> memref<125xi32, #tpu.memory_space<vmem>>
      %dma_start3A_386 = arith.constant 0 : i32
      %dma_start3A_387 = arith.constant 0 : i32
      %dma_start3A_388 = tpu.memref_slice %arg25[%dma_start3A_386, %dma_start3A_387] : memref<10000x64xf32, #tpu.memory_space<vmem_shared>> -> memref<10000x64xf32, #tpu.memory_space<vmem_shared>>
      tpu.enqueue_indirect_dma source(%arg23 : memref<125x64xf32, #tpu.memory_space<vmem>>) target(%dma_start3A_388 : memref<10000x64xf32, #tpu.memory_space<vmem_shared>>) offsets(%dma_start3A_385 : memref<125xi32, #tpu.memory_space<vmem>>) semaphore(%arg36 : memref<!tpu.dma_semaphore, #tpu.memory_space<semaphore_mem>>) {add = true}
      %convert_element_type3A_389 = arith.extui %eq3A_118 : i1 to i32
      %cond3A_390 = arith.constant 0 : i32
      %cond3A_391 = arith.cmpi ne, %convert_element_type3A_389, %cond3A_390 : i32
      scf.if %cond3A_391 {
        %dma_start3A_392 = arith.constant 0 : i32
        %dma_start3A_393 = tpu.memref_slice %arg18[%add3A_358, %dma_start3A_392] : memref<80x125xi32, #tpu.memory_space<vmem>> -> memref<1x125xi32, #tpu.memory_space<vmem>>
        %dma_start3A_394 = tpu.memref_squeeze %dma_start3A_393 : memref<1x125xi32, #tpu.memory_space<vmem>> -> memref<125xi32, #tpu.memory_space<vmem>>
        %dma_start3A_395 = arith.constant 0 : i32
        %dma_start3A_396 = arith.constant 0 : i32
        %dma_start3A_397 = tpu.memref_slice %arg26[%dma_start3A_395, %dma_start3A_396] : memref<10000x16xf32, #tpu.memory_space<vmem_shared>> -> memref<10000x16xf32, #tpu.memory_space<vmem_shared>>
        tpu.enqueue_indirect_dma source(%arg24 : memref<125x16xf32, #tpu.memory_space<vmem>>) target(%dma_start3A_397 : memref<10000x16xf32, #tpu.memory_space<vmem_shared>>) offsets(%dma_start3A_394 : memref<125xi32, #tpu.memory_space<vmem>>) semaphore(%arg37 : memref<!tpu.dma_semaphore, #tpu.memory_space<semaphore_mem>>) {add = true}
      } else {
      }
    }
    %scan3A_137 = arith.constant 16 : i32
    %dma_wait3A_138 = arith.constant 77 : i32
    %dma_wait3A_139 = arith.constant 0 : i32
    %dma_wait3A_140 = tpu.memref_slice %arg18[%dma_wait3A_138, %dma_wait3A_139] : memref<80x125xi32, #tpu.memory_space<vmem>> -> memref<1x125xi32, #tpu.memory_space<vmem>>
    %dma_wait3A_141 = tpu.memref_squeeze %dma_wait3A_140 : memref<1x125xi32, #tpu.memory_space<vmem>> -> memref<125xi32, #tpu.memory_space<vmem>>
    %dma_wait3A_142 = arith.constant 0 : i32
    %dma_wait3A_143 = arith.constant 0 : i32
    %dma_wait3A_144 = tpu.memref_slice %arg25[%dma_wait3A_142, %dma_wait3A_143] : memref<10000x64xf32, #tpu.memory_space<vmem_shared>> -> memref<10000x64xf32, #tpu.memory_space<vmem_shared>>
    tpu.wait_indirect_dma semaphore(%arg34 : memref<!tpu.dma_semaphore, #tpu.memory_space<semaphore_mem>>) src(%arg21 : memref<125x64xf32, #tpu.memory_space<vmem>>) dst(%dma_wait3A_144 : memref<10000x64xf32, #tpu.memory_space<vmem_shared>>)
    %convert_element_type3A = arith.extui %eq3A_118 : i1 to i32
    %cond3A = arith.constant 0 : i32
    %cond3A_145 = arith.cmpi ne, %convert_element_type3A, %cond3A : i32
    scf.if %cond3A_145 {
      %dma_wait3A_227 = arith.constant 77 : i32
      %dma_wait3A_228 = arith.constant 0 : i32
      %dma_wait3A_229 = tpu.memref_slice %arg18[%dma_wait3A_227, %dma_wait3A_228] : memref<80x125xi32, #tpu.memory_space<vmem>> -> memref<1x125xi32, #tpu.memory_space<vmem>>
      %dma_wait3A_230 = tpu.memref_squeeze %dma_wait3A_229 : memref<1x125xi32, #tpu.memory_space<vmem>> -> memref<125xi32, #tpu.memory_space<vmem>>
      %dma_wait3A_231 = arith.constant 0 : i32
      %dma_wait3A_232 = arith.constant 0 : i32
      %dma_wait3A_233 = tpu.memref_slice %arg26[%dma_wait3A_231, %dma_wait3A_232] : memref<10000x16xf32, #tpu.memory_space<vmem_shared>> -> memref<10000x16xf32, #tpu.memory_space<vmem_shared>>
      tpu.wait_indirect_dma semaphore(%arg37 : memref<!tpu.dma_semaphore, #tpu.memory_space<semaphore_mem>>) src(%arg24 : memref<125x16xf32, #tpu.memory_space<vmem>>) dst(%dma_wait3A_233 : memref<10000x16xf32, #tpu.memory_space<vmem_shared>>)
    } else {
    }
    %dma_wait3A_146 = arith.constant 78 : i32
    %dma_wait3A_147 = arith.constant 0 : i32
    %dma_wait3A_148 = tpu.memref_slice %arg18[%dma_wait3A_146, %dma_wait3A_147] : memref<80x125xi32, #tpu.memory_space<vmem>> -> memref<1x125xi32, #tpu.memory_space<vmem>>
    %dma_wait3A_149 = tpu.memref_squeeze %dma_wait3A_148 : memref<1x125xi32, #tpu.memory_space<vmem>> -> memref<125xi32, #tpu.memory_space<vmem>>
    %dma_wait3A_150 = arith.constant 0 : i32
    %dma_wait3A_151 = arith.constant 0 : i32
    %dma_wait3A_152 = tpu.memref_slice %arg25[%dma_wait3A_150, %dma_wait3A_151] : memref<10000x64xf32, #tpu.memory_space<vmem_shared>> -> memref<10000x64xf32, #tpu.memory_space<vmem_shared>>
    tpu.wait_indirect_dma semaphore(%arg35 : memref<!tpu.dma_semaphore, #tpu.memory_space<semaphore_mem>>) src(%arg22 : memref<125x64xf32, #tpu.memory_space<vmem>>) dst(%dma_wait3A_152 : memref<10000x64xf32, #tpu.memory_space<vmem_shared>>)
    %convert_element_type3A_153 = arith.extui %eq3A_118 : i1 to i32
    %cond3A_154 = arith.constant 0 : i32
    %cond3A_155 = arith.cmpi ne, %convert_element_type3A_153, %cond3A_154 : i32
    scf.if %cond3A_155 {
      %dma_wait3A_227 = arith.constant 78 : i32
      %dma_wait3A_228 = arith.constant 0 : i32
      %dma_wait3A_229 = tpu.memref_slice %arg18[%dma_wait3A_227, %dma_wait3A_228] : memref<80x125xi32, #tpu.memory_space<vmem>> -> memref<1x125xi32, #tpu.memory_space<vmem>>
      %dma_wait3A_230 = tpu.memref_squeeze %dma_wait3A_229 : memref<1x125xi32, #tpu.memory_space<vmem>> -> memref<125xi32, #tpu.memory_space<vmem>>
      %dma_wait3A_231 = arith.constant 0 : i32
      %dma_wait3A_232 = arith.constant 0 : i32
      %dma_wait3A_233 = tpu.memref_slice %arg26[%dma_wait3A_231, %dma_wait3A_232] : memref<10000x16xf32, #tpu.memory_space<vmem_shared>> -> memref<10000x16xf32, #tpu.memory_space<vmem_shared>>
      tpu.wait_indirect_dma semaphore(%arg37 : memref<!tpu.dma_semaphore, #tpu.memory_space<semaphore_mem>>) src(%arg24 : memref<125x16xf32, #tpu.memory_space<vmem>>) dst(%dma_wait3A_233 : memref<10000x16xf32, #tpu.memory_space<vmem_shared>>)
    } else {
    }
    %dma_wait3A_156 = arith.constant 79 : i32
    %dma_wait3A_157 = arith.constant 0 : i32
    %dma_wait3A_158 = tpu.memref_slice %arg18[%dma_wait3A_156, %dma_wait3A_157] : memref<80x125xi32, #tpu.memory_space<vmem>> -> memref<1x125xi32, #tpu.memory_space<vmem>>
    %dma_wait3A_159 = tpu.memref_squeeze %dma_wait3A_158 : memref<1x125xi32, #tpu.memory_space<vmem>> -> memref<125xi32, #tpu.memory_space<vmem>>
    %dma_wait3A_160 = arith.constant 0 : i32
    %dma_wait3A_161 = arith.constant 0 : i32
    %dma_wait3A_162 = tpu.memref_slice %arg25[%dma_wait3A_160, %dma_wait3A_161] : memref<10000x64xf32, #tpu.memory_space<vmem_shared>> -> memref<10000x64xf32, #tpu.memory_space<vmem_shared>>
    tpu.wait_indirect_dma semaphore(%arg36 : memref<!tpu.dma_semaphore, #tpu.memory_space<semaphore_mem>>) src(%arg23 : memref<125x64xf32, #tpu.memory_space<vmem>>) dst(%dma_wait3A_162 : memref<10000x64xf32, #tpu.memory_space<vmem_shared>>)
    %convert_element_type3A_163 = arith.extui %eq3A_118 : i1 to i32
    %cond3A_164 = arith.constant 0 : i32
    %cond3A_165 = arith.cmpi ne, %convert_element_type3A_163, %cond3A_164 : i32
    scf.if %cond3A_165 {
      %dma_wait3A_227 = arith.constant 79 : i32
      %dma_wait3A_228 = arith.constant 0 : i32
      %dma_wait3A_229 = tpu.memref_slice %arg18[%dma_wait3A_227, %dma_wait3A_228] : memref<80x125xi32, #tpu.memory_space<vmem>> -> memref<1x125xi32, #tpu.memory_space<vmem>>
      %dma_wait3A_230 = tpu.memref_squeeze %dma_wait3A_229 : memref<1x125xi32, #tpu.memory_space<vmem>> -> memref<125xi32, #tpu.memory_space<vmem>>
      %dma_wait3A_231 = arith.constant 0 : i32
      %dma_wait3A_232 = arith.constant 0 : i32
      %dma_wait3A_233 = tpu.memref_slice %arg26[%dma_wait3A_231, %dma_wait3A_232] : memref<10000x16xf32, #tpu.memory_space<vmem_shared>> -> memref<10000x16xf32, #tpu.memory_space<vmem_shared>>
      tpu.wait_indirect_dma semaphore(%arg37 : memref<!tpu.dma_semaphore, #tpu.memory_space<semaphore_mem>>) src(%arg24 : memref<125x16xf32, #tpu.memory_space<vmem>>) dst(%dma_wait3A_233 : memref<10000x16xf32, #tpu.memory_space<vmem_shared>>)
    } else {
    }
    %barrier3A_166 = arith.constant 0 : index
    tpu.barrier barrier_id(%barrier3A_166)
    "tpu.region"() ({
      %run_scoped3A = tpu.sem_alloc : memref<!tpu.dma_semaphore, #tpu.memory_space<semaphore_mem>>
      %dma_start3A_227 = arith.constant 0 : i32
      %dma_start3A_228 = tpu.memref_slice %arg11[%arg0, %mul3A_0, %dma_start3A_227] : memref<2x10000x64xf32, #tpu.memory_space<hbm>> -> memref<1x625x64xf32, #tpu.memory_space<hbm>>
      %dma_start3A_229 = tpu.memref_squeeze %dma_start3A_228 : memref<1x625x64xf32, #tpu.memory_space<hbm>> -> memref<625x64xf32, #tpu.memory_space<hbm>>
      %dma_start3A_230 = arith.constant 0 : i32
      %dma_start3A_231 = tpu.memref_slice %arg25[%mul3A_0, %dma_start3A_230] : memref<10000x64xf32, #tpu.memory_space<vmem_shared>> -> memref<625x64xf32, #tpu.memory_space<vmem_shared>>
      tpu.enqueue_dma source(%dma_start3A_231 : memref<625x64xf32, #tpu.memory_space<vmem_shared>>) target(%dma_start3A_229 : memref<625x64xf32, #tpu.memory_space<hbm>>) target_semaphore(%run_scoped3A : memref<!tpu.dma_semaphore, #tpu.memory_space<semaphore_mem>>)
      %dma_wait3A_232 = arith.constant 0 : i32
      %dma_wait3A_233 = tpu.memref_slice %arg11[%arg0, %mul3A_0, %dma_wait3A_232] : memref<2x10000x64xf32, #tpu.memory_space<hbm>> -> memref<1x625x64xf32, #tpu.memory_space<hbm>>
      %dma_wait3A_234 = tpu.memref_squeeze %dma_wait3A_233 : memref<1x625x64xf32, #tpu.memory_space<hbm>> -> memref<625x64xf32, #tpu.memory_space<hbm>>
      %dma_wait3A_235 = arith.constant 0 : i32
      %dma_wait3A_236 = tpu.memref_slice %arg25[%mul3A_0, %dma_wait3A_235] : memref<10000x64xf32, #tpu.memory_space<vmem_shared>> -> memref<625x64xf32, #tpu.memory_space<vmem_shared>>
      tpu.wait_dma2 semaphore(%run_scoped3A : memref<!tpu.dma_semaphore, #tpu.memory_space<semaphore_mem>>) src(%dma_wait3A_236 : memref<625x64xf32, #tpu.memory_space<vmem_shared>>) dst(%dma_wait3A_234 : memref<625x64xf32, #tpu.memory_space<hbm>>)
      tpu.yield
    }) : () -> ()
    %convert_element_type3A_167 = arith.extui %eq3A_118 : i1 to i32
    %cond3A_168 = arith.constant 0 : i32
    %cond3A_169 = arith.cmpi ne, %convert_element_type3A_167, %cond3A_168 : i32
    scf.if %cond3A_169 {
      "tpu.region"() ({
        %run_scoped3A = tpu.sem_alloc : memref<!tpu.dma_semaphore, #tpu.memory_space<semaphore_mem>>
        %dma_start3A_227 = arith.constant 0 : i32
        %dma_start3A_228 = tpu.memref_slice %arg12[%mul3A_0, %dma_start3A_227] : memref<10000x16xf32, #tpu.memory_space<hbm>> -> memref<625x16xf32, #tpu.memory_space<hbm>>
        %dma_start3A_229 = arith.constant 0 : i32
        %dma_start3A_230 = tpu.memref_slice %arg26[%mul3A_0, %dma_start3A_229] : memref<10000x16xf32, #tpu.memory_space<vmem_shared>> -> memref<625x16xf32, #tpu.memory_space<vmem_shared>>
        tpu.enqueue_dma source(%dma_start3A_230 : memref<625x16xf32, #tpu.memory_space<vmem_shared>>) target(%dma_start3A_228 : memref<625x16xf32, #tpu.memory_space<hbm>>) target_semaphore(%run_scoped3A : memref<!tpu.dma_semaphore, #tpu.memory_space<semaphore_mem>>)
        %dma_wait3A_231 = arith.constant 0 : i32
        %dma_wait3A_232 = tpu.memref_slice %arg12[%mul3A_0, %dma_wait3A_231] : memref<10000x16xf32, #tpu.memory_space<hbm>> -> memref<625x16xf32, #tpu.memory_space<hbm>>
        %dma_wait3A_233 = arith.constant 0 : i32
        %dma_wait3A_234 = tpu.memref_slice %arg26[%mul3A_0, %dma_wait3A_233] : memref<10000x16xf32, #tpu.memory_space<vmem_shared>> -> memref<625x16xf32, #tpu.memory_space<vmem_shared>>
        tpu.wait_dma2 semaphore(%run_scoped3A : memref<!tpu.dma_semaphore, #tpu.memory_space<semaphore_mem>>) src(%dma_wait3A_234 : memref<625x16xf32, #tpu.memory_space<vmem_shared>>) dst(%dma_wait3A_232 : memref<625x16xf32, #tpu.memory_space<hbm>>)
        tpu.yield
      }) : () -> ()
    } else {
    }
    "tpu.region"() ({
      %run_scoped3A = tpu.sem_alloc : memref<!tpu.dma_semaphore, #tpu.memory_space<semaphore_mem>>
      %dma_start3A_227 = arith.constant 0 : i32
      %dma_start3A_228 = tpu.memref_slice %arg25[%mul3A_0, %dma_start3A_227] : memref<10000x64xf32, #tpu.memory_space<vmem_shared>> -> memref<625x64xf32, #tpu.memory_space<vmem_shared>>
      tpu.enqueue_dma source(%arg8 : memref<625x64xf32, #tpu.memory_space<hbm>>) target(%dma_start3A_228 : memref<625x64xf32, #tpu.memory_space<vmem_shared>>) target_semaphore(%run_scoped3A : memref<!tpu.dma_semaphore, #tpu.memory_space<semaphore_mem>>)
      %dma_wait3A_229 = arith.constant 0 : i32
      %dma_wait3A_230 = tpu.memref_slice %arg25[%mul3A_0, %dma_wait3A_229] : memref<10000x64xf32, #tpu.memory_space<vmem_shared>> -> memref<625x64xf32, #tpu.memory_space<vmem_shared>>
      tpu.wait_dma2 semaphore(%run_scoped3A : memref<!tpu.dma_semaphore, #tpu.memory_space<semaphore_mem>>) src(%arg8 : memref<625x64xf32, #tpu.memory_space<hbm>>) dst(%dma_wait3A_230 : memref<625x64xf32, #tpu.memory_space<vmem_shared>>)
      tpu.yield
    }) : () -> ()
    "tpu.region"() ({
      %run_scoped3A = tpu.sem_alloc : memref<!tpu.dma_semaphore, #tpu.memory_space<semaphore_mem>>
      %dma_start3A_227 = arith.constant 0 : i32
      %dma_start3A_228 = tpu.memref_slice %arg26[%mul3A_0, %dma_start3A_227] : memref<10000x16xf32, #tpu.memory_space<vmem_shared>> -> memref<625x16xf32, #tpu.memory_space<vmem_shared>>
      tpu.enqueue_dma source(%arg9 : memref<625x16xf32, #tpu.memory_space<hbm>>) target(%dma_start3A_228 : memref<625x16xf32, #tpu.memory_space<vmem_shared>>) target_semaphore(%run_scoped3A : memref<!tpu.dma_semaphore, #tpu.memory_space<semaphore_mem>>)
      %dma_wait3A_229 = arith.constant 0 : i32
      %dma_wait3A_230 = tpu.memref_slice %arg26[%mul3A_0, %dma_wait3A_229] : memref<10000x16xf32, #tpu.memory_space<vmem_shared>> -> memref<625x16xf32, #tpu.memory_space<vmem_shared>>
      tpu.wait_dma2 semaphore(%run_scoped3A : memref<!tpu.dma_semaphore, #tpu.memory_space<semaphore_mem>>) src(%arg9 : memref<625x16xf32, #tpu.memory_space<hbm>>) dst(%dma_wait3A_230 : memref<625x16xf32, #tpu.memory_space<vmem_shared>>)
      tpu.yield
    }) : () -> ()
    %barrier3A_170 = arith.constant 0 : index
    tpu.barrier barrier_id(%barrier3A_170)
    "tpu.region"() ({
      %run_scoped3A = tpu.sem_alloc : memref<!tpu.dma_semaphore, #tpu.memory_space<semaphore_mem>>
      %dma_start3A_227 = arith.constant 0 : i32
      %dma_start3A_228 = arith.constant 0 : i32
      %dma_start3A_229 = tpu.memref_slice %arg6[%arg0, %arg1, %dma_start3A_227, %dma_start3A_228] : memref<2x16x80x125xi32, #tpu.memory_space<hbm>> -> memref<1x1x80x125xi32, #tpu.memory_space<hbm>>
      %dma_start3A_230 = tpu.memref_squeeze %dma_start3A_229 : memref<1x1x80x125xi32, #tpu.memory_space<hbm>> -> memref<80x125xi32, #tpu.memory_space<hbm>>
      %dma_start3A_231 = arith.constant 0 : i32
      %dma_start3A_232 = arith.constant 0 : i32
      %dma_start3A_233 = tpu.memref_slice %arg6[%arg0, %arg1, %dma_start3A_231, %dma_start3A_232] : memref<2x16x80x125xi32, #tpu.memory_space<hbm>> -> memref<1x1x80x125xi32, #tpu.memory_space<hbm>>
      %dma_start3A_234 = tpu.memref_squeeze %dma_start3A_233 : memref<1x1x80x125xi32, #tpu.memory_space<hbm>> -> memref<80x125xi32, #tpu.memory_space<hbm>>
      tpu.enqueue_dma source(%dma_start3A_234 : memref<80x125xi32, #tpu.memory_space<hbm>>) target(%arg17 : memref<80x125xi32, #tpu.memory_space<vmem>>) target_semaphore(%run_scoped3A : memref<!tpu.dma_semaphore, #tpu.memory_space<semaphore_mem>>)
      %dma_wait3A_235 = arith.constant 0 : i32
      %dma_wait3A_236 = arith.constant 0 : i32
      %dma_wait3A_237 = tpu.memref_slice %arg6[%arg0, %arg1, %dma_wait3A_235, %dma_wait3A_236] : memref<2x16x80x125xi32, #tpu.memory_space<hbm>> -> memref<1x1x80x125xi32, #tpu.memory_space<hbm>>
      %dma_wait3A_238 = tpu.memref_squeeze %dma_wait3A_237 : memref<1x1x80x125xi32, #tpu.memory_space<hbm>> -> memref<80x125xi32, #tpu.memory_space<hbm>>
      %dma_wait3A_239 = arith.constant 0 : i32
      %dma_wait3A_240 = arith.constant 0 : i32
      %dma_wait3A_241 = tpu.memref_slice %arg6[%arg0, %arg1, %dma_wait3A_239, %dma_wait3A_240] : memref<2x16x80x125xi32, #tpu.memory_space<hbm>> -> memref<1x1x80x125xi32, #tpu.memory_space<hbm>>
      %dma_wait3A_242 = tpu.memref_squeeze %dma_wait3A_241 : memref<1x1x80x125xi32, #tpu.memory_space<hbm>> -> memref<80x125xi32, #tpu.memory_space<hbm>>
      tpu.wait_dma2 semaphore(%run_scoped3A : memref<!tpu.dma_semaphore, #tpu.memory_space<semaphore_mem>>) src(%dma_wait3A_242 : memref<80x125xi32, #tpu.memory_space<hbm>>) dst(%arg17 : memref<80x125xi32, #tpu.memory_space<vmem>>)
      tpu.yield
    }) : () -> ()
    "tpu.region"() ({
      %run_scoped3A = tpu.sem_alloc : memref<!tpu.dma_semaphore, #tpu.memory_space<semaphore_mem>>
      %dma_start3A_227 = arith.constant 0 : i32
      %dma_start3A_228 = arith.constant 0 : i32
      %dma_start3A_229 = tpu.memref_slice %arg7[%arg1, %dma_start3A_227, %dma_start3A_228] : memref<16x80x125xi32, #tpu.memory_space<hbm>> -> memref<1x80x125xi32, #tpu.memory_space<hbm>>
      %dma_start3A_230 = tpu.memref_squeeze %dma_start3A_229 : memref<1x80x125xi32, #tpu.memory_space<hbm>> -> memref<80x125xi32, #tpu.memory_space<hbm>>
      %dma_start3A_231 = arith.constant 0 : i32
      %dma_start3A_232 = arith.constant 0 : i32
      %dma_start3A_233 = tpu.memref_slice %arg7[%arg1, %dma_start3A_231, %dma_start3A_232] : memref<16x80x125xi32, #tpu.memory_space<hbm>> -> memref<1x80x125xi32, #tpu.memory_space<hbm>>
      %dma_start3A_234 = tpu.memref_squeeze %dma_start3A_233 : memref<1x80x125xi32, #tpu.memory_space<hbm>> -> memref<80x125xi32, #tpu.memory_space<hbm>>
      tpu.enqueue_dma source(%dma_start3A_234 : memref<80x125xi32, #tpu.memory_space<hbm>>) target(%arg18 : memref<80x125xi32, #tpu.memory_space<vmem>>) target_semaphore(%run_scoped3A : memref<!tpu.dma_semaphore, #tpu.memory_space<semaphore_mem>>)
      %dma_wait3A_235 = arith.constant 0 : i32
      %dma_wait3A_236 = arith.constant 0 : i32
      %dma_wait3A_237 = tpu.memref_slice %arg7[%arg1, %dma_wait3A_235, %dma_wait3A_236] : memref<16x80x125xi32, #tpu.memory_space<hbm>> -> memref<1x80x125xi32, #tpu.memory_space<hbm>>
      %dma_wait3A_238 = tpu.memref_squeeze %dma_wait3A_237 : memref<1x80x125xi32, #tpu.memory_space<hbm>> -> memref<80x125xi32, #tpu.memory_space<hbm>>
      %dma_wait3A_239 = arith.constant 0 : i32
      %dma_wait3A_240 = arith.constant 0 : i32
      %dma_wait3A_241 = tpu.memref_slice %arg7[%arg1, %dma_wait3A_239, %dma_wait3A_240] : memref<16x80x125xi32, #tpu.memory_space<hbm>> -> memref<1x80x125xi32, #tpu.memory_space<hbm>>
      %dma_wait3A_242 = tpu.memref_squeeze %dma_wait3A_241 : memref<1x80x125xi32, #tpu.memory_space<hbm>> -> memref<80x125xi32, #tpu.memory_space<hbm>>
      tpu.wait_dma2 semaphore(%run_scoped3A : memref<!tpu.dma_semaphore, #tpu.memory_space<semaphore_mem>>) src(%dma_wait3A_242 : memref<80x125xi32, #tpu.memory_space<hbm>>) dst(%arg18 : memref<80x125xi32, #tpu.memory_space<vmem>>)
      tpu.yield
    }) : () -> ()
    %eq3A_171 = arith.constant 1 : i32
    %eq3A_172 = arith.cmpi eq, %arg0, %eq3A_171 : i32
    %dma_start3A_173 = arith.constant 0 : i32
    %dma_start3A_174 = arith.constant 0 : i32
    %dma_start3A_175 = tpu.memref_slice %arg17[%dma_start3A_173, %dma_start3A_174] : memref<80x125xi32, #tpu.memory_space<vmem>> -> memref<1x125xi32, #tpu.memory_space<vmem>>
    %dma_start3A_176 = tpu.memref_squeeze %dma_start3A_175 : memref<1x125xi32, #tpu.memory_space<vmem>> -> memref<125xi32, #tpu.memory_space<vmem>>
    %dma_start3A_177 = arith.constant 0 : i32
    %dma_start3A_178 = arith.constant 0 : i32
    %dma_start3A_179 = tpu.memref_slice %arg16[%dma_start3A_177, %dma_start3A_178] : memref<20000x64xf32, #tpu.memory_space<hbm>> -> memref<20000x64xf32, #tpu.memory_space<hbm>>
    tpu.enqueue_indirect_dma source(%dma_start3A_179 : memref<20000x64xf32, #tpu.memory_space<hbm>>) target(%arg19 : memref<125x64xf32, #tpu.memory_space<vmem>>) offsets(%dma_start3A_176 : memref<125xi32, #tpu.memory_space<vmem>>) semaphore(%arg27 : memref<!tpu.dma_semaphore, #tpu.memory_space<semaphore_mem>>)
    %dma_start3A_180 = arith.constant 1 : i32
    %dma_start3A_181 = arith.constant 0 : i32
    %dma_start3A_182 = tpu.memref_slice %arg17[%dma_start3A_180, %dma_start3A_181] : memref<80x125xi32, #tpu.memory_space<vmem>> -> memref<1x125xi32, #tpu.memory_space<vmem>>
    %dma_start3A_183 = tpu.memref_squeeze %dma_start3A_182 : memref<1x125xi32, #tpu.memory_space<vmem>> -> memref<125xi32, #tpu.memory_space<vmem>>
    %dma_start3A_184 = arith.constant 0 : i32
    %dma_start3A_185 = arith.constant 0 : i32
    %dma_start3A_186 = tpu.memref_slice %arg16[%dma_start3A_184, %dma_start3A_185] : memref<20000x64xf32, #tpu.memory_space<hbm>> -> memref<20000x64xf32, #tpu.memory_space<hbm>>
    tpu.enqueue_indirect_dma source(%dma_start3A_186 : memref<20000x64xf32, #tpu.memory_space<hbm>>) target(%arg20 : memref<125x64xf32, #tpu.memory_space<vmem>>) offsets(%dma_start3A_183 : memref<125xi32, #tpu.memory_space<vmem>>) semaphore(%arg28 : memref<!tpu.dma_semaphore, #tpu.memory_space<semaphore_mem>>)
    %scan3A_187 = arith.constant 0 : i32
    %scan3A_188 = arith.constant 0 : i32
    %scan3A_189 = arith.constant 16 : i32
    %scan3A_190 = arith.addi %scan3A_188, %scan3A_189 : i32
    %scan3A_191 = arith.constant 1 : i32
    scf.for %scan3A_227 = %scan3A_188 to %scan3A_190 step %scan3A_191  : i32 {
      %mul3A_228 = arith.constant 5 : i32
      %mul3A_229 = arith.muli %mul3A_228, %scan3A_227 : i32
      %add3A_230 = arith.constant 0 : i32
      %add3A_231 = arith.addi %mul3A_229, %add3A_230 : i32
      %ge3A = arith.constant 3 : i32
      %ge3A_232 = arith.cmpi sge, %add3A_231, %ge3A : i32
      %convert_element_type3A_233 = arith.extui %ge3A_232 : i1 to i32
      %cond3A_234 = arith.constant 0 : i32
      %cond3A_235 = arith.cmpi ne, %convert_element_type3A_233, %cond3A_234 : i32
      scf.if %cond3A_235 {
        %sub3A_392 = arith.constant 3 : i32
        %sub3A_393 = arith.subi %add3A_231, %sub3A_392 : i32
        %dma_wait3A_394 = arith.constant 0 : i32
        %dma_wait3A_395 = tpu.memref_slice %arg18[%sub3A_393, %dma_wait3A_394] : memref<80x125xi32, #tpu.memory_space<vmem>> -> memref<1x125xi32, #tpu.memory_space<vmem>>
        %dma_wait3A_396 = tpu.memref_squeeze %dma_wait3A_395 : memref<1x125xi32, #tpu.memory_space<vmem>> -> memref<125xi32, #tpu.memory_space<vmem>>
        %dma_wait3A_397 = arith.constant 0 : i32
        %dma_wait3A_398 = arith.constant 0 : i32
        %dma_wait3A_399 = tpu.memref_slice %arg25[%dma_wait3A_397, %dma_wait3A_398] : memref<10000x64xf32, #tpu.memory_space<vmem_shared>> -> memref<10000x64xf32, #tpu.memory_space<vmem_shared>>
        tpu.wait_indirect_dma semaphore(%arg34 : memref<!tpu.dma_semaphore, #tpu.memory_space<semaphore_mem>>) src(%arg21 : memref<125x64xf32, #tpu.memory_space<vmem>>) dst(%dma_wait3A_399 : memref<10000x64xf32, #tpu.memory_space<vmem_shared>>)
        %convert_element_type3A_400 = arith.extui %eq3A_172 : i1 to i32
        %cond3A_401 = arith.constant 0 : i32
        %cond3A_402 = arith.cmpi ne, %convert_element_type3A_400, %cond3A_401 : i32
        scf.if %cond3A_402 {
          %dma_wait3A_403 = arith.constant 0 : i32
          %dma_wait3A_404 = tpu.memref_slice %arg18[%sub3A_393, %dma_wait3A_403] : memref<80x125xi32, #tpu.memory_space<vmem>> -> memref<1x125xi32, #tpu.memory_space<vmem>>
          %dma_wait3A_405 = tpu.memref_squeeze %dma_wait3A_404 : memref<1x125xi32, #tpu.memory_space<vmem>> -> memref<125xi32, #tpu.memory_space<vmem>>
          %dma_wait3A_406 = arith.constant 0 : i32
          %dma_wait3A_407 = arith.constant 0 : i32
          %dma_wait3A_408 = tpu.memref_slice %arg26[%dma_wait3A_406, %dma_wait3A_407] : memref<10000x16xf32, #tpu.memory_space<vmem_shared>> -> memref<10000x16xf32, #tpu.memory_space<vmem_shared>>
          tpu.wait_indirect_dma semaphore(%arg37 : memref<!tpu.dma_semaphore, #tpu.memory_space<semaphore_mem>>) src(%arg24 : memref<125x16xf32, #tpu.memory_space<vmem>>) dst(%dma_wait3A_408 : memref<10000x16xf32, #tpu.memory_space<vmem_shared>>)
        } else {
        }
      } else {
      }
      %add3A_236 = arith.constant 2 : i32
      %add3A_237 = arith.addi %add3A_231, %add3A_236 : i32
      %lt3A = arith.constant 80 : i32
      %lt3A_238 = arith.cmpi slt, %add3A_237, %lt3A : i32
      %convert_element_type3A_239 = arith.extui %lt3A_238 : i1 to i32
      %cond3A_240 = arith.constant 0 : i32
      %cond3A_241 = arith.cmpi ne, %convert_element_type3A_239, %cond3A_240 : i32
      scf.if %cond3A_241 {
        %add3A_392 = arith.constant 2 : i32
        %add3A_393 = arith.addi %add3A_231, %add3A_392 : i32
        %dma_start3A_394 = arith.constant 0 : i32
        %dma_start3A_395 = tpu.memref_slice %arg17[%add3A_393, %dma_start3A_394] : memref<80x125xi32, #tpu.memory_space<vmem>> -> memref<1x125xi32, #tpu.memory_space<vmem>>
        %dma_start3A_396 = tpu.memref_squeeze %dma_start3A_395 : memref<1x125xi32, #tpu.memory_space<vmem>> -> memref<125xi32, #tpu.memory_space<vmem>>
        %dma_start3A_397 = arith.constant 0 : i32
        %dma_start3A_398 = arith.constant 0 : i32
        %dma_start3A_399 = tpu.memref_slice %arg16[%dma_start3A_397, %dma_start3A_398] : memref<20000x64xf32, #tpu.memory_space<hbm>> -> memref<20000x64xf32, #tpu.memory_space<hbm>>
        tpu.enqueue_indirect_dma source(%dma_start3A_399 : memref<20000x64xf32, #tpu.memory_space<hbm>>) target(%arg21 : memref<125x64xf32, #tpu.memory_space<vmem>>) offsets(%dma_start3A_396 : memref<125xi32, #tpu.memory_space<vmem>>) semaphore(%arg29 : memref<!tpu.dma_semaphore, #tpu.memory_space<semaphore_mem>>)
      } else {
      }
      %dma_wait3A_242 = arith.constant 0 : i32
      %dma_wait3A_243 = tpu.memref_slice %arg17[%add3A_231, %dma_wait3A_242] : memref<80x125xi32, #tpu.memory_space<vmem>> -> memref<1x125xi32, #tpu.memory_space<vmem>>
      %dma_wait3A_244 = tpu.memref_squeeze %dma_wait3A_243 : memref<1x125xi32, #tpu.memory_space<vmem>> -> memref<125xi32, #tpu.memory_space<vmem>>
      %dma_wait3A_245 = arith.constant 0 : i32
      %dma_wait3A_246 = arith.constant 0 : i32
      %dma_wait3A_247 = tpu.memref_slice %arg16[%dma_wait3A_245, %dma_wait3A_246] : memref<20000x64xf32, #tpu.memory_space<hbm>> -> memref<20000x64xf32, #tpu.memory_space<hbm>>
      tpu.wait_indirect_dma semaphore(%arg27 : memref<!tpu.dma_semaphore, #tpu.memory_space<semaphore_mem>>) src(%dma_wait3A_247 : memref<20000x64xf32, #tpu.memory_space<hbm>>) dst(%arg19 : memref<125x64xf32, #tpu.memory_space<vmem>>)
      %dma_start3A_248 = arith.constant 0 : i32
      %dma_start3A_249 = tpu.memref_slice %arg18[%add3A_231, %dma_start3A_248] : memref<80x125xi32, #tpu.memory_space<vmem>> -> memref<1x125xi32, #tpu.memory_space<vmem>>
      %dma_start3A_250 = tpu.memref_squeeze %dma_start3A_249 : memref<1x125xi32, #tpu.memory_space<vmem>> -> memref<125xi32, #tpu.memory_space<vmem>>
      %dma_start3A_251 = arith.constant 0 : i32
      %dma_start3A_252 = arith.constant 0 : i32
      %dma_start3A_253 = tpu.memref_slice %arg25[%dma_start3A_251, %dma_start3A_252] : memref<10000x64xf32, #tpu.memory_space<vmem_shared>> -> memref<10000x64xf32, #tpu.memory_space<vmem_shared>>
      tpu.enqueue_indirect_dma source(%arg19 : memref<125x64xf32, #tpu.memory_space<vmem>>) target(%dma_start3A_253 : memref<10000x64xf32, #tpu.memory_space<vmem_shared>>) offsets(%dma_start3A_250 : memref<125xi32, #tpu.memory_space<vmem>>) semaphore(%arg32 : memref<!tpu.dma_semaphore, #tpu.memory_space<semaphore_mem>>) {add = true}
      %convert_element_type3A_254 = arith.extui %eq3A_172 : i1 to i32
      %cond3A_255 = arith.constant 0 : i32
      %cond3A_256 = arith.cmpi ne, %convert_element_type3A_254, %cond3A_255 : i32
      scf.if %cond3A_256 {
        %dma_start3A_392 = arith.constant 0 : i32
        %dma_start3A_393 = tpu.memref_slice %arg18[%add3A_231, %dma_start3A_392] : memref<80x125xi32, #tpu.memory_space<vmem>> -> memref<1x125xi32, #tpu.memory_space<vmem>>
        %dma_start3A_394 = tpu.memref_squeeze %dma_start3A_393 : memref<1x125xi32, #tpu.memory_space<vmem>> -> memref<125xi32, #tpu.memory_space<vmem>>
        %dma_start3A_395 = arith.constant 0 : i32
        %dma_start3A_396 = arith.constant 0 : i32
        %dma_start3A_397 = tpu.memref_slice %arg26[%dma_start3A_395, %dma_start3A_396] : memref<10000x16xf32, #tpu.memory_space<vmem_shared>> -> memref<10000x16xf32, #tpu.memory_space<vmem_shared>>
        tpu.enqueue_indirect_dma source(%arg24 : memref<125x16xf32, #tpu.memory_space<vmem>>) target(%dma_start3A_397 : memref<10000x16xf32, #tpu.memory_space<vmem_shared>>) offsets(%dma_start3A_394 : memref<125xi32, #tpu.memory_space<vmem>>) semaphore(%arg37 : memref<!tpu.dma_semaphore, #tpu.memory_space<semaphore_mem>>) {add = true}
      } else {
      }
      %mul3A_257 = arith.constant 5 : i32
      %mul3A_258 = arith.muli %mul3A_257, %scan3A_227 : i32
      %add3A_259 = arith.constant 1 : i32
      %add3A_260 = arith.addi %mul3A_258, %add3A_259 : i32
      %ge3A_261 = arith.constant 3 : i32
      %ge3A_262 = arith.cmpi sge, %add3A_260, %ge3A_261 : i32
      %convert_element_type3A_263 = arith.extui %ge3A_262 : i1 to i32
      %cond3A_264 = arith.constant 0 : i32
      %cond3A_265 = arith.cmpi ne, %convert_element_type3A_263, %cond3A_264 : i32
      scf.if %cond3A_265 {
        %sub3A_392 = arith.constant 3 : i32
        %sub3A_393 = arith.subi %add3A_260, %sub3A_392 : i32
        %dma_wait3A_394 = arith.constant 0 : i32
        %dma_wait3A_395 = tpu.memref_slice %arg18[%sub3A_393, %dma_wait3A_394] : memref<80x125xi32, #tpu.memory_space<vmem>> -> memref<1x125xi32, #tpu.memory_space<vmem>>
        %dma_wait3A_396 = tpu.memref_squeeze %dma_wait3A_395 : memref<1x125xi32, #tpu.memory_space<vmem>> -> memref<125xi32, #tpu.memory_space<vmem>>
        %dma_wait3A_397 = arith.constant 0 : i32
        %dma_wait3A_398 = arith.constant 0 : i32
        %dma_wait3A_399 = tpu.memref_slice %arg25[%dma_wait3A_397, %dma_wait3A_398] : memref<10000x64xf32, #tpu.memory_space<vmem_shared>> -> memref<10000x64xf32, #tpu.memory_space<vmem_shared>>
        tpu.wait_indirect_dma semaphore(%arg35 : memref<!tpu.dma_semaphore, #tpu.memory_space<semaphore_mem>>) src(%arg22 : memref<125x64xf32, #tpu.memory_space<vmem>>) dst(%dma_wait3A_399 : memref<10000x64xf32, #tpu.memory_space<vmem_shared>>)
        %convert_element_type3A_400 = arith.extui %eq3A_172 : i1 to i32
        %cond3A_401 = arith.constant 0 : i32
        %cond3A_402 = arith.cmpi ne, %convert_element_type3A_400, %cond3A_401 : i32
        scf.if %cond3A_402 {
          %dma_wait3A_403 = arith.constant 0 : i32
          %dma_wait3A_404 = tpu.memref_slice %arg18[%sub3A_393, %dma_wait3A_403] : memref<80x125xi32, #tpu.memory_space<vmem>> -> memref<1x125xi32, #tpu.memory_space<vmem>>
          %dma_wait3A_405 = tpu.memref_squeeze %dma_wait3A_404 : memref<1x125xi32, #tpu.memory_space<vmem>> -> memref<125xi32, #tpu.memory_space<vmem>>
          %dma_wait3A_406 = arith.constant 0 : i32
          %dma_wait3A_407 = arith.constant 0 : i32
          %dma_wait3A_408 = tpu.memref_slice %arg26[%dma_wait3A_406, %dma_wait3A_407] : memref<10000x16xf32, #tpu.memory_space<vmem_shared>> -> memref<10000x16xf32, #tpu.memory_space<vmem_shared>>
          tpu.wait_indirect_dma semaphore(%arg37 : memref<!tpu.dma_semaphore, #tpu.memory_space<semaphore_mem>>) src(%arg24 : memref<125x16xf32, #tpu.memory_space<vmem>>) dst(%dma_wait3A_408 : memref<10000x16xf32, #tpu.memory_space<vmem_shared>>)
        } else {
        }
      } else {
      }
      %add3A_266 = arith.constant 2 : i32
      %add3A_267 = arith.addi %add3A_260, %add3A_266 : i32
      %lt3A_268 = arith.constant 80 : i32
      %lt3A_269 = arith.cmpi slt, %add3A_267, %lt3A_268 : i32
      %convert_element_type3A_270 = arith.extui %lt3A_269 : i1 to i32
      %cond3A_271 = arith.constant 0 : i32
      %cond3A_272 = arith.cmpi ne, %convert_element_type3A_270, %cond3A_271 : i32
      scf.if %cond3A_272 {
        %add3A_392 = arith.constant 2 : i32
        %add3A_393 = arith.addi %add3A_260, %add3A_392 : i32
        %dma_start3A_394 = arith.constant 0 : i32
        %dma_start3A_395 = tpu.memref_slice %arg17[%add3A_393, %dma_start3A_394] : memref<80x125xi32, #tpu.memory_space<vmem>> -> memref<1x125xi32, #tpu.memory_space<vmem>>
        %dma_start3A_396 = tpu.memref_squeeze %dma_start3A_395 : memref<1x125xi32, #tpu.memory_space<vmem>> -> memref<125xi32, #tpu.memory_space<vmem>>
        %dma_start3A_397 = arith.constant 0 : i32
        %dma_start3A_398 = arith.constant 0 : i32
        %dma_start3A_399 = tpu.memref_slice %arg16[%dma_start3A_397, %dma_start3A_398] : memref<20000x64xf32, #tpu.memory_space<hbm>> -> memref<20000x64xf32, #tpu.memory_space<hbm>>
        tpu.enqueue_indirect_dma source(%dma_start3A_399 : memref<20000x64xf32, #tpu.memory_space<hbm>>) target(%arg22 : memref<125x64xf32, #tpu.memory_space<vmem>>) offsets(%dma_start3A_396 : memref<125xi32, #tpu.memory_space<vmem>>) semaphore(%arg30 : memref<!tpu.dma_semaphore, #tpu.memory_space<semaphore_mem>>)
      } else {
      }
      %dma_wait3A_273 = arith.constant 0 : i32
      %dma_wait3A_274 = tpu.memref_slice %arg17[%add3A_260, %dma_wait3A_273] : memref<80x125xi32, #tpu.memory_space<vmem>> -> memref<1x125xi32, #tpu.memory_space<vmem>>
      %dma_wait3A_275 = tpu.memref_squeeze %dma_wait3A_274 : memref<1x125xi32, #tpu.memory_space<vmem>> -> memref<125xi32, #tpu.memory_space<vmem>>
      %dma_wait3A_276 = arith.constant 0 : i32
      %dma_wait3A_277 = arith.constant 0 : i32
      %dma_wait3A_278 = tpu.memref_slice %arg16[%dma_wait3A_276, %dma_wait3A_277] : memref<20000x64xf32, #tpu.memory_space<hbm>> -> memref<20000x64xf32, #tpu.memory_space<hbm>>
      tpu.wait_indirect_dma semaphore(%arg28 : memref<!tpu.dma_semaphore, #tpu.memory_space<semaphore_mem>>) src(%dma_wait3A_278 : memref<20000x64xf32, #tpu.memory_space<hbm>>) dst(%arg20 : memref<125x64xf32, #tpu.memory_space<vmem>>)
      %dma_start3A_279 = arith.constant 0 : i32
      %dma_start3A_280 = tpu.memref_slice %arg18[%add3A_260, %dma_start3A_279] : memref<80x125xi32, #tpu.memory_space<vmem>> -> memref<1x125xi32, #tpu.memory_space<vmem>>
      %dma_start3A_281 = tpu.memref_squeeze %dma_start3A_280 : memref<1x125xi32, #tpu.memory_space<vmem>> -> memref<125xi32, #tpu.memory_space<vmem>>
      %dma_start3A_282 = arith.constant 0 : i32
      %dma_start3A_283 = arith.constant 0 : i32
      %dma_start3A_284 = tpu.memref_slice %arg25[%dma_start3A_282, %dma_start3A_283] : memref<10000x64xf32, #tpu.memory_space<vmem_shared>> -> memref<10000x64xf32, #tpu.memory_space<vmem_shared>>
      tpu.enqueue_indirect_dma source(%arg20 : memref<125x64xf32, #tpu.memory_space<vmem>>) target(%dma_start3A_284 : memref<10000x64xf32, #tpu.memory_space<vmem_shared>>) offsets(%dma_start3A_281 : memref<125xi32, #tpu.memory_space<vmem>>) semaphore(%arg33 : memref<!tpu.dma_semaphore, #tpu.memory_space<semaphore_mem>>) {add = true}
      %convert_element_type3A_285 = arith.extui %eq3A_172 : i1 to i32
      %cond3A_286 = arith.constant 0 : i32
      %cond3A_287 = arith.cmpi ne, %convert_element_type3A_285, %cond3A_286 : i32
      scf.if %cond3A_287 {
        %dma_start3A_392 = arith.constant 0 : i32
        %dma_start3A_393 = tpu.memref_slice %arg18[%add3A_260, %dma_start3A_392] : memref<80x125xi32, #tpu.memory_space<vmem>> -> memref<1x125xi32, #tpu.memory_space<vmem>>
        %dma_start3A_394 = tpu.memref_squeeze %dma_start3A_393 : memref<1x125xi32, #tpu.memory_space<vmem>> -> memref<125xi32, #tpu.memory_space<vmem>>
        %dma_start3A_395 = arith.constant 0 : i32
        %dma_start3A_396 = arith.constant 0 : i32
        %dma_start3A_397 = tpu.memref_slice %arg26[%dma_start3A_395, %dma_start3A_396] : memref<10000x16xf32, #tpu.memory_space<vmem_shared>> -> memref<10000x16xf32, #tpu.memory_space<vmem_shared>>
        tpu.enqueue_indirect_dma source(%arg24 : memref<125x16xf32, #tpu.memory_space<vmem>>) target(%dma_start3A_397 : memref<10000x16xf32, #tpu.memory_space<vmem_shared>>) offsets(%dma_start3A_394 : memref<125xi32, #tpu.memory_space<vmem>>) semaphore(%arg37 : memref<!tpu.dma_semaphore, #tpu.memory_space<semaphore_mem>>) {add = true}
      } else {
      }
      %mul3A_288 = arith.constant 5 : i32
      %mul3A_289 = arith.muli %mul3A_288, %scan3A_227 : i32
      %add3A_290 = arith.constant 2 : i32
      %add3A_291 = arith.addi %mul3A_289, %add3A_290 : i32
      %ge3A_292 = arith.constant 3 : i32
      %ge3A_293 = arith.cmpi sge, %add3A_291, %ge3A_292 : i32
      %convert_element_type3A_294 = arith.extui %ge3A_293 : i1 to i32
      %cond3A_295 = arith.constant 0 : i32
      %cond3A_296 = arith.cmpi ne, %convert_element_type3A_294, %cond3A_295 : i32
      scf.if %cond3A_296 {
        %sub3A_392 = arith.constant 3 : i32
        %sub3A_393 = arith.subi %add3A_291, %sub3A_392 : i32
        %dma_wait3A_394 = arith.constant 0 : i32
        %dma_wait3A_395 = tpu.memref_slice %arg18[%sub3A_393, %dma_wait3A_394] : memref<80x125xi32, #tpu.memory_space<vmem>> -> memref<1x125xi32, #tpu.memory_space<vmem>>
        %dma_wait3A_396 = tpu.memref_squeeze %dma_wait3A_395 : memref<1x125xi32, #tpu.memory_space<vmem>> -> memref<125xi32, #tpu.memory_space<vmem>>
        %dma_wait3A_397 = arith.constant 0 : i32
        %dma_wait3A_398 = arith.constant 0 : i32
        %dma_wait3A_399 = tpu.memref_slice %arg25[%dma_wait3A_397, %dma_wait3A_398] : memref<10000x64xf32, #tpu.memory_space<vmem_shared>> -> memref<10000x64xf32, #tpu.memory_space<vmem_shared>>
        tpu.wait_indirect_dma semaphore(%arg36 : memref<!tpu.dma_semaphore, #tpu.memory_space<semaphore_mem>>) src(%arg23 : memref<125x64xf32, #tpu.memory_space<vmem>>) dst(%dma_wait3A_399 : memref<10000x64xf32, #tpu.memory_space<vmem_shared>>)
        %convert_element_type3A_400 = arith.extui %eq3A_172 : i1 to i32
        %cond3A_401 = arith.constant 0 : i32
        %cond3A_402 = arith.cmpi ne, %convert_element_type3A_400, %cond3A_401 : i32
        scf.if %cond3A_402 {
          %dma_wait3A_403 = arith.constant 0 : i32
          %dma_wait3A_404 = tpu.memref_slice %arg18[%sub3A_393, %dma_wait3A_403] : memref<80x125xi32, #tpu.memory_space<vmem>> -> memref<1x125xi32, #tpu.memory_space<vmem>>
          %dma_wait3A_405 = tpu.memref_squeeze %dma_wait3A_404 : memref<1x125xi32, #tpu.memory_space<vmem>> -> memref<125xi32, #tpu.memory_space<vmem>>
          %dma_wait3A_406 = arith.constant 0 : i32
          %dma_wait3A_407 = arith.constant 0 : i32
          %dma_wait3A_408 = tpu.memref_slice %arg26[%dma_wait3A_406, %dma_wait3A_407] : memref<10000x16xf32, #tpu.memory_space<vmem_shared>> -> memref<10000x16xf32, #tpu.memory_space<vmem_shared>>
          tpu.wait_indirect_dma semaphore(%arg37 : memref<!tpu.dma_semaphore, #tpu.memory_space<semaphore_mem>>) src(%arg24 : memref<125x16xf32, #tpu.memory_space<vmem>>) dst(%dma_wait3A_408 : memref<10000x16xf32, #tpu.memory_space<vmem_shared>>)
        } else {
        }
      } else {
      }
      %add3A_297 = arith.constant 2 : i32
      %add3A_298 = arith.addi %add3A_291, %add3A_297 : i32
      %lt3A_299 = arith.constant 80 : i32
      %lt3A_300 = arith.cmpi slt, %add3A_298, %lt3A_299 : i32
      %convert_element_type3A_301 = arith.extui %lt3A_300 : i1 to i32
      %cond3A_302 = arith.constant 0 : i32
      %cond3A_303 = arith.cmpi ne, %convert_element_type3A_301, %cond3A_302 : i32
      scf.if %cond3A_303 {
        %add3A_392 = arith.constant 2 : i32
        %add3A_393 = arith.addi %add3A_291, %add3A_392 : i32
        %dma_start3A_394 = arith.constant 0 : i32
        %dma_start3A_395 = tpu.memref_slice %arg17[%add3A_393, %dma_start3A_394] : memref<80x125xi32, #tpu.memory_space<vmem>> -> memref<1x125xi32, #tpu.memory_space<vmem>>
        %dma_start3A_396 = tpu.memref_squeeze %dma_start3A_395 : memref<1x125xi32, #tpu.memory_space<vmem>> -> memref<125xi32, #tpu.memory_space<vmem>>
        %dma_start3A_397 = arith.constant 0 : i32
        %dma_start3A_398 = arith.constant 0 : i32
        %dma_start3A_399 = tpu.memref_slice %arg16[%dma_start3A_397, %dma_start3A_398] : memref<20000x64xf32, #tpu.memory_space<hbm>> -> memref<20000x64xf32, #tpu.memory_space<hbm>>
        tpu.enqueue_indirect_dma source(%dma_start3A_399 : memref<20000x64xf32, #tpu.memory_space<hbm>>) target(%arg23 : memref<125x64xf32, #tpu.memory_space<vmem>>) offsets(%dma_start3A_396 : memref<125xi32, #tpu.memory_space<vmem>>) semaphore(%arg31 : memref<!tpu.dma_semaphore, #tpu.memory_space<semaphore_mem>>)
      } else {
      }
      %dma_wait3A_304 = arith.constant 0 : i32
      %dma_wait3A_305 = tpu.memref_slice %arg17[%add3A_291, %dma_wait3A_304] : memref<80x125xi32, #tpu.memory_space<vmem>> -> memref<1x125xi32, #tpu.memory_space<vmem>>
      %dma_wait3A_306 = tpu.memref_squeeze %dma_wait3A_305 : memref<1x125xi32, #tpu.memory_space<vmem>> -> memref<125xi32, #tpu.memory_space<vmem>>
      %dma_wait3A_307 = arith.constant 0 : i32
      %dma_wait3A_308 = arith.constant 0 : i32
      %dma_wait3A_309 = tpu.memref_slice %arg16[%dma_wait3A_307, %dma_wait3A_308] : memref<20000x64xf32, #tpu.memory_space<hbm>> -> memref<20000x64xf32, #tpu.memory_space<hbm>>
      tpu.wait_indirect_dma semaphore(%arg29 : memref<!tpu.dma_semaphore, #tpu.memory_space<semaphore_mem>>) src(%dma_wait3A_309 : memref<20000x64xf32, #tpu.memory_space<hbm>>) dst(%arg21 : memref<125x64xf32, #tpu.memory_space<vmem>>)
      %dma_start3A_310 = arith.constant 0 : i32
      %dma_start3A_311 = tpu.memref_slice %arg18[%add3A_291, %dma_start3A_310] : memref<80x125xi32, #tpu.memory_space<vmem>> -> memref<1x125xi32, #tpu.memory_space<vmem>>
      %dma_start3A_312 = tpu.memref_squeeze %dma_start3A_311 : memref<1x125xi32, #tpu.memory_space<vmem>> -> memref<125xi32, #tpu.memory_space<vmem>>
      %dma_start3A_313 = arith.constant 0 : i32
      %dma_start3A_314 = arith.constant 0 : i32
      %dma_start3A_315 = tpu.memref_slice %arg25[%dma_start3A_313, %dma_start3A_314] : memref<10000x64xf32, #tpu.memory_space<vmem_shared>> -> memref<10000x64xf32, #tpu.memory_space<vmem_shared>>
      tpu.enqueue_indirect_dma source(%arg21 : memref<125x64xf32, #tpu.memory_space<vmem>>) target(%dma_start3A_315 : memref<10000x64xf32, #tpu.memory_space<vmem_shared>>) offsets(%dma_start3A_312 : memref<125xi32, #tpu.memory_space<vmem>>) semaphore(%arg34 : memref<!tpu.dma_semaphore, #tpu.memory_space<semaphore_mem>>) {add = true}
      %convert_element_type3A_316 = arith.extui %eq3A_172 : i1 to i32
      %cond3A_317 = arith.constant 0 : i32
      %cond3A_318 = arith.cmpi ne, %convert_element_type3A_316, %cond3A_317 : i32
      scf.if %cond3A_318 {
        %dma_start3A_392 = arith.constant 0 : i32
        %dma_start3A_393 = tpu.memref_slice %arg18[%add3A_291, %dma_start3A_392] : memref<80x125xi32, #tpu.memory_space<vmem>> -> memref<1x125xi32, #tpu.memory_space<vmem>>
        %dma_start3A_394 = tpu.memref_squeeze %dma_start3A_393 : memref<1x125xi32, #tpu.memory_space<vmem>> -> memref<125xi32, #tpu.memory_space<vmem>>
        %dma_start3A_395 = arith.constant 0 : i32
        %dma_start3A_396 = arith.constant 0 : i32
        %dma_start3A_397 = tpu.memref_slice %arg26[%dma_start3A_395, %dma_start3A_396] : memref<10000x16xf32, #tpu.memory_space<vmem_shared>> -> memref<10000x16xf32, #tpu.memory_space<vmem_shared>>
        tpu.enqueue_indirect_dma source(%arg24 : memref<125x16xf32, #tpu.memory_space<vmem>>) target(%dma_start3A_397 : memref<10000x16xf32, #tpu.memory_space<vmem_shared>>) offsets(%dma_start3A_394 : memref<125xi32, #tpu.memory_space<vmem>>) semaphore(%arg37 : memref<!tpu.dma_semaphore, #tpu.memory_space<semaphore_mem>>) {add = true}
      } else {
      }
      %mul3A_319 = arith.constant 5 : i32
      %mul3A_320 = arith.muli %mul3A_319, %scan3A_227 : i32
      %add3A_321 = arith.constant 3 : i32
      %add3A_322 = arith.addi %mul3A_320, %add3A_321 : i32
      %sub3A = arith.constant 3 : i32
      %sub3A_323 = arith.subi %add3A_322, %sub3A : i32
      %dma_wait3A_324 = arith.constant 0 : i32
      %dma_wait3A_325 = tpu.memref_slice %arg18[%sub3A_323, %dma_wait3A_324] : memref<80x125xi32, #tpu.memory_space<vmem>> -> memref<1x125xi32, #tpu.memory_space<vmem>>
      %dma_wait3A_326 = tpu.memref_squeeze %dma_wait3A_325 : memref<1x125xi32, #tpu.memory_space<vmem>> -> memref<125xi32, #tpu.memory_space<vmem>>
      %dma_wait3A_327 = arith.constant 0 : i32
      %dma_wait3A_328 = arith.constant 0 : i32
      %dma_wait3A_329 = tpu.memref_slice %arg25[%dma_wait3A_327, %dma_wait3A_328] : memref<10000x64xf32, #tpu.memory_space<vmem_shared>> -> memref<10000x64xf32, #tpu.memory_space<vmem_shared>>
      tpu.wait_indirect_dma semaphore(%arg32 : memref<!tpu.dma_semaphore, #tpu.memory_space<semaphore_mem>>) src(%arg19 : memref<125x64xf32, #tpu.memory_space<vmem>>) dst(%dma_wait3A_329 : memref<10000x64xf32, #tpu.memory_space<vmem_shared>>)
      %convert_element_type3A_330 = arith.extui %eq3A_172 : i1 to i32
      %cond3A_331 = arith.constant 0 : i32
      %cond3A_332 = arith.cmpi ne, %convert_element_type3A_330, %cond3A_331 : i32
      scf.if %cond3A_332 {
        %dma_wait3A_392 = arith.constant 0 : i32
        %dma_wait3A_393 = tpu.memref_slice %arg18[%sub3A_323, %dma_wait3A_392] : memref<80x125xi32, #tpu.memory_space<vmem>> -> memref<1x125xi32, #tpu.memory_space<vmem>>
        %dma_wait3A_394 = tpu.memref_squeeze %dma_wait3A_393 : memref<1x125xi32, #tpu.memory_space<vmem>> -> memref<125xi32, #tpu.memory_space<vmem>>
        %dma_wait3A_395 = arith.constant 0 : i32
        %dma_wait3A_396 = arith.constant 0 : i32
        %dma_wait3A_397 = tpu.memref_slice %arg26[%dma_wait3A_395, %dma_wait3A_396] : memref<10000x16xf32, #tpu.memory_space<vmem_shared>> -> memref<10000x16xf32, #tpu.memory_space<vmem_shared>>
        tpu.wait_indirect_dma semaphore(%arg37 : memref<!tpu.dma_semaphore, #tpu.memory_space<semaphore_mem>>) src(%arg24 : memref<125x16xf32, #tpu.memory_space<vmem>>) dst(%dma_wait3A_397 : memref<10000x16xf32, #tpu.memory_space<vmem_shared>>)
      } else {
      }
      %add3A_333 = arith.constant 2 : i32
      %add3A_334 = arith.addi %add3A_322, %add3A_333 : i32
      %lt3A_335 = arith.constant 80 : i32
      %lt3A_336 = arith.cmpi slt, %add3A_334, %lt3A_335 : i32
      %convert_element_type3A_337 = arith.extui %lt3A_336 : i1 to i32
      %cond3A_338 = arith.constant 0 : i32
      %cond3A_339 = arith.cmpi ne, %convert_element_type3A_337, %cond3A_338 : i32
      scf.if %cond3A_339 {
        %add3A_392 = arith.constant 2 : i32
        %add3A_393 = arith.addi %add3A_322, %add3A_392 : i32
        %dma_start3A_394 = arith.constant 0 : i32
        %dma_start3A_395 = tpu.memref_slice %arg17[%add3A_393, %dma_start3A_394] : memref<80x125xi32, #tpu.memory_space<vmem>> -> memref<1x125xi32, #tpu.memory_space<vmem>>
        %dma_start3A_396 = tpu.memref_squeeze %dma_start3A_395 : memref<1x125xi32, #tpu.memory_space<vmem>> -> memref<125xi32, #tpu.memory_space<vmem>>
        %dma_start3A_397 = arith.constant 0 : i32
        %dma_start3A_398 = arith.constant 0 : i32
        %dma_start3A_399 = tpu.memref_slice %arg16[%dma_start3A_397, %dma_start3A_398] : memref<20000x64xf32, #tpu.memory_space<hbm>> -> memref<20000x64xf32, #tpu.memory_space<hbm>>
        tpu.enqueue_indirect_dma source(%dma_start3A_399 : memref<20000x64xf32, #tpu.memory_space<hbm>>) target(%arg19 : memref<125x64xf32, #tpu.memory_space<vmem>>) offsets(%dma_start3A_396 : memref<125xi32, #tpu.memory_space<vmem>>) semaphore(%arg27 : memref<!tpu.dma_semaphore, #tpu.memory_space<semaphore_mem>>)
      } else {
      }
      %dma_wait3A_340 = arith.constant 0 : i32
      %dma_wait3A_341 = tpu.memref_slice %arg17[%add3A_322, %dma_wait3A_340] : memref<80x125xi32, #tpu.memory_space<vmem>> -> memref<1x125xi32, #tpu.memory_space<vmem>>
      %dma_wait3A_342 = tpu.memref_squeeze %dma_wait3A_341 : memref<1x125xi32, #tpu.memory_space<vmem>> -> memref<125xi32, #tpu.memory_space<vmem>>
      %dma_wait3A_343 = arith.constant 0 : i32
      %dma_wait3A_344 = arith.constant 0 : i32
      %dma_wait3A_345 = tpu.memref_slice %arg16[%dma_wait3A_343, %dma_wait3A_344] : memref<20000x64xf32, #tpu.memory_space<hbm>> -> memref<20000x64xf32, #tpu.memory_space<hbm>>
      tpu.wait_indirect_dma semaphore(%arg30 : memref<!tpu.dma_semaphore, #tpu.memory_space<semaphore_mem>>) src(%dma_wait3A_345 : memref<20000x64xf32, #tpu.memory_space<hbm>>) dst(%arg22 : memref<125x64xf32, #tpu.memory_space<vmem>>)
      %dma_start3A_346 = arith.constant 0 : i32
      %dma_start3A_347 = tpu.memref_slice %arg18[%add3A_322, %dma_start3A_346] : memref<80x125xi32, #tpu.memory_space<vmem>> -> memref<1x125xi32, #tpu.memory_space<vmem>>
      %dma_start3A_348 = tpu.memref_squeeze %dma_start3A_347 : memref<1x125xi32, #tpu.memory_space<vmem>> -> memref<125xi32, #tpu.memory_space<vmem>>
      %dma_start3A_349 = arith.constant 0 : i32
      %dma_start3A_350 = arith.constant 0 : i32
      %dma_start3A_351 = tpu.memref_slice %arg25[%dma_start3A_349, %dma_start3A_350] : memref<10000x64xf32, #tpu.memory_space<vmem_shared>> -> memref<10000x64xf32, #tpu.memory_space<vmem_shared>>
      tpu.enqueue_indirect_dma source(%arg22 : memref<125x64xf32, #tpu.memory_space<vmem>>) target(%dma_start3A_351 : memref<10000x64xf32, #tpu.memory_space<vmem_shared>>) offsets(%dma_start3A_348 : memref<125xi32, #tpu.memory_space<vmem>>) semaphore(%arg35 : memref<!tpu.dma_semaphore, #tpu.memory_space<semaphore_mem>>) {add = true}
      %convert_element_type3A_352 = arith.extui %eq3A_172 : i1 to i32
      %cond3A_353 = arith.constant 0 : i32
      %cond3A_354 = arith.cmpi ne, %convert_element_type3A_352, %cond3A_353 : i32
      scf.if %cond3A_354 {
        %dma_start3A_392 = arith.constant 0 : i32
        %dma_start3A_393 = tpu.memref_slice %arg18[%add3A_322, %dma_start3A_392] : memref<80x125xi32, #tpu.memory_space<vmem>> -> memref<1x125xi32, #tpu.memory_space<vmem>>
        %dma_start3A_394 = tpu.memref_squeeze %dma_start3A_393 : memref<1x125xi32, #tpu.memory_space<vmem>> -> memref<125xi32, #tpu.memory_space<vmem>>
        %dma_start3A_395 = arith.constant 0 : i32
        %dma_start3A_396 = arith.constant 0 : i32
        %dma_start3A_397 = tpu.memref_slice %arg26[%dma_start3A_395, %dma_start3A_396] : memref<10000x16xf32, #tpu.memory_space<vmem_shared>> -> memref<10000x16xf32, #tpu.memory_space<vmem_shared>>
        tpu.enqueue_indirect_dma source(%arg24 : memref<125x16xf32, #tpu.memory_space<vmem>>) target(%dma_start3A_397 : memref<10000x16xf32, #tpu.memory_space<vmem_shared>>) offsets(%dma_start3A_394 : memref<125xi32, #tpu.memory_space<vmem>>) semaphore(%arg37 : memref<!tpu.dma_semaphore, #tpu.memory_space<semaphore_mem>>) {add = true}
      } else {
      }
      %mul3A_355 = arith.constant 5 : i32
      %mul3A_356 = arith.muli %mul3A_355, %scan3A_227 : i32
      %add3A_357 = arith.constant 4 : i32
      %add3A_358 = arith.addi %mul3A_356, %add3A_357 : i32
      %sub3A_359 = arith.constant 3 : i32
      %sub3A_360 = arith.subi %add3A_358, %sub3A_359 : i32
      %dma_wait3A_361 = arith.constant 0 : i32
      %dma_wait3A_362 = tpu.memref_slice %arg18[%sub3A_360, %dma_wait3A_361] : memref<80x125xi32, #tpu.memory_space<vmem>> -> memref<1x125xi32, #tpu.memory_space<vmem>>
      %dma_wait3A_363 = tpu.memref_squeeze %dma_wait3A_362 : memref<1x125xi32, #tpu.memory_space<vmem>> -> memref<125xi32, #tpu.memory_space<vmem>>
      %dma_wait3A_364 = arith.constant 0 : i32
      %dma_wait3A_365 = arith.constant 0 : i32
      %dma_wait3A_366 = tpu.memref_slice %arg25[%dma_wait3A_364, %dma_wait3A_365] : memref<10000x64xf32, #tpu.memory_space<vmem_shared>> -> memref<10000x64xf32, #tpu.memory_space<vmem_shared>>
      tpu.wait_indirect_dma semaphore(%arg33 : memref<!tpu.dma_semaphore, #tpu.memory_space<semaphore_mem>>) src(%arg20 : memref<125x64xf32, #tpu.memory_space<vmem>>) dst(%dma_wait3A_366 : memref<10000x64xf32, #tpu.memory_space<vmem_shared>>)
      %convert_element_type3A_367 = arith.extui %eq3A_172 : i1 to i32
      %cond3A_368 = arith.constant 0 : i32
      %cond3A_369 = arith.cmpi ne, %convert_element_type3A_367, %cond3A_368 : i32
      scf.if %cond3A_369 {
        %dma_wait3A_392 = arith.constant 0 : i32
        %dma_wait3A_393 = tpu.memref_slice %arg18[%sub3A_360, %dma_wait3A_392] : memref<80x125xi32, #tpu.memory_space<vmem>> -> memref<1x125xi32, #tpu.memory_space<vmem>>
        %dma_wait3A_394 = tpu.memref_squeeze %dma_wait3A_393 : memref<1x125xi32, #tpu.memory_space<vmem>> -> memref<125xi32, #tpu.memory_space<vmem>>
        %dma_wait3A_395 = arith.constant 0 : i32
        %dma_wait3A_396 = arith.constant 0 : i32
        %dma_wait3A_397 = tpu.memref_slice %arg26[%dma_wait3A_395, %dma_wait3A_396] : memref<10000x16xf32, #tpu.memory_space<vmem_shared>> -> memref<10000x16xf32, #tpu.memory_space<vmem_shared>>
        tpu.wait_indirect_dma semaphore(%arg37 : memref<!tpu.dma_semaphore, #tpu.memory_space<semaphore_mem>>) src(%arg24 : memref<125x16xf32, #tpu.memory_space<vmem>>) dst(%dma_wait3A_397 : memref<10000x16xf32, #tpu.memory_space<vmem_shared>>)
      } else {
      }
      %add3A_370 = arith.constant 2 : i32
      %add3A_371 = arith.addi %add3A_358, %add3A_370 : i32
      %lt3A_372 = arith.constant 80 : i32
      %lt3A_373 = arith.cmpi slt, %add3A_371, %lt3A_372 : i32
      %convert_element_type3A_374 = arith.extui %lt3A_373 : i1 to i32
      %cond3A_375 = arith.constant 0 : i32
      %cond3A_376 = arith.cmpi ne, %convert_element_type3A_374, %cond3A_375 : i32
      scf.if %cond3A_376 {
        %add3A_392 = arith.constant 2 : i32
        %add3A_393 = arith.addi %add3A_358, %add3A_392 : i32
        %dma_start3A_394 = arith.constant 0 : i32
        %dma_start3A_395 = tpu.memref_slice %arg17[%add3A_393, %dma_start3A_394] : memref<80x125xi32, #tpu.memory_space<vmem>> -> memref<1x125xi32, #tpu.memory_space<vmem>>
        %dma_start3A_396 = tpu.memref_squeeze %dma_start3A_395 : memref<1x125xi32, #tpu.memory_space<vmem>> -> memref<125xi32, #tpu.memory_space<vmem>>
        %dma_start3A_397 = arith.constant 0 : i32
        %dma_start3A_398 = arith.constant 0 : i32
        %dma_start3A_399 = tpu.memref_slice %arg16[%dma_start3A_397, %dma_start3A_398] : memref<20000x64xf32, #tpu.memory_space<hbm>> -> memref<20000x64xf32, #tpu.memory_space<hbm>>
        tpu.enqueue_indirect_dma source(%dma_start3A_399 : memref<20000x64xf32, #tpu.memory_space<hbm>>) target(%arg20 : memref<125x64xf32, #tpu.memory_space<vmem>>) offsets(%dma_start3A_396 : memref<125xi32, #tpu.memory_space<vmem>>) semaphore(%arg28 : memref<!tpu.dma_semaphore, #tpu.memory_space<semaphore_mem>>)
      } else {
      }
      %dma_wait3A_377 = arith.constant 0 : i32
      %dma_wait3A_378 = tpu.memref_slice %arg17[%add3A_358, %dma_wait3A_377] : memref<80x125xi32, #tpu.memory_space<vmem>> -> memref<1x125xi32, #tpu.memory_space<vmem>>
      %dma_wait3A_379 = tpu.memref_squeeze %dma_wait3A_378 : memref<1x125xi32, #tpu.memory_space<vmem>> -> memref<125xi32, #tpu.memory_space<vmem>>
      %dma_wait3A_380 = arith.constant 0 : i32
      %dma_wait3A_381 = arith.constant 0 : i32
      %dma_wait3A_382 = tpu.memref_slice %arg16[%dma_wait3A_380, %dma_wait3A_381] : memref<20000x64xf32, #tpu.memory_space<hbm>> -> memref<20000x64xf32, #tpu.memory_space<hbm>>
      tpu.wait_indirect_dma semaphore(%arg31 : memref<!tpu.dma_semaphore, #tpu.memory_space<semaphore_mem>>) src(%dma_wait3A_382 : memref<20000x64xf32, #tpu.memory_space<hbm>>) dst(%arg23 : memref<125x64xf32, #tpu.memory_space<vmem>>)
      %dma_start3A_383 = arith.constant 0 : i32
      %dma_start3A_384 = tpu.memref_slice %arg18[%add3A_358, %dma_start3A_383] : memref<80x125xi32, #tpu.memory_space<vmem>> -> memref<1x125xi32, #tpu.memory_space<vmem>>
      %dma_start3A_385 = tpu.memref_squeeze %dma_start3A_384 : memref<1x125xi32, #tpu.memory_space<vmem>> -> memref<125xi32, #tpu.memory_space<vmem>>
      %dma_start3A_386 = arith.constant 0 : i32
      %dma_start3A_387 = arith.constant 0 : i32
      %dma_start3A_388 = tpu.memref_slice %arg25[%dma_start3A_386, %dma_start3A_387] : memref<10000x64xf32, #tpu.memory_space<vmem_shared>> -> memref<10000x64xf32, #tpu.memory_space<vmem_shared>>
      tpu.enqueue_indirect_dma source(%arg23 : memref<125x64xf32, #tpu.memory_space<vmem>>) target(%dma_start3A_388 : memref<10000x64xf32, #tpu.memory_space<vmem_shared>>) offsets(%dma_start3A_385 : memref<125xi32, #tpu.memory_space<vmem>>) semaphore(%arg36 : memref<!tpu.dma_semaphore, #tpu.memory_space<semaphore_mem>>) {add = true}
      %convert_element_type3A_389 = arith.extui %eq3A_172 : i1 to i32
      %cond3A_390 = arith.constant 0 : i32
      %cond3A_391 = arith.cmpi ne, %convert_element_type3A_389, %cond3A_390 : i32
      scf.if %cond3A_391 {
        %dma_start3A_392 = arith.constant 0 : i32
        %dma_start3A_393 = tpu.memref_slice %arg18[%add3A_358, %dma_start3A_392] : memref<80x125xi32, #tpu.memory_space<vmem>> -> memref<1x125xi32, #tpu.memory_space<vmem>>
        %dma_start3A_394 = tpu.memref_squeeze %dma_start3A_393 : memref<1x125xi32, #tpu.memory_space<vmem>> -> memref<125xi32, #tpu.memory_space<vmem>>
        %dma_start3A_395 = arith.constant 0 : i32
        %dma_start3A_396 = arith.constant 0 : i32
        %dma_start3A_397 = tpu.memref_slice %arg26[%dma_start3A_395, %dma_start3A_396] : memref<10000x16xf32, #tpu.memory_space<vmem_shared>> -> memref<10000x16xf32, #tpu.memory_space<vmem_shared>>
        tpu.enqueue_indirect_dma source(%arg24 : memref<125x16xf32, #tpu.memory_space<vmem>>) target(%dma_start3A_397 : memref<10000x16xf32, #tpu.memory_space<vmem_shared>>) offsets(%dma_start3A_394 : memref<125xi32, #tpu.memory_space<vmem>>) semaphore(%arg37 : memref<!tpu.dma_semaphore, #tpu.memory_space<semaphore_mem>>) {add = true}
      } else {
      }
    }
    %scan3A_192 = arith.constant 16 : i32
    %dma_wait3A_193 = arith.constant 77 : i32
    %dma_wait3A_194 = arith.constant 0 : i32
    %dma_wait3A_195 = tpu.memref_slice %arg18[%dma_wait3A_193, %dma_wait3A_194] : memref<80x125xi32, #tpu.memory_space<vmem>> -> memref<1x125xi32, #tpu.memory_space<vmem>>
    %dma_wait3A_196 = tpu.memref_squeeze %dma_wait3A_195 : memref<1x125xi32, #tpu.memory_space<vmem>> -> memref<125xi32, #tpu.memory_space<vmem>>
    %dma_wait3A_197 = arith.constant 0 : i32
    %dma_wait3A_198 = arith.constant 0 : i32
    %dma_wait3A_199 = tpu.memref_slice %arg25[%dma_wait3A_197, %dma_wait3A_198] : memref<10000x64xf32, #tpu.memory_space<vmem_shared>> -> memref<10000x64xf32, #tpu.memory_space<vmem_shared>>
    tpu.wait_indirect_dma semaphore(%arg34 : memref<!tpu.dma_semaphore, #tpu.memory_space<semaphore_mem>>) src(%arg21 : memref<125x64xf32, #tpu.memory_space<vmem>>) dst(%dma_wait3A_199 : memref<10000x64xf32, #tpu.memory_space<vmem_shared>>)
    %convert_element_type3A_200 = arith.extui %eq3A_172 : i1 to i32
    %cond3A_201 = arith.constant 0 : i32
    %cond3A_202 = arith.cmpi ne, %convert_element_type3A_200, %cond3A_201 : i32
    scf.if %cond3A_202 {
      %dma_wait3A_227 = arith.constant 77 : i32
      %dma_wait3A_228 = arith.constant 0 : i32
      %dma_wait3A_229 = tpu.memref_slice %arg18[%dma_wait3A_227, %dma_wait3A_228] : memref<80x125xi32, #tpu.memory_space<vmem>> -> memref<1x125xi32, #tpu.memory_space<vmem>>
      %dma_wait3A_230 = tpu.memref_squeeze %dma_wait3A_229 : memref<1x125xi32, #tpu.memory_space<vmem>> -> memref<125xi32, #tpu.memory_space<vmem>>
      %dma_wait3A_231 = arith.constant 0 : i32
      %dma_wait3A_232 = arith.constant 0 : i32
      %dma_wait3A_233 = tpu.memref_slice %arg26[%dma_wait3A_231, %dma_wait3A_232] : memref<10000x16xf32, #tpu.memory_space<vmem_shared>> -> memref<10000x16xf32, #tpu.memory_space<vmem_shared>>
      tpu.wait_indirect_dma semaphore(%arg37 : memref<!tpu.dma_semaphore, #tpu.memory_space<semaphore_mem>>) src(%arg24 : memref<125x16xf32, #tpu.memory_space<vmem>>) dst(%dma_wait3A_233 : memref<10000x16xf32, #tpu.memory_space<vmem_shared>>)
    } else {
    }
    %dma_wait3A_203 = arith.constant 78 : i32
    %dma_wait3A_204 = arith.constant 0 : i32
    %dma_wait3A_205 = tpu.memref_slice %arg18[%dma_wait3A_203, %dma_wait3A_204] : memref<80x125xi32, #tpu.memory_space<vmem>> -> memref<1x125xi32, #tpu.memory_space<vmem>>
    %dma_wait3A_206 = tpu.memref_squeeze %dma_wait3A_205 : memref<1x125xi32, #tpu.memory_space<vmem>> -> memref<125xi32, #tpu.memory_space<vmem>>
    %dma_wait3A_207 = arith.constant 0 : i32
    %dma_wait3A_208 = arith.constant 0 : i32
    %dma_wait3A_209 = tpu.memref_slice %arg25[%dma_wait3A_207, %dma_wait3A_208] : memref<10000x64xf32, #tpu.memory_space<vmem_shared>> -> memref<10000x64xf32, #tpu.memory_space<vmem_shared>>
    tpu.wait_indirect_dma semaphore(%arg35 : memref<!tpu.dma_semaphore, #tpu.memory_space<semaphore_mem>>) src(%arg22 : memref<125x64xf32, #tpu.memory_space<vmem>>) dst(%dma_wait3A_209 : memref<10000x64xf32, #tpu.memory_space<vmem_shared>>)
    %convert_element_type3A_210 = arith.extui %eq3A_172 : i1 to i32
    %cond3A_211 = arith.constant 0 : i32
    %cond3A_212 = arith.cmpi ne, %convert_element_type3A_210, %cond3A_211 : i32
    scf.if %cond3A_212 {
      %dma_wait3A_227 = arith.constant 78 : i32
      %dma_wait3A_228 = arith.constant 0 : i32
      %dma_wait3A_229 = tpu.memref_slice %arg18[%dma_wait3A_227, %dma_wait3A_228] : memref<80x125xi32, #tpu.memory_space<vmem>> -> memref<1x125xi32, #tpu.memory_space<vmem>>
      %dma_wait3A_230 = tpu.memref_squeeze %dma_wait3A_229 : memref<1x125xi32, #tpu.memory_space<vmem>> -> memref<125xi32, #tpu.memory_space<vmem>>
      %dma_wait3A_231 = arith.constant 0 : i32
      %dma_wait3A_232 = arith.constant 0 : i32
      %dma_wait3A_233 = tpu.memref_slice %arg26[%dma_wait3A_231, %dma_wait3A_232] : memref<10000x16xf32, #tpu.memory_space<vmem_shared>> -> memref<10000x16xf32, #tpu.memory_space<vmem_shared>>
      tpu.wait_indirect_dma semaphore(%arg37 : memref<!tpu.dma_semaphore, #tpu.memory_space<semaphore_mem>>) src(%arg24 : memref<125x16xf32, #tpu.memory_space<vmem>>) dst(%dma_wait3A_233 : memref<10000x16xf32, #tpu.memory_space<vmem_shared>>)
    } else {
    }
    %dma_wait3A_213 = arith.constant 79 : i32
    %dma_wait3A_214 = arith.constant 0 : i32
    %dma_wait3A_215 = tpu.memref_slice %arg18[%dma_wait3A_213, %dma_wait3A_214] : memref<80x125xi32, #tpu.memory_space<vmem>> -> memref<1x125xi32, #tpu.memory_space<vmem>>
    %dma_wait3A_216 = tpu.memref_squeeze %dma_wait3A_215 : memref<1x125xi32, #tpu.memory_space<vmem>> -> memref<125xi32, #tpu.memory_space<vmem>>
    %dma_wait3A_217 = arith.constant 0 : i32
    %dma_wait3A_218 = arith.constant 0 : i32
    %dma_wait3A_219 = tpu.memref_slice %arg25[%dma_wait3A_217, %dma_wait3A_218] : memref<10000x64xf32, #tpu.memory_space<vmem_shared>> -> memref<10000x64xf32, #tpu.memory_space<vmem_shared>>
    tpu.wait_indirect_dma semaphore(%arg36 : memref<!tpu.dma_semaphore, #tpu.memory_space<semaphore_mem>>) src(%arg23 : memref<125x64xf32, #tpu.memory_space<vmem>>) dst(%dma_wait3A_219 : memref<10000x64xf32, #tpu.memory_space<vmem_shared>>)
    %convert_element_type3A_220 = arith.extui %eq3A_172 : i1 to i32
    %cond3A_221 = arith.constant 0 : i32
    %cond3A_222 = arith.cmpi ne, %convert_element_type3A_220, %cond3A_221 : i32
    scf.if %cond3A_222 {
      %dma_wait3A_227 = arith.constant 79 : i32
      %dma_wait3A_228 = arith.constant 0 : i32
      %dma_wait3A_229 = tpu.memref_slice %arg18[%dma_wait3A_227, %dma_wait3A_228] : memref<80x125xi32, #tpu.memory_space<vmem>> -> memref<1x125xi32, #tpu.memory_space<vmem>>
      %dma_wait3A_230 = tpu.memref_squeeze %dma_wait3A_229 : memref<1x125xi32, #tpu.memory_space<vmem>> -> memref<125xi32, #tpu.memory_space<vmem>>
      %dma_wait3A_231 = arith.constant 0 : i32
      %dma_wait3A_232 = arith.constant 0 : i32
      %dma_wait3A_233 = tpu.memref_slice %arg26[%dma_wait3A_231, %dma_wait3A_232] : memref<10000x16xf32, #tpu.memory_space<vmem_shared>> -> memref<10000x16xf32, #tpu.memory_space<vmem_shared>>
      tpu.wait_indirect_dma semaphore(%arg37 : memref<!tpu.dma_semaphore, #tpu.memory_space<semaphore_mem>>) src(%arg24 : memref<125x16xf32, #tpu.memory_space<vmem>>) dst(%dma_wait3A_233 : memref<10000x16xf32, #tpu.memory_space<vmem_shared>>)
    } else {
    }
    %barrier3A_223 = arith.constant 0 : index
    tpu.barrier barrier_id(%barrier3A_223)
    "tpu.region"() ({
      %run_scoped3A = tpu.sem_alloc : memref<!tpu.dma_semaphore, #tpu.memory_space<semaphore_mem>>
      %dma_start3A_227 = arith.constant 0 : i32
      %dma_start3A_228 = tpu.memref_slice %arg13[%arg0, %mul3A_0, %dma_start3A_227] : memref<2x10000x64xf32, #tpu.memory_space<hbm>> -> memref<1x625x64xf32, #tpu.memory_space<hbm>>
      %dma_start3A_229 = tpu.memref_squeeze %dma_start3A_228 : memref<1x625x64xf32, #tpu.memory_space<hbm>> -> memref<625x64xf32, #tpu.memory_space<hbm>>
      %dma_start3A_230 = arith.constant 0 : i32
      %dma_start3A_231 = tpu.memref_slice %arg25[%mul3A_0, %dma_start3A_230] : memref<10000x64xf32, #tpu.memory_space<vmem_shared>> -> memref<625x64xf32, #tpu.memory_space<vmem_shared>>
      tpu.enqueue_dma source(%dma_start3A_231 : memref<625x64xf32, #tpu.memory_space<vmem_shared>>) target(%dma_start3A_229 : memref<625x64xf32, #tpu.memory_space<hbm>>) target_semaphore(%run_scoped3A : memref<!tpu.dma_semaphore, #tpu.memory_space<semaphore_mem>>)
      %dma_wait3A_232 = arith.constant 0 : i32
      %dma_wait3A_233 = tpu.memref_slice %arg13[%arg0, %mul3A_0, %dma_wait3A_232] : memref<2x10000x64xf32, #tpu.memory_space<hbm>> -> memref<1x625x64xf32, #tpu.memory_space<hbm>>
      %dma_wait3A_234 = tpu.memref_squeeze %dma_wait3A_233 : memref<1x625x64xf32, #tpu.memory_space<hbm>> -> memref<625x64xf32, #tpu.memory_space<hbm>>
      %dma_wait3A_235 = arith.constant 0 : i32
      %dma_wait3A_236 = tpu.memref_slice %arg25[%mul3A_0, %dma_wait3A_235] : memref<10000x64xf32, #tpu.memory_space<vmem_shared>> -> memref<625x64xf32, #tpu.memory_space<vmem_shared>>
      tpu.wait_dma2 semaphore(%run_scoped3A : memref<!tpu.dma_semaphore, #tpu.memory_space<semaphore_mem>>) src(%dma_wait3A_236 : memref<625x64xf32, #tpu.memory_space<vmem_shared>>) dst(%dma_wait3A_234 : memref<625x64xf32, #tpu.memory_space<hbm>>)
      tpu.yield
    }) : () -> ()
    %convert_element_type3A_224 = arith.extui %eq3A_172 : i1 to i32
    %cond3A_225 = arith.constant 0 : i32
    %cond3A_226 = arith.cmpi ne, %convert_element_type3A_224, %cond3A_225 : i32
    scf.if %cond3A_226 {
      "tpu.region"() ({
        %run_scoped3A = tpu.sem_alloc : memref<!tpu.dma_semaphore, #tpu.memory_space<semaphore_mem>>
        %dma_start3A_227 = arith.constant 0 : i32
        %dma_start3A_228 = tpu.memref_slice %arg14[%mul3A_0, %dma_start3A_227] : memref<10000x16xf32, #tpu.memory_space<hbm>> -> memref<625x16xf32, #tpu.memory_space<hbm>>
        %dma_start3A_229 = arith.constant 0 : i32
        %dma_start3A_230 = tpu.memref_slice %arg26[%mul3A_0, %dma_start3A_229] : memref<10000x16xf32, #tpu.memory_space<vmem_shared>> -> memref<625x16xf32, #tpu.memory_space<vmem_shared>>
        tpu.enqueue_dma source(%dma_start3A_230 : memref<625x16xf32, #tpu.memory_space<vmem_shared>>) target(%dma_start3A_228 : memref<625x16xf32, #tpu.memory_space<hbm>>) target_semaphore(%run_scoped3A : memref<!tpu.dma_semaphore, #tpu.memory_space<semaphore_mem>>)
        %dma_wait3A_231 = arith.constant 0 : i32
        %dma_wait3A_232 = tpu.memref_slice %arg14[%mul3A_0, %dma_wait3A_231] : memref<10000x16xf32, #tpu.memory_space<hbm>> -> memref<625x16xf32, #tpu.memory_space<hbm>>
        %dma_wait3A_233 = arith.constant 0 : i32
        %dma_wait3A_234 = tpu.memref_slice %arg26[%mul3A_0, %dma_wait3A_233] : memref<10000x16xf32, #tpu.memory_space<vmem_shared>> -> memref<625x16xf32, #tpu.memory_space<vmem_shared>>
        tpu.wait_dma2 semaphore(%run_scoped3A : memref<!tpu.dma_semaphore, #tpu.memory_space<semaphore_mem>>) src(%dma_wait3A_234 : memref<625x16xf32, #tpu.memory_space<vmem_shared>>) dst(%dma_wait3A_232 : memref<625x16xf32, #tpu.memory_space<hbm>>)
        tpu.yield
      }) : () -> ()
    } else {
    }
    return
  }
}

module attributes {stable_mosaic.version = 14 : i64} {
  func.func @_dense_body(%arg0: i32, %arg1: memref<2000x128xf32, #tpu.memory_space<vmem>>, %arg2: memref<2000x128xf32, #tpu.memory_space<vmem>>, %arg3: memref<2x2000x64xf32, #tpu.memory_space<vmem>>, %arg4: memref<2000x16xf32, #tpu.memory_space<vmem>>, %arg5: memref<2x2000x64xf32, #tpu.memory_space<vmem>>, %arg6: memref<2000x16xf32, #tpu.memory_space<vmem>>, %arg7: memref<128x128xf32, #tpu.memory_space<vmem>>, %arg8: memref<1x128xf32, #tpu.memory_space<vmem>>, %arg9: memref<128x128xf32, #tpu.memory_space<vmem>>, %arg10: memref<1x128xf32, #tpu.memory_space<vmem>>, %arg11: memref<128x64xf32, #tpu.memory_space<vmem>>, %arg12: memref<1x64xf32, #tpu.memory_space<vmem>>, %arg13: memref<64x128xf32, #tpu.memory_space<vmem>>, %arg14: memref<1x128xf32, #tpu.memory_space<vmem>>, %arg15: memref<128x128xf32, #tpu.memory_space<vmem>>, %arg16: memref<1x128xf32, #tpu.memory_space<vmem>>, %arg17: memref<128x128xf32, #tpu.memory_space<vmem>>, %arg18: memref<1x128xf32, #tpu.memory_space<vmem>>, %arg19: memref<256x128xf32, #tpu.memory_space<vmem>>, %arg20: memref<1x128xf32, #tpu.memory_space<vmem>>, %arg21: memref<256x128xf32, #tpu.memory_space<vmem>>, %arg22: memref<1x128xf32, #tpu.memory_space<vmem>>, %arg23: memref<2000x128xf32, #tpu.memory_space<vmem>>, %arg24: memref<2000x128xf32, #tpu.memory_space<vmem>>) attributes {dimension_semantics = [#tpu.dimension_semantics<arbitrary>], iteration_bounds = array<i64: 5>, scalar_prefetch = 0 : i64, scratch_operands = 0 : i64, tpu.core_type = #tpu.core_type<tc>, window_params = [{transform_indices = @transform_0, window_bounds = array<i64: 2000, 128>}, {transform_indices = @transform_1, window_bounds = array<i64: 2000, 128>}, {transform_indices = @transform_2, window_bounds = array<i64: 2, 2000, 64>}, {transform_indices = @transform_3, window_bounds = array<i64: 2000, 16>}, {transform_indices = @transform_4, window_bounds = array<i64: 2, 2000, 64>}, {transform_indices = @transform_5, window_bounds = array<i64: 2000, 16>}, {pipeline_mode = #tpu.pipeline_mode<synchronous>, transform_indices = @transform_6, window_bounds = array<i64: 128, 128>}, {pipeline_mode = #tpu.pipeline_mode<synchronous>, transform_indices = @transform_7, window_bounds = array<i64: 1, 128>}, {pipeline_mode = #tpu.pipeline_mode<synchronous>, transform_indices = @transform_8, window_bounds = array<i64: 128, 128>}, {pipeline_mode = #tpu.pipeline_mode<synchronous>, transform_indices = @transform_9, window_bounds = array<i64: 1, 128>}, {pipeline_mode = #tpu.pipeline_mode<synchronous>, transform_indices = @transform_10, window_bounds = array<i64: 128, 64>}, {pipeline_mode = #tpu.pipeline_mode<synchronous>, transform_indices = @transform_11, window_bounds = array<i64: 1, 64>}, {pipeline_mode = #tpu.pipeline_mode<synchronous>, transform_indices = @transform_12, window_bounds = array<i64: 64, 128>}, {pipeline_mode = #tpu.pipeline_mode<synchronous>, transform_indices = @transform_13, window_bounds = array<i64: 1, 128>}, {pipeline_mode = #tpu.pipeline_mode<synchronous>, transform_indices = @transform_14, window_bounds = array<i64: 128, 128>}, {pipeline_mode = #tpu.pipeline_mode<synchronous>, transform_indices = @transform_15, window_bounds = array<i64: 1, 128>}, {pipeline_mode = #tpu.pipeline_mode<synchronous>, transform_indices = @transform_16, window_bounds = array<i64: 128, 128>}, {pipeline_mode = #tpu.pipeline_mode<synchronous>, transform_indices = @transform_17, window_bounds = array<i64: 1, 128>}, {pipeline_mode = #tpu.pipeline_mode<synchronous>, transform_indices = @transform_18, window_bounds = array<i64: 256, 128>}, {pipeline_mode = #tpu.pipeline_mode<synchronous>, transform_indices = @transform_19, window_bounds = array<i64: 1, 128>}, {pipeline_mode = #tpu.pipeline_mode<synchronous>, transform_indices = @transform_20, window_bounds = array<i64: 256, 128>}, {pipeline_mode = #tpu.pipeline_mode<synchronous>, transform_indices = @transform_21, window_bounds = array<i64: 1, 128>}, {transform_indices = @transform_22, window_bounds = array<i64: 2000, 128>}, {transform_indices = @transform_23, window_bounds = array<i64: 2000, 128>}]} {
    %get3A = arith.constant 0 : index
    %get3A_0 = arith.constant 0 : index
    %get3A_1 = vector.load %arg4[%get3A, %get3A_0] : memref<2000x16xf32, #tpu.memory_space<vmem>>, vector<2000x1xf32>
    %get3A_2 = arith.constant 0 : index
    %get3A_3 = arith.constant 0 : index
    %get3A_4 = arith.constant 0 : index
    %get3A_5 = vector.load %arg3[%get3A_2, %get3A_3, %get3A_4] : memref<2x2000x64xf32, #tpu.memory_space<vmem>>, vector<1x2000x64xf32>
    %get3A_6 = vector.shape_cast %get3A_5 : vector<1x2000x64xf32> to vector<2000x64xf32>
    %get3A_7 = arith.constant 1 : index
    %get3A_8 = arith.constant 0 : index
    %get3A_9 = arith.constant 0 : index
    %get3A_10 = vector.load %arg3[%get3A_7, %get3A_8, %get3A_9] : memref<2x2000x64xf32, #tpu.memory_space<vmem>>, vector<1x2000x64xf32>
    %get3A_11 = vector.shape_cast %get3A_10 : vector<1x2000x64xf32> to vector<2000x64xf32>
    %concatenate3A = tpu.concatenate %get3A_6, %get3A_11 in 1 : vector<2000x64xf32>, vector<2000x64xf32> -> vector<2000x128xf32>
    %max3A = arith.constant 1.000000e+00 : f32
    %max3A_12 = vector.broadcast %max3A : f32 to vector<2000x1xf32>
    %max3A_13 = arith.maximumf %get3A_1, %max3A_12 : vector<2000x1xf32>
    %div3A = vector.broadcast %max3A_13 : vector<2000x1xf32> to vector<2000x128xf32>
    %div3A_14 = arith.divf %concatenate3A, %div3A : vector<2000x128xf32>
    %gt3A = arith.constant 0.000000e+00 : f32
    %gt3A_15 = vector.broadcast %gt3A : f32 to vector<2000x1xf32>
    %gt3A_16 = arith.cmpf ogt, %get3A_1, %gt3A_15 : vector<2000x1xf32>
    %convert_element_type3A = arith.extui %gt3A_16 : vector<2000x1xi1> to vector<2000x1xi32>
    %convert_element_type3A_17 = arith.sitofp %convert_element_type3A : vector<2000x1xi32> to vector<2000x1xf32>
    %get3A_18 = arith.constant 0 : index
    %get3A_19 = arith.constant 0 : index
    %get3A_20 = vector.load %arg1[%get3A_18, %get3A_19] : memref<2000x128xf32, #tpu.memory_space<vmem>>, vector<2000x128xf32>
    %get3A_21 = arith.constant 0 : index
    %get3A_22 = arith.constant 0 : index
    %get3A_23 = vector.load %arg11[%get3A_21, %get3A_22] : memref<128x64xf32, #tpu.memory_space<vmem>>, vector<128x64xf32>
    %dot_general3A = arith.constant dense<0.000000e+00> : vector<2000x64xf32>
    %dot_general3A_24 = tpu.matmul %get3A_20, %get3A_23, %dot_general3A {dimension_numbers = #tpu.dot_dimension_numbers<[1], [0], [0], [1], [0, 0, 1, 1], [], []>, transpose_lhs_hint = false} : vector<2000x128xf32>, vector<128x64xf32>, vector<2000x64xf32> -> vector<2000x64xf32>
    %get3A_25 = arith.constant 0 : index
    %get3A_26 = arith.constant 0 : index
    %get3A_27 = vector.load %arg12[%get3A_25, %get3A_26] : memref<1x64xf32, #tpu.memory_space<vmem>>, vector<1x64xf32>
    %add3A = vector.broadcast %get3A_27 : vector<1x64xf32> to vector<2000x64xf32>
    %add3A_28 = arith.addf %dot_general3A_24, %add3A : vector<2000x64xf32>
    %max3A_29 = arith.constant 0.000000e+00 : f32
    %max3A_30 = vector.broadcast %max3A_29 : f32 to vector<2000x64xf32>
    %max3A_31 = arith.maximumf %add3A_28, %max3A_30 : vector<2000x64xf32>
    %get3A_32 = arith.constant 0 : index
    %get3A_33 = arith.constant 0 : index
    %get3A_34 = vector.load %arg13[%get3A_32, %get3A_33] : memref<64x128xf32, #tpu.memory_space<vmem>>, vector<64x128xf32>
    %dot_general3A_35 = arith.constant dense<0.000000e+00> : vector<2000x128xf32>
    %dot_general3A_36 = tpu.matmul %max3A_31, %get3A_34, %dot_general3A_35 {dimension_numbers = #tpu.dot_dimension_numbers<[1], [0], [0], [1], [0, 0, 1, 1], [], []>, transpose_lhs_hint = false} : vector<2000x64xf32>, vector<64x128xf32>, vector<2000x128xf32> -> vector<2000x128xf32>
    %get3A_37 = arith.constant 0 : index
    %get3A_38 = arith.constant 0 : index
    %get3A_39 = vector.load %arg14[%get3A_37, %get3A_38] : memref<1x128xf32, #tpu.memory_space<vmem>>, vector<1x128xf32>
    %add3A_40 = vector.broadcast %get3A_39 : vector<1x128xf32> to vector<2000x128xf32>
    %add3A_41 = arith.addf %dot_general3A_36, %add3A_40 : vector<2000x128xf32>
    %get3A_42 = arith.constant 0 : index
    %get3A_43 = arith.constant 0 : index
    %get3A_44 = vector.load %arg7[%get3A_42, %get3A_43] : memref<128x128xf32, #tpu.memory_space<vmem>>, vector<128x128xf32>
    %dot_general3A_45 = arith.constant dense<0.000000e+00> : vector<2000x128xf32>
    %dot_general3A_46 = tpu.matmul %div3A_14, %get3A_44, %dot_general3A_45 {dimension_numbers = #tpu.dot_dimension_numbers<[1], [0], [0], [1], [0, 0, 1, 1], [], []>, transpose_lhs_hint = false} : vector<2000x128xf32>, vector<128x128xf32>, vector<2000x128xf32> -> vector<2000x128xf32>
    %get3A_47 = arith.constant 0 : index
    %get3A_48 = arith.constant 0 : index
    %get3A_49 = vector.load %arg8[%get3A_47, %get3A_48] : memref<1x128xf32, #tpu.memory_space<vmem>>, vector<1x128xf32>
    %mul3A = vector.broadcast %get3A_49 : vector<1x128xf32> to vector<2000x128xf32>
    %mul3A_50 = vector.broadcast %convert_element_type3A_17 : vector<2000x1xf32> to vector<2000x128xf32>
    %mul3A_51 = arith.mulf %mul3A, %mul3A_50 : vector<2000x128xf32>
    %add3A_52 = arith.addf %dot_general3A_46, %mul3A_51 : vector<2000x128xf32>
    %add3A_53 = arith.addf %add3A_52, %div3A_14 : vector<2000x128xf32>
    %mul3A_54 = vector.broadcast %convert_element_type3A_17 : vector<2000x1xf32> to vector<2000x128xf32>
    %mul3A_55 = arith.mulf %add3A_41, %mul3A_54 : vector<2000x128xf32>
    %sub3A = arith.subf %add3A_53, %mul3A_55 : vector<2000x128xf32>
    %mul3A_56 = arith.constant 5.000000e-01 : f32
    %mul3A_57 = vector.broadcast %mul3A_56 : f32 to vector<2000x128xf32>
    %mul3A_58 = arith.mulf %mul3A_57, %sub3A : vector<2000x128xf32>
    %get3A_59 = arith.constant 0 : index
    %get3A_60 = arith.constant 0 : index
    %get3A_61 = vector.load %arg15[%get3A_59, %get3A_60] : memref<128x128xf32, #tpu.memory_space<vmem>>, vector<128x128xf32>
    %dot_general3A_62 = arith.constant dense<0.000000e+00> : vector<2000x128xf32>
    %dot_general3A_63 = tpu.matmul %get3A_20, %get3A_61, %dot_general3A_62 {dimension_numbers = #tpu.dot_dimension_numbers<[1], [0], [0], [1], [0, 0, 1, 1], [], []>, transpose_lhs_hint = false} : vector<2000x128xf32>, vector<128x128xf32>, vector<2000x128xf32> -> vector<2000x128xf32>
    %get3A_64 = arith.constant 0 : index
    %get3A_65 = arith.constant 0 : index
    %get3A_66 = vector.load %arg16[%get3A_64, %get3A_65] : memref<1x128xf32, #tpu.memory_space<vmem>>, vector<1x128xf32>
    %add3A_67 = vector.broadcast %get3A_66 : vector<1x128xf32> to vector<2000x128xf32>
    %add3A_68 = arith.addf %dot_general3A_63, %add3A_67 : vector<2000x128xf32>
    %get3A_69 = arith.constant 0 : index
    %get3A_70 = arith.constant 0 : index
    %get3A_71 = vector.load %arg19[%get3A_69, %get3A_70] : memref<256x128xf32, #tpu.memory_space<vmem>>, vector<256x128xf32>
    %slice3A = vector.extract_strided_slice %get3A_71 {offsets = [0, 0], sizes = [128, 128], strides = [1, 1]} : vector<256x128xf32> to vector<128x128xf32>
    %dot_general3A_72 = arith.constant dense<0.000000e+00> : vector<2000x128xf32>
    %dot_general3A_73 = tpu.matmul %add3A_68, %slice3A, %dot_general3A_72 {dimension_numbers = #tpu.dot_dimension_numbers<[1], [0], [0], [1], [0, 0, 1, 1], [], []>, transpose_lhs_hint = false} : vector<2000x128xf32>, vector<128x128xf32>, vector<2000x128xf32> -> vector<2000x128xf32>
    %slice3A_74 = vector.extract_strided_slice %get3A_71 {offsets = [128, 0], sizes = [128, 128], strides = [1, 1]} : vector<256x128xf32> to vector<128x128xf32>
    %dot_general3A_75 = arith.constant dense<0.000000e+00> : vector<2000x128xf32>
    %dot_general3A_76 = tpu.matmul %mul3A_58, %slice3A_74, %dot_general3A_75 {dimension_numbers = #tpu.dot_dimension_numbers<[1], [0], [0], [1], [0, 0, 1, 1], [], []>, transpose_lhs_hint = false} : vector<2000x128xf32>, vector<128x128xf32>, vector<2000x128xf32> -> vector<2000x128xf32>
    %add3A_77 = arith.addf %dot_general3A_73, %dot_general3A_76 : vector<2000x128xf32>
    %get3A_78 = arith.constant 0 : index
    %get3A_79 = arith.constant 0 : index
    %get3A_80 = vector.load %arg20[%get3A_78, %get3A_79] : memref<1x128xf32, #tpu.memory_space<vmem>>, vector<1x128xf32>
    %add3A_81 = vector.broadcast %get3A_80 : vector<1x128xf32> to vector<2000x128xf32>
    %add3A_82 = arith.addf %add3A_77, %add3A_81 : vector<2000x128xf32>
    %max3A_83 = arith.constant 0.000000e+00 : f32
    %max3A_84 = vector.broadcast %max3A_83 : f32 to vector<2000x128xf32>
    %max3A_85 = arith.maximumf %add3A_82, %max3A_84 : vector<2000x128xf32>
    %swap3A = arith.constant 0 : index
    %swap3A_86 = arith.constant 0 : index
    %swap3A_87 = vector.load %arg23[%swap3A, %swap3A_86] : memref<2000x128xf32, #tpu.memory_space<vmem>>, vector<2000x128xf32>
    tpu.vector_store %arg23[%swap3A, %swap3A_86], %max3A_85 {strides = array<i32>} : memref<2000x128xf32, #tpu.memory_space<vmem>>, vector<2000x128xf32>,
    %get3A_88 = arith.constant 0 : index
    %get3A_89 = arith.constant 0 : index
    %get3A_90 = vector.load %arg6[%get3A_88, %get3A_89] : memref<2000x16xf32, #tpu.memory_space<vmem>>, vector<2000x1xf32>
    %get3A_91 = arith.constant 0 : index
    %get3A_92 = arith.constant 0 : index
    %get3A_93 = arith.constant 0 : index
    %get3A_94 = vector.load %arg5[%get3A_91, %get3A_92, %get3A_93] : memref<2x2000x64xf32, #tpu.memory_space<vmem>>, vector<1x2000x64xf32>
    %get3A_95 = vector.shape_cast %get3A_94 : vector<1x2000x64xf32> to vector<2000x64xf32>
    %get3A_96 = arith.constant 1 : index
    %get3A_97 = arith.constant 0 : index
    %get3A_98 = arith.constant 0 : index
    %get3A_99 = vector.load %arg5[%get3A_96, %get3A_97, %get3A_98] : memref<2x2000x64xf32, #tpu.memory_space<vmem>>, vector<1x2000x64xf32>
    %get3A_100 = vector.shape_cast %get3A_99 : vector<1x2000x64xf32> to vector<2000x64xf32>
    %concatenate3A_101 = tpu.concatenate %get3A_95, %get3A_100 in 1 : vector<2000x64xf32>, vector<2000x64xf32> -> vector<2000x128xf32>
    %max3A_102 = arith.constant 1.000000e+00 : f32
    %max3A_103 = vector.broadcast %max3A_102 : f32 to vector<2000x1xf32>
    %max3A_104 = arith.maximumf %get3A_90, %max3A_103 : vector<2000x1xf32>
    %div3A_105 = vector.broadcast %max3A_104 : vector<2000x1xf32> to vector<2000x128xf32>
    %div3A_106 = arith.divf %concatenate3A_101, %div3A_105 : vector<2000x128xf32>
    %gt3A_107 = arith.constant 0.000000e+00 : f32
    %gt3A_108 = vector.broadcast %gt3A_107 : f32 to vector<2000x1xf32>
    %gt3A_109 = arith.cmpf ogt, %get3A_90, %gt3A_108 : vector<2000x1xf32>
    %convert_element_type3A_110 = arith.extui %gt3A_109 : vector<2000x1xi1> to vector<2000x1xi32>
    %convert_element_type3A_111 = arith.sitofp %convert_element_type3A_110 : vector<2000x1xi32> to vector<2000x1xf32>
    %get3A_112 = arith.constant 0 : index
    %get3A_113 = arith.constant 0 : index
    %get3A_114 = vector.load %arg2[%get3A_112, %get3A_113] : memref<2000x128xf32, #tpu.memory_space<vmem>>, vector<2000x128xf32>
    %get3A_115 = arith.constant 0 : index
    %get3A_116 = arith.constant 0 : index
    %get3A_117 = vector.load %arg9[%get3A_115, %get3A_116] : memref<128x128xf32, #tpu.memory_space<vmem>>, vector<128x128xf32>
    %dot_general3A_118 = arith.constant dense<0.000000e+00> : vector<2000x128xf32>
    %dot_general3A_119 = tpu.matmul %div3A_106, %get3A_117, %dot_general3A_118 {dimension_numbers = #tpu.dot_dimension_numbers<[1], [0], [0], [1], [0, 0, 1, 1], [], []>, transpose_lhs_hint = false} : vector<2000x128xf32>, vector<128x128xf32>, vector<2000x128xf32> -> vector<2000x128xf32>
    %get3A_120 = arith.constant 0 : index
    %get3A_121 = arith.constant 0 : index
    %get3A_122 = vector.load %arg10[%get3A_120, %get3A_121] : memref<1x128xf32, #tpu.memory_space<vmem>>, vector<1x128xf32>
    %mul3A_123 = vector.broadcast %get3A_122 : vector<1x128xf32> to vector<2000x128xf32>
    %mul3A_124 = vector.broadcast %convert_element_type3A_111 : vector<2000x1xf32> to vector<2000x128xf32>
    %mul3A_125 = arith.mulf %mul3A_123, %mul3A_124 : vector<2000x128xf32>
    %add3A_126 = arith.addf %dot_general3A_119, %mul3A_125 : vector<2000x128xf32>
    %get3A_127 = arith.constant 0 : index
    %get3A_128 = arith.constant 0 : index
    %get3A_129 = vector.load %arg17[%get3A_127, %get3A_128] : memref<128x128xf32, #tpu.memory_space<vmem>>, vector<128x128xf32>
    %dot_general3A_130 = arith.constant dense<0.000000e+00> : vector<2000x128xf32>
    %dot_general3A_131 = tpu.matmul %get3A_114, %get3A_129, %dot_general3A_130 {dimension_numbers = #tpu.dot_dimension_numbers<[1], [0], [0], [1], [0, 0, 1, 1], [], []>, transpose_lhs_hint = false} : vector<2000x128xf32>, vector<128x128xf32>, vector<2000x128xf32> -> vector<2000x128xf32>
    %get3A_132 = arith.constant 0 : index
    %get3A_133 = arith.constant 0 : index
    %get3A_134 = vector.load %arg18[%get3A_132, %get3A_133] : memref<1x128xf32, #tpu.memory_space<vmem>>, vector<1x128xf32>
    %add3A_135 = vector.broadcast %get3A_134 : vector<1x128xf32> to vector<2000x128xf32>
    %add3A_136 = arith.addf %dot_general3A_131, %add3A_135 : vector<2000x128xf32>
    %get3A_137 = arith.constant 0 : index
    %get3A_138 = arith.constant 0 : index
    %get3A_139 = vector.load %arg21[%get3A_137, %get3A_138] : memref<256x128xf32, #tpu.memory_space<vmem>>, vector<256x128xf32>
    %slice3A_140 = vector.extract_strided_slice %get3A_139 {offsets = [0, 0], sizes = [128, 128], strides = [1, 1]} : vector<256x128xf32> to vector<128x128xf32>
    %dot_general3A_141 = arith.constant dense<0.000000e+00> : vector<2000x128xf32>
    %dot_general3A_142 = tpu.matmul %add3A_136, %slice3A_140, %dot_general3A_141 {dimension_numbers = #tpu.dot_dimension_numbers<[1], [0], [0], [1], [0, 0, 1, 1], [], []>, transpose_lhs_hint = false} : vector<2000x128xf32>, vector<128x128xf32>, vector<2000x128xf32> -> vector<2000x128xf32>
    %slice3A_143 = vector.extract_strided_slice %get3A_139 {offsets = [128, 0], sizes = [128, 128], strides = [1, 1]} : vector<256x128xf32> to vector<128x128xf32>
    %dot_general3A_144 = arith.constant dense<0.000000e+00> : vector<2000x128xf32>
    %dot_general3A_145 = tpu.matmul %add3A_126, %slice3A_143, %dot_general3A_144 {dimension_numbers = #tpu.dot_dimension_numbers<[1], [0], [0], [1], [0, 0, 1, 1], [], []>, transpose_lhs_hint = false} : vector<2000x128xf32>, vector<128x128xf32>, vector<2000x128xf32> -> vector<2000x128xf32>
    %add3A_146 = arith.addf %dot_general3A_142, %dot_general3A_145 : vector<2000x128xf32>
    %get3A_147 = arith.constant 0 : index
    %get3A_148 = arith.constant 0 : index
    %get3A_149 = vector.load %arg22[%get3A_147, %get3A_148] : memref<1x128xf32, #tpu.memory_space<vmem>>, vector<1x128xf32>
    %add3A_150 = vector.broadcast %get3A_149 : vector<1x128xf32> to vector<2000x128xf32>
    %add3A_151 = arith.addf %add3A_146, %add3A_150 : vector<2000x128xf32>
    %max3A_152 = arith.constant 0.000000e+00 : f32
    %max3A_153 = vector.broadcast %max3A_152 : f32 to vector<2000x128xf32>
    %max3A_154 = arith.maximumf %add3A_151, %max3A_153 : vector<2000x128xf32>
    %swap3A_155 = arith.constant 0 : index
    %swap3A_156 = arith.constant 0 : index
    %swap3A_157 = vector.load %arg24[%swap3A_155, %swap3A_156] : memref<2000x128xf32, #tpu.memory_space<vmem>>, vector<2000x128xf32>
    tpu.vector_store %arg24[%swap3A_155, %swap3A_156], %max3A_154 {strides = array<i32>} : memref<2000x128xf32, #tpu.memory_space<vmem>>, vector<2000x128xf32>,
    return
  }
  func.func @transform_0(%arg0: i32) -> (i32, i32) {
    %c0_i32 = arith.constant 0 : i32
    %c0_i32_0 = arith.constant 0 : i32
    return %arg0, %c0_i32 : i32, i32
  }
  func.func @transform_1(%arg0: i32) -> (i32, i32) {
    %c0_i32 = arith.constant 0 : i32
    %c0_i32_0 = arith.constant 0 : i32
    return %arg0, %c0_i32 : i32, i32
  }
  func.func @transform_2(%arg0: i32) -> (i32, i32, i32) {
    %c0_i32 = arith.constant 0 : i32
    %c0_i32_0 = arith.constant 0 : i32
    %c0_i32_1 = arith.constant 0 : i32
    return %c0_i32, %arg0, %c0_i32_0 : i32, i32, i32
  }
  func.func @transform_3(%arg0: i32) -> (i32, i32) {
    %c0_i32 = arith.constant 0 : i32
    %c0_i32_0 = arith.constant 0 : i32
    return %arg0, %c0_i32 : i32, i32
  }
  func.func @transform_4(%arg0: i32) -> (i32, i32, i32) {
    %c0_i32 = arith.constant 0 : i32
    %c0_i32_0 = arith.constant 0 : i32
    %c0_i32_1 = arith.constant 0 : i32
    return %c0_i32, %arg0, %c0_i32_0 : i32, i32, i32
  }
  func.func @transform_5(%arg0: i32) -> (i32, i32) {
    %c0_i32 = arith.constant 0 : i32
    %c0_i32_0 = arith.constant 0 : i32
    return %arg0, %c0_i32 : i32, i32
  }
  func.func @transform_6(%arg0: i32) -> (i32, i32) {
    %c0_i32 = arith.constant 0 : i32
    %c0_i32_0 = arith.constant 0 : i32
    %c0_i32_1 = arith.constant 0 : i32
    return %c0_i32, %c0_i32_0 : i32, i32
  }
  func.func @transform_7(%arg0: i32) -> (i32, i32) {
    %c0_i32 = arith.constant 0 : i32
    %c0_i32_0 = arith.constant 0 : i32
    %c0_i32_1 = arith.constant 0 : i32
    return %c0_i32, %c0_i32_0 : i32, i32
  }
  func.func @transform_8(%arg0: i32) -> (i32, i32) {
    %c0_i32 = arith.constant 0 : i32
    %c0_i32_0 = arith.constant 0 : i32
    %c0_i32_1 = arith.constant 0 : i32
    return %c0_i32, %c0_i32_0 : i32, i32
  }
  func.func @transform_9(%arg0: i32) -> (i32, i32) {
    %c0_i32 = arith.constant 0 : i32
    %c0_i32_0 = arith.constant 0 : i32
    %c0_i32_1 = arith.constant 0 : i32
    return %c0_i32, %c0_i32_0 : i32, i32
  }
  func.func @transform_10(%arg0: i32) -> (i32, i32) {
    %c0_i32 = arith.constant 0 : i32
    %c0_i32_0 = arith.constant 0 : i32
    %c0_i32_1 = arith.constant 0 : i32
    return %c0_i32, %c0_i32_0 : i32, i32
  }
  func.func @transform_11(%arg0: i32) -> (i32, i32) {
    %c0_i32 = arith.constant 0 : i32
    %c0_i32_0 = arith.constant 0 : i32
    %c0_i32_1 = arith.constant 0 : i32
    return %c0_i32, %c0_i32_0 : i32, i32
  }
  func.func @transform_12(%arg0: i32) -> (i32, i32) {
    %c0_i32 = arith.constant 0 : i32
    %c0_i32_0 = arith.constant 0 : i32
    %c0_i32_1 = arith.constant 0 : i32
    return %c0_i32, %c0_i32_0 : i32, i32
  }
  func.func @transform_13(%arg0: i32) -> (i32, i32) {
    %c0_i32 = arith.constant 0 : i32
    %c0_i32_0 = arith.constant 0 : i32
    %c0_i32_1 = arith.constant 0 : i32
    return %c0_i32, %c0_i32_0 : i32, i32
  }
  func.func @transform_14(%arg0: i32) -> (i32, i32) {
    %c0_i32 = arith.constant 0 : i32
    %c0_i32_0 = arith.constant 0 : i32
    %c0_i32_1 = arith.constant 0 : i32
    return %c0_i32, %c0_i32_0 : i32, i32
  }
  func.func @transform_15(%arg0: i32) -> (i32, i32) {
    %c0_i32 = arith.constant 0 : i32
    %c0_i32_0 = arith.constant 0 : i32
    %c0_i32_1 = arith.constant 0 : i32
    return %c0_i32, %c0_i32_0 : i32, i32
  }
  func.func @transform_16(%arg0: i32) -> (i32, i32) {
    %c0_i32 = arith.constant 0 : i32
    %c0_i32_0 = arith.constant 0 : i32
    %c0_i32_1 = arith.constant 0 : i32
    return %c0_i32, %c0_i32_0 : i32, i32
  }
  func.func @transform_17(%arg0: i32) -> (i32, i32) {
    %c0_i32 = arith.constant 0 : i32
    %c0_i32_0 = arith.constant 0 : i32
    %c0_i32_1 = arith.constant 0 : i32
    return %c0_i32, %c0_i32_0 : i32, i32
  }
  func.func @transform_18(%arg0: i32) -> (i32, i32) {
    %c0_i32 = arith.constant 0 : i32
    %c0_i32_0 = arith.constant 0 : i32
    %c0_i32_1 = arith.constant 0 : i32
    return %c0_i32, %c0_i32_0 : i32, i32
  }
  func.func @transform_19(%arg0: i32) -> (i32, i32) {
    %c0_i32 = arith.constant 0 : i32
    %c0_i32_0 = arith.constant 0 : i32
    %c0_i32_1 = arith.constant 0 : i32
    return %c0_i32, %c0_i32_0 : i32, i32
  }
  func.func @transform_20(%arg0: i32) -> (i32, i32) {
    %c0_i32 = arith.constant 0 : i32
    %c0_i32_0 = arith.constant 0 : i32
    %c0_i32_1 = arith.constant 0 : i32
    return %c0_i32, %c0_i32_0 : i32, i32
  }
  func.func @transform_21(%arg0: i32) -> (i32, i32) {
    %c0_i32 = arith.constant 0 : i32
    %c0_i32_0 = arith.constant 0 : i32
    %c0_i32_1 = arith.constant 0 : i32
    return %c0_i32, %c0_i32_0 : i32, i32
  }
  func.func @transform_22(%arg0: i32) -> (i32, i32) {
    %c0_i32 = arith.constant 0 : i32
    %c0_i32_0 = arith.constant 0 : i32
    return %arg0, %c0_i32 : i32, i32
  }
  func.func @transform_23(%arg0: i32) -> (i32, i32) {
    %c0_i32 = arith.constant 0 : i32
    %c0_i32_0 = arith.constant 0 : i32
    return %arg0, %c0_i32 : i32, i32
  }
}

</mosaic_0001>

<sc_bundles>
// kernel: kernel.4.cloned.1.call-start
scs
__scs_entry_jumppad:
0x0: {  	(pc) =	sbr.rel $0x88, $3  }
0x1: {  	(tag) =	ssettag $0x0;
	lr =	simm.s32 $0x1  }
0x2: {  	[smem:$0x3F8D] =	sst lr;
	_ =	strace $0xD0000000  }
0x3: {  	_ = 	snop  }
0x4: {  	_ = 	snop  }
0x5: {  	_ = 	snop  }
0x6: {  	_ = 	snop  }
0x7: {  	_ = 	snop  }
__scs_overlays_trampoline_lowered:
0x8: {  	[smem:$0x3F9C] =	sst s0  }
0x9: {  	[smem:$0x3F9D] =	sst s1  }
0xa: {  	[smem:$0x3F9E] =	sst s2  }
0xb: {  	[smem:$0x3F9F] =	sst s3  }
0xc: {  	[smem:$0x3FA0] =	sst s4  }
0xd: {  	[smem:$0x3FA1] =	sst s5  }
0xe: {  	[smem:$0x3FA2] =	sst s6  }
0xf: {  	[smem:$0x3FA3] =	sst s7  }
0x10: {  	[smem:$0x3FA4] =	sst s8  }
0x11: {  	[smem:$0x3FA5] =	sst s9;
	s0 =	simm.s32 @!p0 $0x0  }
0x12: {  	s1 =	sld [smem:$0x3F8B];
	s0 =	simm.s32 @p0 $0x1  }
0x13: {  	[smem:$0x3FA6] =	sst s0;
	s0 =	simm.s32 @!p1 $0x0  }
0x14: {  	s2 =	sld [smem:$0x3F8A];
	s0 =	simm.s32 @p1 $0x1  }
0x15: {  	[smem:$0x3FA7] =	sst s0;
	s0 =	simm.s32 @!p2 $0x0  }
0x16: {  	s3 =	sld [smem:$0x3FDB];
	s0 =	simm.s32 @p2 $0x1  }
0x17: {  	s4 =	simm.s32 $0x1BF5;
	[smem:$0x3FA9] =	sst s0  }
0x18: {  	s0 =	sld [smem:$0x3F8C];
	_ =	swait.ge [sflag:s4], $0x0  }
0x19: {  	s7 =	sld [smem:$0x3F8D]  }
0x1a: {  	s8 =	sadd.s32 $0xFFFFE003, lr  }
0x1b: {  	s9 =	sadd.s32 $0xFFFFFEF7, lr;
	s5 =	simm.s32 $0xFFFFFFFF;
	p2 =	slt.u32 s8, $0xFFFFF086  }
0x1c: {  	p1 =	slt.u32 s9, $0xF7A;
	s5 =	simm.s32 @!p2 $0x0  }
0x1d: {  	s5 =	simm.s32 @p1 $0x1;
	p0 =	seq.s32 s7, s2  }
0x1e: {  	s7 =	smul.u32 @!p0 $0xF7A, s2;
	p2 =	seq.s32 @!p0 s5, $0x0  }
0x1f: {  	s9 =	smul.u32 $0xF7A, s1;
	s8 =	simm.s32 @!p0 $0x1BF5;
	p2 =	por !p2, p0  }
0x20: {  	[sflag:s8] =	ssyncset.s32 @!p0 $0xFFFFF086;
	s6 =	sadd.s32 @!p0 s3, s7;
	s7 =	simm.s32 @!p0 $0x108  }
0x21: {  	s3 =	sadd.s32 s3, s9;
	s6 =	sadd.s32 @!p0 $0x88, s6;
	s7 =	simm.s32 @p2 $0x1082  }
0x22: {  	[simem:s7], [sflag:s8] =	dma.local @!p0 [hbm:s6], $0xF7A  }
0x23: {  	s9 =	sor.u32 $0xD0000000, s2;
	s6 =	simm.s32 $0x108;
	_ =	swait.ge @!p0 [sflag:s8], $0x0  }
0x24: {  	s3 =	sadd.s32 $0x88, s3;
	s6 =	simm.s32 @!p1 $0x1082;
	[sflag:s4] =	ssyncset.s32 $0xFFFFF086  }
0x25: {  	[simem:s6], [sflag:s4] =	dma.local [hbm:s3], $0xF7A  }
0x26: {  	[smem:$0x3F8D] =	sst s1;
	(tag) =	ssettag s2;
	_ =	strace s9  }
0x27: {  	s1 =	sld [smem:$0x3F9D]  }
0x28: {  	s2 =	sld [smem:$0x3F9E]  }
0x29: {  	s4 =	sld [smem:$0x3FA0]  }
0x2a: {  	p0 =	seq.s32 s5, $0x0;
	s5 =	sld [smem:$0x3FA1]  }
0x2b: {  	s6 =	sld [smem:$0x3FA2]  }
0x2c: {  	s7 =	sld [smem:$0x3FA3]  }
0x2d: {  	s3 =	simm.s32 $0x108;
	s8 =	sld [smem:$0x3FA4]  }
0x2e: {  	s3 =	simm.s32 @!p0 $0x1082;
	s9 =	sld [smem:$0x3FA5]  }
0x2f: {  	lr =	sadd.s32 s0, s3;
	s0 =	sld [smem:$0x3F9C]  }
0x30: {  	s3 =	sld [smem:$0x3F9F]  }
0x31: {  	[smem:$0x3FA8] =	sst s10  }
0x32: {  	s10 =	sld [smem:$0x3FA6];
	_ =	sdelay $0x3  }
0x33: {  	p0 =	seq.s32 s10, $0x1;
	s10 =	sld [smem:$0x3FA8];
	_ =	sdelay $0x3  }
0x34: {  	[smem:$0x3FA8] =	sst s10  }
0x35: {  	s10 =	sld [smem:$0x3FA7];
	_ =	sdelay $0x3  }
0x36: {  	p1 =	seq.s32 s10, $0x1;
	s10 =	sld [smem:$0x3FA8];
	_ =	sdelay $0x3  }
0x37: {  	[smem:$0x3FA8] =	sst s10  }
0x38: {  	s10 =	sld [smem:$0x3FA9]  }
0x39: {  	_ = 	snop;
	(pc) =	sbr.ind lr, $3  }
0x3a: {  	_ = 	snop  }
0x3b: {  	_ = 	snop  }
0x3c: {  	p2 =	seq.s32 s10, $0x1;
	s10 =	sld [smem:$0x3FA8]  }
0x3d: {  	_ =	shalt  }
0x3e: {  	_ =	shalt  }
0x3f: {  	_ =	shalt  }
0x40: {  	_ =	shalt  }
0x41: {  	_ =	shalt  }
0x42: {  	_ =	shalt  }
0x43: {  	_ =	shalt  }
0x44: {  	_ =	shalt  }
0x45: {  	_ =	shalt  }
0x46: {  	_ =	shalt  }
0x47: {  	_ =	shalt  }
0x48: {  	_ =	shalt  }
0x49: {  	_ =	shalt  }
0x4a: {  	_ =	shalt  }
0x4b: {  	_ =	shalt  }
0x4c: {  	_ =	shalt  }
0x4d: {  	_ =	shalt  }
0x4e: {  	_ =	shalt  }
0x4f: {  	_ =	shalt  }
0x50: {  	_ =	shalt  }
0x51: {  	_ =	shalt  }
0x52: {  	_ =	shalt  }
0x53: {  	_ =	shalt  }
0x54: {  	_ =	shalt  }
0x55: {  	_ =	shalt  }
0x56: {  	_ =	shalt  }
0x57: {  	_ =	shalt  }
0x58: {  	_ =	shalt  }
0x59: {  	_ =	shalt  }
0x5a: {  	_ =	shalt  }
0x5b: {  	_ =	shalt  }
0x5c: {  	_ =	shalt  }
0x5d: {  	_ =	shalt  }
0x5e: {  	_ =	shalt  }
0x5f: {  	_ =	shalt  }
0x60: {  	_ =	shalt  }
0x61: {  	_ =	shalt  }
0x62: {  	_ =	shalt  }
0x63: {  	_ =	shalt  }
0x64: {  	_ =	shalt  }
0x65: {  	_ =	shalt  }
0x66: {  	_ =	shalt  }
0x67: {  	_ =	shalt  }
0x68: {  	_ =	shalt  }
0x69: {  	_ =	shalt  }
0x6a: {  	_ =	shalt  }
0x6b: {  	_ =	shalt  }
0x6c: {  	_ =	shalt  }
0x6d: {  	_ =	shalt  }
0x6e: {  	_ =	shalt  }
0x6f: {  	_ =	shalt  }
0x70: {  	_ =	shalt  }
0x71: {  	_ =	shalt  }
0x72: {  	_ =	shalt  }
0x73: {  	_ =	shalt  }
0x74: {  	_ =	shalt  }
0x75: {  	_ =	shalt  }
0x76: {  	_ =	shalt  }
0x77: {  	_ =	shalt  }
0x78: {  	_ =	shalt  }
0x79: {  	_ =	shalt  }
0x7a: {  	_ =	shalt  }
0x7b: {  	_ =	shalt  }
0x7c: {  	_ =	shalt  }
0x7d: {  	_ =	shalt  }
0x7e: {  	_ =	shalt  }
0x7f: {  	_ =	shalt  }
0x80: {  	_ =	shalt  }
0x81: {  	_ =	shalt  }
0x82: {  	_ =	shalt  }
0x83: {  	_ =	shalt  }
0x84: {  	_ =	shalt  }
0x85: {  	_ =	shalt  }
0x86: {  	_ =	shalt  }
0x87: {  	_ =	shalt  }
.Lfunc_end0:
.L_simem_size_0:
called_computation_lowered:
.L_overlay_start_0:
0x88: {  	s2 =	sld [smem:$0x3FD9]  }
0x89: {  	s3 =	sld [smem:$0x3FFE];
	_ =	sdelay $0x1  }
0x8a: {  	s1 =	srdreg.scid  }
0x8b: {  	s0 =	sand.u32 $0x1, s1  }
0x8c: {  	s14 =	sshll.u32 s0, $0xA;
	s2 =	sadd.s32 s3, s2  }
0x8d: {  	s2 =	sadd.s32 s2, s14  }
0x8e: {  	[smem:$0x3FB4] =	sst s2  }
0x8f: {  	_ = 	snop  }
0x90: {  	s2 =	sld [smem:$0x3FD0];
	_ =	sdelay $0x1  }
0x91: {  	s15 =	sld [smem:$0x3FC9]  }
0x92: {  	s5 =	simm.s32 $0xA;
	s6 =	simm.s32 $0x10;
	s4 =	sld [smem:$0x3FC8]  }
0x93: {  	[smem:s6], [sflag:s5] =	dma.local [hbm:s2], $0x1  }
0x94: {  	_ =	swait.eq [sflag:s5], $0x1  }
0x95: {  	[sflag:s5] =	ssyncset.done $0x0  }
0x96: {  	s16 =	sld [smem:$0x10];
	[sflag:s5] =	ssyncadd.s32 $0xFFFFFFFF  }
0x97: {  	s17 =	sld [smem:$0x11];
	(tm) =	ssettm $0x1  }
0x98: {  	s18 =	sld [smem:$0x3FFB];
	_ =	sdelay $0x3  }
0x99: {  	_ =	strace s18  }
0x9a: {  	s6 =	sld [smem:$0x3FFC];
	_ =	sdelay $0x3  }
0x9b: {  	_ =	strace s6  }
0x9c: {  	s6 =	sld [smem:$0x3FFD];
	_ =	sdelay $0x3  }
0x9d: {  	_ =	strace s6  }
0x9e: {  	_ =	strace $0x8FFFFFFF  }
0x9f: {  	s19 =	sld [smem:$0x3FDB];
	_ =	sdelay $0x1  }
0xa0: {  	s7 =	simm.s32 $_scs_section_size  }
0xa1: {  	s8 =	simm.s32 $_size__tile_overlayer_lowered;
	s9 =	simm.s32 $_tile_overlayer_lowered  }
0xa2: {  	s22 =	simm.s32 $0x1BFF;
	s21 =	sshll.u32 s9, $0x1;
	s6 =	sadd.s32 s7, s19  }
0xa3: {  	s10 =	simm.s32 $0x0;
	s20 =	sshll.u32 s8, $0x1;
	s8 =	sadd.s32 s21, s6  }
0xa4: {  	[timem:s10], [sflag:s22] =	dma.local [hbm:s8], s20  }
0xa5: {  	_ =	swait.ge [sflag:s22], s20  }
0xa6: {  	s7 =	ssub.s32 $0x0, s20;
	[sflag:s22] =	ssyncset.done $0x0  }
0xa7: {  	[sflag:s22] =	ssyncadd.s32 s7;
	_ =	sdelay $0x1  }
0xa8: {  	s23 =	simm.s32 $0x1B8B  }
0xa9: {  	_ =	swait.ge [sflag:s23], $0x1  }
0xaa: {  	[sflag:s23] =	ssyncset.done $0x0  }
0xab: {  	s25 =	simm.s32 $0x1B8E;
	s24 =	sld [smem:$0x3FFE];
	[sflag:s23] =	ssyncadd.s32 $0xFFFFFFFF  }
0xac: {  	s26 =	simm.s32 $execute0_lowered;
	[smem:$0x3FD2] =	sst s25  }
0xad: {  	s8 =	sshll.u32 s26, $0x1;
	_ =	strace $0x80000046;
	[dreg:$0x1] =	wrdreg $0xFFFFFFFF  }
0xae: {  	s28 =	simm.s32 $_size_execute0_lowered;
	s6 =	sadd.s32 s6, s8;
	[dreg:$0x0] =	wrdreg $0x0  }
0xaf: {  	s8 =	sshll.u32 s28, $0x1;
	[dreg:$0x2] =	wrdreg s6  }
0xb0: {  	[dreg:$0x3] =	wrdreg s8  }
0xb1: {  	[dreg:$0x4] =	wrdreg $0xC0  }
0xb2: {  	_ =	task [dreg:s10], $0x5FFFF  }
0xb3: {  	[dreg:$0x1] =	wrdreg $0xFFFFFFFF  }
0xb4: {  	[dreg:$0x0] =	wrdreg $0x60  }
0xb5: {  	[dreg:$0x2] =	wrdreg s4  }
0xb6: {  	[dreg:$0x3] =	wrdreg s15  }
0xb7: {  	[dreg:$0x4] =	wrdreg s24  }
0xb8: {  	[dreg:$0x5] =	wrdreg s17  }
0xb9: {  	[dreg:$0x6] =	wrdreg s16  }
0xba: {  	[dreg:$0x7] =	wrdreg $0xF4100  }
0xbb: {  	[dreg:$0x8] =	wrdreg $0x190500  }
0xbc: {  	[dreg:$0x9] =	wrdreg $0x9  }
0xbd: {  	_ =	task.clear_ibuf [dreg:s10], $0xAFFFF;
	_ =	strace $0x90000046  }
0xbe: {  	s29 =	simm.s32 $0x9;
	_ =	strace $0x80000048  }
0xbf: {  	_ =	swait.ge [sflag:s29], $0x1  }
0xc0: {  	[sflag:s29] =	ssyncadd.s32 $0xFFFFFFFF  }
0xc1: {  	_ =	strace $0x90000048  }
0xc2: {  	_ =	sfence  }
0xc3: {  	s30 =	sld [smem:$0x0];
	_ =	sdelay $0x2  }
0xc4: {  	s31 =	sshll.u32 s1, $0xD;
	s1 =	sshrl.u32 s1, $0x2  }
0xc5: {  	s3 =	sand.u32 $0x4000, s31;
	s1 =	sadd.s32 s1, s30  }
0xc6: {  	s0 =	sor.u32 s3, s0;
	s1 =	sshll.u32 s1, $0x11  }
0xc7: {  	s0 =	sor.u32 s1, s0  }
0xc8: {  	s0 =	sadd.s32 $0x8F2B, s0  }
0xc9: {  	[sflag:s0] =	ssyncadd.remote.s32 $0x1  }
0xca: {  	_ =	sfence.sel $0xFFFF  }
0xcb: {  	[dreg:$0x0] =	wrdreg $0xFFFFFFFF;
	(pc) =	sbr.abs _section_cstart, $3  }
0xcc: {  	[dreg:$0x1] =	wrdreg $0xFFFFFFFF  }
0xcd: {  	_ =	task.clear_ibuf [dreg:s10], $0x2FFFF;
	_ =	strace $0x9FFFFFFF  }
0xce: {  	(tm) =	ssettm $0x7FFFFFFF  }
0xcf: {  	_ =	shalt  }
tec
execute0_lowered:
.L_overlay_start_1:
0x0: {  	(tag) =	ssettag $0x1  }
0x1: {  	s3 =	rddreg [dreg:$0x0]  }
0x2: {  	s4 =	rddreg [dreg:$0x1]  }
0x3: {  	s2 =	rddreg [dreg:$0x2];
	s0 =	srdreg.scid  }
0x4: {  	s19 =	stileid.u32;
	s5 =	rddreg [dreg:$0x3]  }
0x5: {  	s7 =	rddreg [dreg:$0x4];
	s6 =	smul.u32 $0x2800, s19  }
0x6: {  	s11 =	simm.s32 $0x0;
	s1 =	sand.u32 $0x1, s0;
	s8 =	smul.u32 $0x271, s19  }
0x7: {  	s10 =	smul.u32 $0x9C40, s19;
	[smem:$0x7FF] =	sst s11;
	s0 =	ssub.s32 $0x2, s1  }
0x8: {  	s20 =	smul.u32 $0x13880, s19;
	s13 =	sshll.u32 s1, $0x6;
	s9 =	sshrl.u32 s0, $0x1  }
0x9: {  	s11 =	sadd.s32 $0x7D, s8;
	s12 =	sadd.s32 $0xFA, s8;
	s14 =	sadd.s32 $0x177, s8  }
0xa: {  	s16 =	sadd.s32 $0x1F4, s8;
	s0 =	ssub.s32 s0, s9;
	s9 =	sor.u32 s13, s20  }
0xb: {  	s15 =	sshll.u32 s11, $0x7;
	s21 =	sshll.u32 s12, $0x7;
	s18 =	sshll.u32 s14, $0x7  }
0xc: {  	s26 =	sshll.u32 s16, $0x7;
	s9 =	sshrl.u32 s9, $0x3;
	s15 =	sor.u32 s13, s15  }
0xd: {  	s23 =	sor.u32 s13, s21;
	s25 =	sor.u32 s13, s18;
	s20 =	sor.u32 s13, s26  }
0xe: {  	s26 =	smul.u32 $0x2710, s19;
	s19 =	sadd.s32 $0x20200, s2;
	s17 =	sadd.s32 s3, s9  }
0xf: {  	s15 =	sshrl.u32 s15, $0x3;
	s9 =	sadd.s32 s4, s9;
	[dreg:$0x8] =	wrdreg s17  }
0x10: {  	[dreg:$0x9] =	wrdreg s9;
	s22 =	sadd.s32 s3, s15;
	s9 =	sshrl.u32 s23, $0x3  }
0x11: {  	s17 =	smul.u32 $0x2710, s1;
	s15 =	sadd.s32 s4, s15;
	[dreg:$0xa] =	wrdreg s22  }
0x12: {  	s18 =	sshrl.u32 s26, $0x3;
	[dreg:$0xb] =	wrdreg s15;
	s24 =	sadd.s32 s3, s9  }
0x13: {  	s15 =	sshrl.u32 s25, $0x3;
	s9 =	sadd.s32 s4, s9;
	[dreg:$0xc] =	wrdreg s24  }
0x14: {  	s25 =	smul.u32 $0x28000, s1;
	s8 =	sadd.s32 s8, s17;
	[dreg:$0xd] =	wrdreg s9  }
0x15: {  	s21 =	sadd.s32 s3, s15;
	s11 =	sadd.s32 s17, s11;
	s22 =	sadd.s32 s4, s15  }
0x16: {  	s9 =	sshrl.u32 s20, $0x3;
	s24 =	smul.u32 $0x9C400, s1;
	s15 =	rddreg [dreg:$0x6]  }
0x17: {  	s13 =	sadd.s32 s17, s16;
	s16 =	sadd.s32 $0x20400, s2;
	[dreg:$0xe] =	wrdreg s21  }
0x18: {  	[dreg:$0xf] =	wrdreg s22;
	s3 =	sadd.s32 s3, s9;
	s23 =	sadd.s32 s4, s9  }
0x19: {  	s4 =	sadd.s32 s17, s12;
	s9 =	sadd.s32 s17, s14;
	s14 =	rddreg [dreg:$0x5]  }
0x1a: {  	s12 =	sadd.s32 s6, s25;
	s6 =	sshrl.u32 s6, $0x3;
	s21 =	sadd.s32 $0x21E00, s2  }
0x1b: {  	s22 =	sadd.s32 $0x49000, s2;
	[dreg:$0x10] =	wrdreg s3;
	s3 =	sadd.s32 s10, s24  }
0x1c: {  	s20 =	sshll.u32 s8, $0x3;
	[dreg:$0x11] =	wrdreg s23;
	s3 =	sshrl.u32 s3, $0x3  }
0x1d: {  	s17 =	sshrl.u32 s12, $0x3;
	s6 =	sadd.s32 s6, s2;
	s5 =	sadd.s32 s5, s3  }
0x1e: {  	s23 =	sshll.u32 s11, $0x3;
	s3 =	sadd.s32 s7, s3;
	[dreg:$0x12] =	wrdreg s5  }
0x1f: {  	s24 =	sadd.s32 s21, s20;
	s7 =	sadd.s32 s18, s2;
	[dreg:$0x13] =	wrdreg s3  }
0x20: {  	s3 =	sadd.s32 s17, s2;
	_ =	strace $0x80000047;
	[dreg:$0x16] =	wrdreg s19  }
0x21: {  	s17 =	sadd.s32 $0x20A00, s2;
	s2 =	sadd.s32 s22, s20;
	[dreg:$0x19] =	wrdreg s24  }
0x22: {  	s8 =	sadd.s32 s26, s15;
	s26 =	sadd.s32 s21, s23;
	[dreg:$0x1a] =	wrdreg s2  }
0x23: {  	s25 =	sshll.u32 s4, $0x3;
	s5 =	sadd.s32 s22, s23;
	[dreg:$0x1b] =	wrdreg s26  }
0x24: {  	s9 =	sshll.u32 s9, $0x3;
	s11 =	sadd.s32 s21, s25;
	[dreg:$0x1c] =	wrdreg s5  }
0x25: {  	s12 =	sshll.u32 s13, $0x3;
	s13 =	sadd.s32 s21, s9;
	[dreg:$0x1d] =	wrdreg s11  }
0x26: {  	s4 =	sadd.s32 s22, s9;
	[dreg:$0x1f] =	wrdreg s13  }
0x27: {  	s18 =	sadd.s32 s21, s12;
	[smem:$0x7F4] =	sst s4  }
0x28: {  	s23 =	sadd.s32 $0x2200, s6;
	[smem:$0x7F5] =	sst s18  }
0x29: {  	s0 =	smax.u32 s0, $0x1;
	[smem:$0x7F9] =	sst s23  }
0x2a: {  	[smem:$0x7FD] =	sst s0  }
0x2b: {  	[dreg:$0x14] =	wrdreg s17  }
0x2c: {  	s28 =	simm.s32 $0x8E80;
	s10 =	sadd.s32 s10, s14;
	[dreg:$0x15] =	wrdreg s16  }
0x2d: {  	s29 =	simm.s32 $0xADC0;
	s30 =	simm.s32 $0xCD00;
	[dreg:$0x17] =	wrdreg s10  }
0x2e: {  	s31 =	simm.s32 $0x1;
	s2 =	sadd.s32 s22, s25;
	[dreg:$0x18] =	wrdreg s8  }
0x2f: {  	p0 =	sne.s32 s1, $0x0;
	s19 =	sadd.s32 $0x7200, s3;
	[dreg:$0x1e] =	wrdreg s2  }
0x30: {  	p1 =	seq.s32 s1, $0x0;
	s20 =	sadd.s32 $0x16200, s3;
	[smem:$0x7F7] =	sst s19  }
0x31: {  	s24 =	sadd.s32 $0x11200, s6;
	s25 =	sadd.s32 $0x75200, s7;
	[smem:$0x7F8] =	sst s20  }
0x32: {  	s26 =	sadd.s32 $0x70200, s7;
	s13 =	simm.s32 $0x2;
	[smem:$0x7FA] =	sst s24  }
0x33: {  	s0 =	simm.s32 $0x3;
	s3 =	simm.s32 $0x4;
	[smem:$0x7FB] =	sst s25  }
0x34: {  	s4 =	simm.s32 $0x5;
	s2 =	sadd.s32 s22, s12;
	[smem:$0x7FC] =	sst s26  }
0x35: {  	s6 =	simm.s32 $0x7D;
	s7 =	simm.s32 $0x0;
	[smem:$0x7F6] =	sst s2  }
.LBB2_1:
0x36: {  	[smem:$0x7F0] =	sst s7;
	s5 =	simm.s32 $0x0  }
0x37: {  	s2 =	rddreg [dreg:$0x16];
	s11 =	simm.s32 $0xEC40;
	s7 =	simm.s32 $0xC  }
0x38: {  	[tilespmem:s11], [sflag:$0xC] =	stream.linear.gather [hbm4b:s2+s5], $0x7D0, $0x38;
	[tilespmem:$0x1B760] =	vst v63  }
0x39: {  	s12 =	stileid.u32;
	_ =	swait.ge [sflag:s7], $0x7D0  }
0x3a: {  	s9 =	sshrl.u32 s10, $0x3;
	s2 =	sshll.u32 s12, $0x6;
	[sflag:s7] =	ssyncset.done $0x0  }
0x3b: {  	s2 =	sor.u32 $0x1C0C, s2;
	[smem:$0x7F1] =	sst s9;
	[sflag:s7] =	ssyncadd.s32 $0xFFFFF830  }
0x3c: {  	[spmem:s9], [sflag:s2] =	dma.local [hbm:s17], $0x1388  }
0x3d: {  	_ =	swait.ge [sflag:s7], $0x1388  }
0x3e: {  	s8 =	sshrl.u32 s8, $0x3;
	[sflag:s7] =	ssyncset.done $0x0;
	[smem:$0x7F2] =	sst s2  }
0x3f: {  	[smem:$0x7F3] =	sst s8;
	[sflag:s7] =	ssyncadd.s32 $0xFFFFEC78  }
0x40: {  	[spmem:s8], [sflag:s2] =	dma.local [hbm:s16], $0x4E2  }
0x41: {  	_ =	swait.ge [sflag:s7], $0x4E2  }
0x42: {  	s10 =	simm.s32 $0x5000;
	s9 =	simm.s32 $0x80;
	[sflag:s7] =	ssyncset.done $0x0  }
0x43: {  	s8 =	simm.s32 $0x40;
	s18 =	rddreg [dreg:$0x8];
	[sflag:s7] =	ssyncadd.s32 $0xFFFFFB1E  }
0x44: {  	[tilespmem:s10], [sflag:$0x1] =	stream.strided.gather [hbm4b:s18+s8], $0x1F40, s9, s8, $0x38;
	[tilespmem:$0x1B760] =	vst v63  }
0x45: {  	s11 =	simm.s32 $0x6F40;
	s19 =	rddreg [dreg:$0x9]  }
0x46: {  	[tilespmem:s11], [sflag:$0x2] =	stream.strided.gather [hbm4b:s19+s8], $0x1F40, s9, s8, $0x38;
	[tilespmem:$0x1B760] =	vst v63  }
0x47: {  	s20 =	rddreg [dreg:$0xa]  }
0x48: {  	[tilespmem:s28], [sflag:$0x3] =	stream.strided.gather [hbm4b:s20+s8], $0x1F40, s9, s8, $0x38;
	[tilespmem:$0x1B760] =	vst v63  }
0x49: {  	s23 =	rddreg [dreg:$0xb]  }
0x4a: {  	[tilespmem:s29], [sflag:$0x4] =	stream.strided.gather [hbm4b:s23+s8], $0x1F40, s9, s8, $0x38;
	[tilespmem:$0x1B760] =	vst v63  }
0x4b: {  	s24 =	rddreg [dreg:$0xc]  }
0x4c: {  	[tilespmem:s30], [sflag:$0x5] =	stream.strided.gather [hbm4b:s24+s8], $0x1F40, s9, s8, $0x38;
	[tilespmem:$0x1B760] =	vst v63  }
0x4d: {  	_ =	swait.ge [sflag:s31], $0x1F40  }
0x4e: {  	[sflag:s31] =	ssyncset.done $0x0  }
0x4f: {  	s25 =	rddreg [dreg:$0x19];
	[sflag:s31] =	ssyncadd.s32 $0xFFFFE0C0  }
0x50: {  	[hbm4b:s25+s5] =	stream.linear.scatter [tilespmem:s10], [sflag:$0xC], $0x1F40, $0x38;
	[tilespmem:$0x1B760] =	vst v63  }
0x51: {  	_ =	swait.ge [sflag:s7], $0x1F40  }
0x52: {  	[sflag:s7] =	ssyncset.done $0x0  }
0x53: {  	s26 =	rddreg [dreg:$0xd];
	[sflag:s7] =	ssyncadd.s32 $0xFFFFE0C0  }
0x54: {  	[tilespmem:s10], [sflag:$0x1] =	stream.strided.gather [hbm4b:s26+s8], $0x1F40, s9, s8, $0x38;
	[tilespmem:$0x1B760] =	vst v63  }
0x55: {  	_ =	swait.ge [sflag:s13], $0x1F40  }
0x56: {  	[sflag:s13] =	ssyncset.done $0x0  }
0x57: {  	s12 =	rddreg [dreg:$0x1a];
	[sflag:s13] =	ssyncadd.s32 $0xFFFFE0C0  }
0x58: {  	[hbm4b:s12+s5] =	stream.linear.scatter [tilespmem:s11], [sflag:$0xC], $0x1F40, $0x38;
	[tilespmem:$0x1B760] =	vst v63  }
0x59: {  	_ =	swait.ge [sflag:s7], $0x1F40  }
0x5a: {  	[sflag:s7] =	ssyncset.done $0x0  }
0x5b: {  	s16 =	rddreg [dreg:$0xe];
	[sflag:s7] =	ssyncadd.s32 $0xFFFFE0C0  }
0x5c: {  	[tilespmem:s11], [sflag:$0x2] =	stream.strided.gather [hbm4b:s16+s8], $0x1F40, s9, s8, $0x38;
	[tilespmem:$0x1B760] =	vst v63  }
0x5d: {  	_ =	swait.ge [sflag:s0], $0x1F40  }
0x5e: {  	[sflag:s0] =	ssyncset.done $0x0  }
0x5f: {  	s17 =	rddreg [dreg:$0x1b];
	[sflag:s0] =	ssyncadd.s32 $0xFFFFE0C0  }
0x60: {  	[hbm4b:s17+s5] =	stream.linear.scatter [tilespmem:s28], [sflag:$0xC], $0x1F40, $0x38;
	[tilespmem:$0x1B760] =	vst v63  }
0x61: {  	_ =	swait.ge [sflag:s7], $0x1F40  }
0x62: {  	[sflag:s7] =	ssyncset.done $0x0  }
0x63: {  	s18 =	rddreg [dreg:$0xf];
	[sflag:s7] =	ssyncadd.s32 $0xFFFFE0C0  }
0x64: {  	[tilespmem:s28], [sflag:$0x3] =	stream.strided.gather [hbm4b:s18+s8], $0x1F40, s9, s8, $0x38;
	[tilespmem:$0x1B760] =	vst v63  }
0x65: {  	_ =	swait.ge [sflag:s3], $0x1F40  }
0x66: {  	[sflag:s3] =	ssyncset.done $0x0  }
0x67: {  	s19 =	rddreg [dreg:$0x1c];
	[sflag:s3] =	ssyncadd.s32 $0xFFFFE0C0  }
0x68: {  	[hbm4b:s19+s5] =	stream.linear.scatter [tilespmem:s29], [sflag:$0xC], $0x1F40, $0x38;
	[tilespmem:$0x1B760] =	vst v63  }
0x69: {  	_ =	swait.ge [sflag:s7], $0x1F40  }
0x6a: {  	[sflag:s7] =	ssyncset.done $0x0  }
0x6b: {  	s20 =	rddreg [dreg:$0x10];
	[sflag:s7] =	ssyncadd.s32 $0xFFFFE0C0  }
0x6c: {  	[tilespmem:s29], [sflag:$0x4] =	stream.strided.gather [hbm4b:s20+s8], $0x1F40, s9, s8, $0x38;
	[tilespmem:$0x1B760] =	vst v63  }
0x6d: {  	_ =	swait.ge [sflag:s4], $0x1F40  }
0x6e: {  	[sflag:s4] =	ssyncset.done $0x0  }
0x6f: {  	s23 =	rddreg [dreg:$0x1d];
	[sflag:s4] =	ssyncadd.s32 $0xFFFFE0C0  }
0x70: {  	[hbm4b:s23+s5] =	stream.linear.scatter [tilespmem:s30], [sflag:$0xC], $0x1F40, $0x38;
	[tilespmem:$0x1B760] =	vst v63  }
0x71: {  	_ =	swait.ge [sflag:s7], $0x1F40  }
0x72: {  	[sflag:s7] =	ssyncset.done $0x0  }
0x73: {  	s24 =	rddreg [dreg:$0x11];
	[sflag:s7] =	ssyncadd.s32 $0xFFFFE0C0  }
0x74: {  	[tilespmem:s30], [sflag:$0x5] =	stream.strided.gather [hbm4b:s24+s8], $0x1F40, s9, s8, $0x38;
	[tilespmem:$0x1B760] =	vst v63  }
0x75: {  	_ =	swait.ge [sflag:s31], $0x1F40  }
0x76: {  	[sflag:s31] =	ssyncset.done $0x0  }
0x77: {  	s25 =	rddreg [dreg:$0x1e];
	[sflag:s31] =	ssyncadd.s32 $0xFFFFE0C0  }
0x78: {  	[hbm4b:s25+s5] =	stream.linear.scatter [tilespmem:s10], [sflag:$0xC], $0x1F40, $0x38;
	[tilespmem:$0x1B760] =	vst v63  }
0x79: {  	_ =	swait.ge [sflag:s7], $0x1F40  }
0x7a: {  	[sflag:s7] =	ssyncset.done $0x0  }
0x7b: {  	[sflag:s7] =	ssyncadd.s32 $0xFFFFE0C0  }
0x7c: {  	_ =	swait.ge [sflag:s13], $0x1F40  }
0x7d: {  	[sflag:s13] =	ssyncset.done $0x0  }
0x7e: {  	s26 =	rddreg [dreg:$0x1f];
	[sflag:s13] =	ssyncadd.s32 $0xFFFFE0C0  }
0x7f: {  	[hbm4b:s26+s5] =	stream.linear.scatter [tilespmem:s11], [sflag:$0xC], $0x1F40, $0x38;
	[tilespmem:$0x1B760] =	vst v63  }
0x80: {  	_ =	swait.ge [sflag:s7], $0x1F40  }
0x81: {  	[sflag:s7] =	ssyncset.done $0x0  }
0x82: {  	[sflag:s7] =	ssyncadd.s32 $0xFFFFE0C0  }
0x83: {  	_ =	swait.ge [sflag:s0], $0x1F40  }
0x84: {  	s8 =	sld [smem:$0x7F4]  }
0x85: {  	[sflag:s0] =	ssyncset.done $0x0  }
0x86: {  	[sflag:s0] =	ssyncadd.s32 $0xFFFFE0C0  }
0x87: {  	[hbm4b:s8+s5] =	stream.linear.scatter [tilespmem:s28], [sflag:$0xC], $0x1F40, $0x38;
	[tilespmem:$0x1B760] =	vst v63  }
0x88: {  	_ =	swait.ge [sflag:s7], $0x1F40  }
0x89: {  	[sflag:s7] =	ssyncset.done $0x0  }
0x8a: {  	[sflag:s7] =	ssyncadd.s32 $0xFFFFE0C0  }
0x8b: {  	_ =	swait.ge [sflag:s3], $0x1F40  }
0x8c: {  	s12 =	sld [smem:$0x7F5]  }
0x8d: {  	[sflag:s3] =	ssyncset.done $0x0  }
0x8e: {  	[sflag:s3] =	ssyncadd.s32 $0xFFFFE0C0  }
0x8f: {  	[hbm4b:s12+s5] =	stream.linear.scatter [tilespmem:s29], [sflag:$0xC], $0x1F40, $0x38;
	[tilespmem:$0x1B760] =	vst v63  }
0x90: {  	_ =	swait.ge [sflag:s7], $0x1F40  }
0x91: {  	[sflag:s7] =	ssyncset.done $0x0  }
0x92: {  	[sflag:s7] =	ssyncadd.s32 $0xFFFFE0C0  }
0x93: {  	_ =	swait.ge [sflag:s4], $0x1F40  }
0x94: {  	s16 =	sld [smem:$0x7F6]  }
0x95: {  	[sflag:s4] =	ssyncset.done $0x0  }
0x96: {  	[sflag:s4] =	ssyncadd.s32 $0xFFFFE0C0  }
0x97: {  	[hbm4b:s16+s5] =	stream.linear.scatter [tilespmem:s30], [sflag:$0xC], $0x1F40, $0x38;
	[tilespmem:$0x1B760] =	vst v63  }
0x98: {  	_ =	swait.ge [sflag:s7], $0x1F40  }
0x99: {  	[sflag:s7] =	ssyncset.done $0x0  }
0x9a: {  	[sflag:s7] =	ssyncadd.s32 $0xFFFFE0C0  }
0x9b: {  	[bflag:$0x0] =	sbarrier.arrive $0xFFFF  }
0x9c: {  	s17 =	sld [smem:$0x7F7];
	_ =	sdelay $0x2  }
0x9d: {  	[tilespmem:s5], [sflag:$0xC] =	stream.linear.gather [hbm4b:s17+s5], $0x2800, $0x38;
	[tilespmem:$0x1B760] =	vst v63  }
0x9e: {  	_ =	swait.ge [sflag:s7], $0x2800  }
0x9f: {  	s18 =	sld [smem:$0x7F9]  }
0xa0: {  	[sflag:s7] =	ssyncset.done $0x0  }
0xa1: {  	s19 =	simm.s32 $0x2800;
	[sflag:s7] =	ssyncadd.s32 $0xFFFFD800  }
0xa2: {  	[tilespmem:s19], [sflag:$0xC] =	stream.linear.gather [hbm4b:s18+s5], $0x2800, $0x38;
	[tilespmem:$0x1B760] =	vst v63  }
0xa3: {  	_ =	swait.ge [sflag:s7], $0x2800  }
0xa4: {  	p2 =	por $0x1, $0x1;
	[sflag:s7] =	ssyncset.done $0x0  }
0xa5: {  	p2 =	por p2, p2;
	[sflag:s7] =	ssyncadd.s32 $0xFFFFD800  }
0xa6: {  	[tilespmem:s10], [sflag:$0x1] =	stream.indirect.gather [hbm4b:s21+s6], $0x40, s5, s6, $0xb8;
	[tilespmem:$0x1B760] =	vst v63  }
0xa7: {  	s2 =	simm.s32 @!p2 $0x8  }
0xa8: {  	[tilespmem:s11], [sflag:$0x2] =	stream.indirect.gather [hbm4b:s21+s6], $0x40, s9, s6, $0xb8;
	[tilespmem:$0x1B760] =	vst v63  }
0xa9: {  	p3 =	sne.s32 @!p2 s1, $0x0;
	_ =	swait.ge @!p2 [sflag:s2], $0x1F40  }
0xaa: {  	p3 =	por p3, p2;
	[sflag:s2] =	ssyncset.done @!p2 $0x0  }
0xab: {  	s5 =	simm.s32 @!p3 $0xB;
	[sflag:s2] =	ssyncadd.s32 @!p2 $0xFFFFE0C0  }
0xac: {  	_ =	swait.ge @!p3 [sflag:s5], $0x7D0  }
0xad: {  	[sflag:s5] =	ssyncset.done @!p3 $0x0  }
0xae: {  	s20 =	simm.s32 $0x100;
	[sflag:s5] =	ssyncadd.s32 @!p3 $0xFFFFF830  }
0xaf: {  	[tilespmem:s28], [sflag:$0x3] =	stream.indirect.gather [hbm4b:s21+s6], $0x40, s20, s6, $0xb8;
	[tilespmem:$0x1B760] =	vst v63  }
0xb0: {  	p2 =	por @p0 $0x1, $0x1;
	_ =	swait.ge [sflag:s31], $0x1F40  }
0xb1: {  	p3 =	por p2, !p0;
	[sflag:s31] =	ssyncset.done $0x0  }
0xb2: {  	s2 =	simm.s32 $0x2800;
	s7 =	simm.s32 @!p3 $0x9;
	[sflag:s31] =	ssyncadd.s32 $0xFFFFE0C0  }
0xb3: {  	[spmem:s14] =	stream.indirect.scatter.add.f32 [tilespmem:s10], [sflag:$0x6], $0x40, s2, s6, $0xb8;
	[tilespmem:$0x1B760] =	vst v63  }
0xb4: {  	p2 =	por @!p0 $0x1, $0x1;
	_ =	swait.ge @!p3 [sflag:s7], $0x1F40  }
0xb5: {  	s17 =	simm.s32 @!p0 $0x7D;
	p2 =	por p2, p0;
	[sflag:s7] =	ssyncset.done @!p3 $0x0  }
0xb6: {  	s5 =	simm.s32 @!p0 $0xEC40;
	[sflag:s7] =	ssyncadd.s32 @!p3 $0xFFFFE0C0;
	s7 =	simm.s32 @!p2 $0x9  }
0xb7: {  	[spmem:s15] =	stream.indirect.scatter.add.f32 @!p0 [tilespmem:s5], [sflag:$0xB], $0x10, s2, s17, $0xb8;
	[tilespmem:$0x1B760] =	vst v63  }
0xb8: {  	_ =	swait.ge @!p2 [sflag:s7], $0x1F40  }
0xb9: {  	[sflag:s7] =	ssyncset.done @!p2 $0x0  }
0xba: {  	s2 =	simm.s32 @!p2 $0xB;
	[sflag:s7] =	ssyncadd.s32 @!p2 $0xFFFFE0C0  }
0xbb: {  	_ =	swait.ge @!p2 [sflag:s2], $0x7D0  }
0xbc: {  	[sflag:s2] =	ssyncset.done @!p2 $0x0  }
0xbd: {  	s23 =	simm.s32 $0x180;
	[sflag:s2] =	ssyncadd.s32 @!p2 $0xFFFFF830  }
0xbe: {  	[tilespmem:s29], [sflag:$0x4] =	stream.indirect.gather [hbm4b:s21+s6], $0x40, s23, s6, $0xb8;
	[tilespmem:$0x1B760] =	vst v63  }
0xbf: {  	_ =	swait.ge [sflag:s13], $0x1F40  }
0xc0: {  	[sflag:s13] =	ssyncset.done $0x0  }
0xc1: {  	s8 =	simm.s32 @!p3 $0xA;
	s7 =	simm.s32 $0x2880;
	[sflag:s13] =	ssyncadd.s32 $0xFFFFE0C0  }
0xc2: {  	[spmem:s14] =	stream.indirect.scatter.add.f32 [tilespmem:s11], [sflag:$0x7], $0x40, s7, s6, $0xb8;
	[tilespmem:$0x1B760] =	vst v63  }
0xc3: {  	_ =	swait.ge @!p3 [sflag:s8], $0x1F40  }
0xc4: {  	[sflag:s8] =	ssyncset.done @!p3 $0x0  }
0xc5: {  	[sflag:s8] =	ssyncadd.s32 @!p3 $0xFFFFE0C0;
	s8 =	simm.s32 @!p2 $0xA  }
0xc6: {  	[spmem:s15] =	stream.indirect.scatter.add.f32 @!p0 [tilespmem:s5], [sflag:$0xB], $0x10, s7, s17, $0xb8;
	[tilespmem:$0x1B760] =	vst v63  }
0xc7: {  	_ =	swait.ge @!p2 [sflag:s8], $0x1F40  }
0xc8: {  	[sflag:s8] =	ssyncset.done @!p2 $0x0  }
0xc9: {  	[sflag:s8] =	ssyncadd.s32 @!p2 $0xFFFFE0C0  }
0xca: {  	_ =	swait.ge @!p2 [sflag:s2], $0x7D0  }
0xcb: {  	[sflag:s2] =	ssyncset.done @!p2 $0x0  }
0xcc: {  	s24 =	simm.s32 $0x200;
	[sflag:s2] =	ssyncadd.s32 @!p2 $0xFFFFF830  }
0xcd: {  	[tilespmem:s30], [sflag:$0x5] =	stream.indirect.gather [hbm4b:s21+s6], $0x40, s24, s6, $0xb8;
	[tilespmem:$0x1B760] =	vst v63  }
0xce: {  	_ =	swait.ge [sflag:s0], $0x1F40  }
0xcf: {  	[sflag:s0] =	ssyncset.done $0x0  }
0xd0: {  	s19 =	simm.s32 @p0 $0x6;
	s2 =	simm.s32 $0x2900;
	[sflag:s0] =	ssyncadd.s32 $0xFFFFE0C0  }
0xd1: {  	[spmem:s14] =	stream.indirect.scatter.add.f32 [tilespmem:s28], [sflag:$0x8], $0x40, s2, s6, $0xb8;
	[tilespmem:$0x1B760] =	vst v63  }
0xd2: {  	_ =	swait.ge @p0 [sflag:s19], $0x1F40  }
0xd3: {  	[sflag:s19] =	ssyncset.done @p0 $0x0  }
0xd4: {  	s23 =	simm.s32 @!p0 $0x6;
	[sflag:s19] =	ssyncadd.s32 @p0 $0xFFFFE0C0  }
0xd5: {  	[spmem:s15] =	stream.indirect.scatter.add.f32 @!p0 [tilespmem:s5], [sflag:$0xB], $0x10, s2, s17, $0xb8;
	[tilespmem:$0x1B760] =	vst v63  }
0xd6: {  	_ =	swait.ge @!p0 [sflag:s23], $0x1F40  }
0xd7: {  	[sflag:s23] =	ssyncset.done @!p0 $0x0  }
0xd8: {  	s24 =	simm.s32 @!p0 $0xB;
	[sflag:s23] =	ssyncadd.s32 @!p0 $0xFFFFE0C0  }
0xd9: {  	p2 =	por $0x0, $0x0;
	_ =	swait.ge @!p0 [sflag:s24], $0x7D0  }
0xda: {  	s7 =	simm.s32 @!p2 $0x280;
	[sflag:s24] =	ssyncset.done @!p0 $0x0  }
0xdb: {  	s8 =	simm.s32 @!p2 $0x7D;
	s2 =	simm.s32 @!p2 $0x5000;
	[sflag:s24] =	ssyncadd.s32 @!p0 $0xFFFFF830  }
0xdc: {  	[tilespmem:s2], [sflag:$0x1] =	stream.indirect.gather @!p2 [hbm4b:s21+s8], $0x40, s7, s8, $0xb8;
	[tilespmem:$0x1B760] =	vst v63  }
0xdd: {  	_ =	swait.ge [sflag:s3], $0x1F40  }
0xde: {  	[sflag:s3] =	ssyncset.done $0x0  }
0xdf: {  	s2 =	simm.s32 $0x2980;
	s7 =	simm.s32 @p0 $0x7;
	[sflag:s3] =	ssyncadd.s32 $0xFFFFE0C0  }
0xe0: {  	[spmem:s14] =	stream.indirect.scatter.add.f32 [tilespmem:s29], [sflag:$0x9], $0x40, s2, s6, $0xb8;
	[tilespmem:$0x1B760] =	vst v63  }
0xe1: {  	_ =	swait.ge @p0 [sflag:s7], $0x1F40  }
0xe2: {  	[sflag:s7] =	ssyncset.done @p0 $0x0  }
0xe3: {  	s16 =	simm.s32 @!p0 $0x7;
	[sflag:s7] =	ssyncadd.s32 @p0 $0xFFFFE0C0  }
0xe4: {  	[spmem:s15] =	stream.indirect.scatter.add.f32 @!p0 [tilespmem:s5], [sflag:$0xB], $0x10, s2, s17, $0xb8;
	[tilespmem:$0x1B760] =	vst v63  }
0xe5: {  	_ =	swait.ge @!p0 [sflag:s16], $0x1F40  }
0xe6: {  	[sflag:s16] =	ssyncset.done @!p0 $0x0  }
0xe7: {  	[sflag:s16] =	ssyncadd.s32 @!p0 $0xFFFFE0C0  }
0xe8: {  	_ =	swait.ge @!p0 [sflag:s24], $0x7D0  }
0xe9: {  	p6 =	por $0x0, $0x0;
	[sflag:s24] =	ssyncset.done @!p0 $0x0  }
0xea: {  	s18 =	simm.s32 @!p2 $0x6F40;
	s2 =	simm.s32 @!p2 $0x300;
	[sflag:s24] =	ssyncadd.s32 @!p0 $0xFFFFF830  }
0xeb: {  	[tilespmem:s18], [sflag:$0x2] =	stream.indirect.gather @!p2 [hbm4b:s21+s8], $0x40, s2, s8, $0xb8;
	[tilespmem:$0x1B760] =	vst v63  }
0xec: {  	s25 =	simm.s32 $0x6F40;
	s26 =	simm.s32 $0x5000;
	_ =	swait.ge [sflag:s4], $0x1F40  }
0xed: {  	s20 =	simm.s32 $0x1400;
	s2 =	simm.s32 $0x2A00;
	[sflag:s4] =	ssyncset.done $0x0  }
0xee: {  	s18 =	simm.s32 $0xA00;
	p2 =	por p6, p6;
	[sflag:s4] =	ssyncadd.s32 $0xFFFFE0C0  }
0xef: {  	[spmem:s14] =	stream.indirect.scatter.add.f32 [tilespmem:s30], [sflag:$0xA], $0x40, s2, s6, $0xb8;
	[tilespmem:$0x1B760] =	vst v63  }
.LBB2_2:
0xf0: {  	p4 =	seq.s32 s20, $0x0  }
0xf1: {  	p3 =	sne.s32 @!p2 s1, $0x0;
	s11 =	simm.s32 @!p2 $0x8;
	s8 =	smov.u32 s20  }
0xf2: {  	[spmem:s15] =	stream.indirect.scatter.add.f32 @!p0 [tilespmem:s5], [sflag:$0xB], $0x10, s2, s17, $0xb8;
	[tilespmem:$0x1B760] =	vst v63  }
0xf3: {  	s20 =	sadd.s32 $0xA00, s20;
	p5 =	por p3, p2;
	_ =	swait.ge @!p2 [sflag:s11], $0x1F40  }
0xf4: {  	p3 =	sne.s32 s20, $0xA000;
	s10 =	simm.s32 @!p5 $0xB;
	[sflag:s11] =	ssyncset.done @!p2 $0x0  }
0xf5: {  	[sflag:s11] =	ssyncadd.s32 @!p2 $0xFFFFE0C0;
	p2 =	por p4, p4  }
0xf6: {  	_ =	swait.ge @!p5 [sflag:s10], $0x7D0  }
0xf7: {  	s2 =	sshra.s32 s18, $0x2;
	[sflag:s10] =	ssyncset.done @!p5 $0x0  }
0xf8: {  	[sflag:s10] =	ssyncadd.s32 @!p5 $0xFFFFF830;
	s10 =	sadd.s32 $0x100, s2  }
0xf9: {  	[tilespmem:s28], [sflag:$0x3] =	stream.indirect.gather [hbm4b:s21+s6], $0x40, s10, s6, $0xb8;
	[tilespmem:$0x1B760] =	vst v63  }
0xfa: {  	_ =	swait.ge [sflag:s31], $0x1F40  }
0xfb: {  	p4 =	seq.s32 @p0 s18, $0x0;
	[sflag:s31] =	ssyncset.done $0x0  }
0xfc: {  	p5 =	por p4, !p0;
	s10 =	sadd.s32 $0x2800, s2;
	[sflag:s31] =	ssyncadd.s32 $0xFFFFE0C0  }
0xfd: {  	[spmem:s14] =	stream.indirect.scatter.add.f32 [tilespmem:s26], [sflag:$0x6], $0x40, s10, s6, $0xb8;
	[tilespmem:$0x1B760] =	vst v63  }
0xfe: {  	s11 =	simm.s32 @!p5 $0x9  }
0xff: {  	p4 =	seq.s32 @!p0 s18, $0x0;
	_ =	swait.ge @!p5 [sflag:s11], $0x1F40  }
0x100: {  	p4 =	por p4, p0;
	[sflag:s11] =	ssyncset.done @!p5 $0x0  }
0x101: {  	[sflag:s11] =	ssyncadd.s32 @!p5 $0xFFFFE0C0;
	s11 =	simm.s32 @!p4 $0x9  }
0x102: {  	[spmem:s15] =	stream.indirect.scatter.add.f32 @!p0 [tilespmem:s5], [sflag:$0xB], $0x10, s10, s17, $0xb8;
	[tilespmem:$0x1B760] =	vst v63  }
0x103: {  	_ =	swait.ge @!p4 [sflag:s11], $0x1F40  }
0x104: {  	s10 =	simm.s32 @!p4 $0xB;
	[sflag:s11] =	ssyncset.done @!p4 $0x0  }
0x105: {  	[sflag:s11] =	ssyncadd.s32 @!p4 $0xFFFFE0C0  }
0x106: {  	_ =	swait.ge @!p4 [sflag:s10], $0x7D0  }
0x107: {  	s11 =	sadd.s32 $0x180, s2;
	[sflag:s10] =	ssyncset.done @!p4 $0x0  }
0x108: {  	[sflag:s10] =	ssyncadd.s32 @!p4 $0xFFFFF830  }
0x109: {  	[tilespmem:s29], [sflag:$0x4] =	stream.indirect.gather [hbm4b:s21+s6], $0x40, s11, s6, $0xb8;
	[tilespmem:$0x1B760] =	vst v63  }
0x10a: {  	_ =	swait.ge [sflag:s13], $0x1F40  }
0x10b: {  	s11 =	sadd.s32 $0x2880, s2;
	[sflag:s13] =	ssyncset.done $0x0  }
0x10c: {  	s9 =	simm.s32 @!p5 $0xA;
	[sflag:s13] =	ssyncadd.s32 $0xFFFFE0C0  }
0x10d: {  	[spmem:s14] =	stream.indirect.scatter.add.f32 [tilespmem:s25], [sflag:$0x7], $0x40, s11, s6, $0xb8;
	[tilespmem:$0x1B760] =	vst v63  }
0x10e: {  	_ =	swait.ge @!p5 [sflag:s9], $0x1F40  }
0x10f: {  	[sflag:s9] =	ssyncset.done @!p5 $0x0  }
0x110: {  	[sflag:s9] =	ssyncadd.s32 @!p5 $0xFFFFE0C0;
	s9 =	simm.s32 @!p4 $0xA  }
0x111: {  	[spmem:s15] =	stream.indirect.scatter.add.f32 @!p0 [tilespmem:s5], [sflag:$0xB], $0x10, s11, s17, $0xb8;
	[tilespmem:$0x1B760] =	vst v63  }
0x112: {  	_ =	swait.ge @!p4 [sflag:s9], $0x1F40  }
0x113: {  	[sflag:s9] =	ssyncset.done @!p4 $0x0  }
0x114: {  	[sflag:s9] =	ssyncadd.s32 @!p4 $0xFFFFE0C0  }
0x115: {  	_ =	swait.ge @!p4 [sflag:s10], $0x7D0  }
0x116: {  	s9 =	sadd.s32 $0x200, s2;
	[sflag:s10] =	ssyncset.done @!p4 $0x0  }
0x117: {  	[sflag:s10] =	ssyncadd.s32 @!p4 $0xFFFFF830  }
0x118: {  	[tilespmem:s30], [sflag:$0x5] =	stream.indirect.gather [hbm4b:s21+s6], $0x40, s9, s6, $0xb8;
	[tilespmem:$0x1B760] =	vst v63  }
0x119: {  	_ =	swait.ge [sflag:s0], $0x1F40  }
0x11a: {  	s9 =	sadd.s32 $0x2900, s2;
	[sflag:s0] =	ssyncset.done $0x0  }
0x11b: {  	[sflag:s0] =	ssyncadd.s32 $0xFFFFE0C0  }
0x11c: {  	[spmem:s14] =	stream.indirect.scatter.add.f32 [tilespmem:s28], [sflag:$0x8], $0x40, s9, s6, $0xb8;
	[tilespmem:$0x1B760] =	vst v63  }
0x11d: {  	_ =	swait.ge @p0 [sflag:s19], $0x1F40  }
0x11e: {  	[sflag:s19] =	ssyncset.done @p0 $0x0  }
0x11f: {  	[sflag:s19] =	ssyncadd.s32 @p0 $0xFFFFE0C0  }
0x120: {  	[spmem:s15] =	stream.indirect.scatter.add.f32 @!p0 [tilespmem:s5], [sflag:$0xB], $0x10, s9, s17, $0xb8;
	[tilespmem:$0x1B760] =	vst v63  }
0x121: {  	_ =	swait.ge @!p0 [sflag:s23], $0x1F40  }
0x122: {  	[sflag:s23] =	ssyncset.done @!p0 $0x0  }
0x123: {  	p4 =	seq.s32 s18, $0x9600;
	[sflag:s23] =	ssyncadd.s32 @!p0 $0xFFFFE0C0  }
0x124: {  	s10 =	simm.s32 @!p4 $0x5000;
	s9 =	sshra.s32 @!p4 s18, $0x2;
	_ =	swait.ge @!p0 [sflag:s24], $0x7D0  }
0x125: {  	s12 =	simm.s32 @!p4 $0x7D;
	s11 =	sadd.s32 @!p4 $0x280, s9;
	[sflag:s24] =	ssyncset.done @!p0 $0x0  }
0x126: {  	s18 =	smov.u32 s8;
	s9 =	sadd.s32 @!p4 $0x300, s9;
	[sflag:s24] =	ssyncadd.s32 @!p0 $0xFFFFF830  }
0x127: {  	[tilespmem:s10], [sflag:$0x1] =	stream.indirect.gather @!p4 [hbm4b:s21+s12], $0x40, s11, s12, $0xb8;
	[tilespmem:$0x1B760] =	vst v63  }
0x128: {  	_ =	swait.ge [sflag:s3], $0x1F40  }
0x129: {  	s8 =	sadd.s32 $0x2980, s2;
	[sflag:s3] =	ssyncset.done $0x0  }
0x12a: {  	[sflag:s3] =	ssyncadd.s32 $0xFFFFE0C0  }
0x12b: {  	[spmem:s14] =	stream.indirect.scatter.add.f32 [tilespmem:s29], [sflag:$0x9], $0x40, s8, s6, $0xb8;
	[tilespmem:$0x1B760] =	vst v63  }
0x12c: {  	_ =	swait.ge @p0 [sflag:s7], $0x1F40  }
0x12d: {  	[sflag:s7] =	ssyncset.done @p0 $0x0  }
0x12e: {  	[sflag:s7] =	ssyncadd.s32 @p0 $0xFFFFE0C0  }
0x12f: {  	[spmem:s15] =	stream.indirect.scatter.add.f32 @!p0 [tilespmem:s5], [sflag:$0xB], $0x10, s8, s17, $0xb8;
	[tilespmem:$0x1B760] =	vst v63  }
0x130: {  	_ =	swait.ge @!p0 [sflag:s16], $0x1F40  }
0x131: {  	[sflag:s16] =	ssyncset.done @!p0 $0x0  }
0x132: {  	[sflag:s16] =	ssyncadd.s32 @!p0 $0xFFFFE0C0  }
0x133: {  	_ =	swait.ge @!p0 [sflag:s24], $0x7D0  }
0x134: {  	s8 =	simm.s32 @!p4 $0x6F40;
	[sflag:s24] =	ssyncset.done @!p0 $0x0  }
0x135: {  	[sflag:s24] =	ssyncadd.s32 @!p0 $0xFFFFF830  }
0x136: {  	[tilespmem:s8], [sflag:$0x2] =	stream.indirect.gather @!p4 [hbm4b:s21+s12], $0x40, s9, s12, $0xb8;
	[tilespmem:$0x1B760] =	vst v63  }
.Ltmp0:
0x137: {  	_ = 	snop;
	(pc) =	sbr.rel @p3 .LBB2_2-.Ltmp0, $4  }
0x138: {  	_ =	swait.ge [sflag:s4], $0x1F40  }
0x139: {  	s2 =	sadd.s32 $0x2A00, s2;
	[sflag:s4] =	ssyncset.done $0x0  }
0x13a: {  	[sflag:s4] =	ssyncadd.s32 $0xFFFFE0C0  }
0x13b: {  	[spmem:s14] =	stream.indirect.scatter.add.f32 [tilespmem:s30], [sflag:$0xA], $0x40, s2, s6, $0xb8;
	[tilespmem:$0x1B760] =	vst v63  }
0x13c: {  	s7 =	simm.s32 @!p2 $0x8  }
0x13d: {  	[spmem:s15] =	stream.indirect.scatter.add.f32 @!p0 [tilespmem:s5], [sflag:$0xB], $0x10, s2, s17, $0xb8;
	[tilespmem:$0x1B760] =	vst v63  }
0x13e: {  	p3 =	sne.s32 @!p2 s1, $0x0;
	_ =	swait.ge @!p2 [sflag:s7], $0x1F40  }
0x13f: {  	p3 =	por p3, p2;
	[sflag:s7] =	ssyncset.done @!p2 $0x0  }
0x140: {  	s5 =	simm.s32 @!p3 $0xB;
	[sflag:s7] =	ssyncadd.s32 @!p2 $0xFFFFE0C0  }
0x141: {  	_ =	swait.ge @!p3 [sflag:s5], $0x7D0  }
0x142: {  	s26 =	sshra.s32 s18, $0x2;
	[sflag:s5] =	ssyncset.done @!p3 $0x0  }
0x143: {  	s17 =	sadd.s32 $0x100, s26;
	[sflag:s5] =	ssyncadd.s32 @!p3 $0xFFFFF830  }
0x144: {  	[tilespmem:s28], [sflag:$0x3] =	stream.indirect.gather [hbm4b:s21+s6], $0x40, s17, s6, $0xb8;
	[tilespmem:$0x1B760] =	vst v63  }
0x145: {  	p2 =	seq.s32 @p0 s18, $0x0;
	_ =	swait.ge [sflag:s31], $0x1F40  }
0x146: {  	s16 =	simm.s32 $0x5000;
	p3 =	por p2, !p0;
	[sflag:s31] =	ssyncset.done $0x0  }
0x147: {  	s8 =	sadd.s32 $0x2800, s26;
	s9 =	simm.s32 @!p3 $0x9;
	[sflag:s31] =	ssyncadd.s32 $0xFFFFE0C0  }
0x148: {  	[spmem:s14] =	stream.indirect.scatter.add.f32 [tilespmem:s16], [sflag:$0x6], $0x40, s8, s6, $0xb8;
	[tilespmem:$0x1B760] =	vst v63  }
0x149: {  	p2 =	seq.s32 @!p0 s18, $0x0;
	_ =	swait.ge @!p3 [sflag:s9], $0x1F40  }
0x14a: {  	s7 =	simm.s32 @!p0 $0x7D;
	p2 =	por p2, p0;
	[sflag:s9] =	ssyncset.done @!p3 $0x0  }
0x14b: {  	s5 =	simm.s32 @!p0 $0xEC40;
	[sflag:s9] =	ssyncadd.s32 @!p3 $0xFFFFE0C0;
	s9 =	simm.s32 @!p2 $0x9  }
0x14c: {  	[spmem:s15] =	stream.indirect.scatter.add.f32 @!p0 [tilespmem:s5], [sflag:$0xB], $0x10, s8, s7, $0xb8;
	[tilespmem:$0x1B760] =	vst v63  }
0x14d: {  	_ =	swait.ge @!p2 [sflag:s9], $0x1F40  }
0x14e: {  	[sflag:s9] =	ssyncset.done @!p2 $0x0  }
0x14f: {  	s8 =	simm.s32 @!p2 $0xB;
	[sflag:s9] =	ssyncadd.s32 @!p2 $0xFFFFE0C0  }
0x150: {  	_ =	swait.ge @!p2 [sflag:s8], $0x7D0  }
0x151: {  	[sflag:s8] =	ssyncset.done @!p2 $0x0  }
0x152: {  	s19 =	sadd.s32 $0x180, s26;
	[sflag:s8] =	ssyncadd.s32 @!p2 $0xFFFFF830  }
0x153: {  	[tilespmem:s29], [sflag:$0x4] =	stream.indirect.gather [hbm4b:s21+s6], $0x40, s19, s6, $0xb8;
	[tilespmem:$0x1B760] =	vst v63  }
0x154: {  	_ =	swait.ge [sflag:s13], $0x1F40  }
0x155: {  	s10 =	simm.s32 @!p3 $0xA;
	[sflag:s13] =	ssyncset.done $0x0  }
0x156: {  	s17 =	simm.s32 $0x6F40;
	s9 =	sadd.s32 $0x2880, s26;
	[sflag:s13] =	ssyncadd.s32 $0xFFFFE0C0  }
0x157: {  	[spmem:s14] =	stream.indirect.scatter.add.f32 [tilespmem:s17], [sflag:$0x7], $0x40, s9, s6, $0xb8;
	[tilespmem:$0x1B760] =	vst v63  }
0x158: {  	_ =	swait.ge @!p3 [sflag:s10], $0x1F40  }
0x159: {  	[sflag:s10] =	ssyncset.done @!p3 $0x0  }
0x15a: {  	[sflag:s10] =	ssyncadd.s32 @!p3 $0xFFFFE0C0;
	s10 =	simm.s32 @!p2 $0xA  }
0x15b: {  	[spmem:s15] =	stream.indirect.scatter.add.f32 @!p0 [tilespmem:s5], [sflag:$0xB], $0x10, s9, s7, $0xb8;
	[tilespmem:$0x1B760] =	vst v63  }
0x15c: {  	_ =	swait.ge @!p2 [sflag:s10], $0x1F40  }
0x15d: {  	[sflag:s10] =	ssyncset.done @!p2 $0x0  }
0x15e: {  	[sflag:s10] =	ssyncadd.s32 @!p2 $0xFFFFE0C0  }
0x15f: {  	_ =	swait.ge @!p2 [sflag:s8], $0x7D0  }
0x160: {  	[sflag:s8] =	ssyncset.done @!p2 $0x0  }
0x161: {  	s20 =	sadd.s32 $0x200, s26;
	[sflag:s8] =	ssyncadd.s32 @!p2 $0xFFFFF830  }
0x162: {  	[tilespmem:s30], [sflag:$0x5] =	stream.indirect.gather [hbm4b:s21+s6], $0x40, s20, s6, $0xb8;
	[tilespmem:$0x1B760] =	vst v63  }
0x163: {  	_ =	swait.ge [sflag:s0], $0x1F40  }
0x164: {  	[sflag:s0] =	ssyncset.done $0x0  }
0x165: {  	s9 =	simm.s32 @p0 $0x6;
	s8 =	sadd.s32 $0x2900, s26;
	[sflag:s0] =	ssyncadd.s32 $0xFFFFE0C0  }
0x166: {  	[spmem:s14] =	stream.indirect.scatter.add.f32 [tilespmem:s28], [sflag:$0x8], $0x40, s8, s6, $0xb8;
	[tilespmem:$0x1B760] =	vst v63  }
0x167: {  	_ =	swait.ge @p0 [sflag:s9], $0x1F40  }
0x168: {  	[sflag:s9] =	ssyncset.done @p0 $0x0  }
0x169: {  	[sflag:s9] =	ssyncadd.s32 @p0 $0xFFFFE0C0;
	s9 =	simm.s32 @!p0 $0x6  }
0x16a: {  	[spmem:s15] =	stream.indirect.scatter.add.f32 @!p0 [tilespmem:s5], [sflag:$0xB], $0x10, s8, s7, $0xb8;
	[tilespmem:$0x1B760] =	vst v63  }
0x16b: {  	_ =	swait.ge @!p0 [sflag:s9], $0x1F40  }
0x16c: {  	[sflag:s9] =	ssyncset.done @!p0 $0x0  }
0x16d: {  	s8 =	simm.s32 @!p0 $0xB;
	[sflag:s9] =	ssyncadd.s32 @!p0 $0xFFFFE0C0  }
0x16e: {  	p2 =	seq.s32 s18, $0x9600;
	_ =	swait.ge @!p0 [sflag:s8], $0x7D0  }
0x16f: {  	s10 =	simm.s32 @!p2 $0x5000;
	s9 =	sshra.s32 @!p2 s18, $0x2;
	[sflag:s8] =	ssyncset.done @!p0 $0x0  }
0x170: {  	s12 =	simm.s32 @!p2 $0x7D;
	s11 =	sadd.s32 @!p2 $0x280, s9;
	[sflag:s8] =	ssyncadd.s32 @!p0 $0xFFFFF830  }
0x171: {  	[tilespmem:s10], [sflag:$0x1] =	stream.indirect.gather @!p2 [hbm4b:s21+s12], $0x40, s11, s12, $0xb8;
	[tilespmem:$0x1B760] =	vst v63  }
0x172: {  	_ =	swait.ge [sflag:s3], $0x1F40  }
0x173: {  	[sflag:s3] =	ssyncset.done $0x0  }
0x174: {  	s10 =	sadd.s32 $0x2980, s26;
	s11 =	simm.s32 @p0 $0x7;
	[sflag:s3] =	ssyncadd.s32 $0xFFFFE0C0  }
0x175: {  	[spmem:s14] =	stream.indirect.scatter.add.f32 [tilespmem:s29], [sflag:$0x9], $0x40, s10, s6, $0xb8;
	[tilespmem:$0x1B760] =	vst v63  }
0x176: {  	_ =	swait.ge @p0 [sflag:s11], $0x1F40  }
0x177: {  	[sflag:s11] =	ssyncset.done @p0 $0x0  }
0x178: {  	[sflag:s11] =	ssyncadd.s32 @p0 $0xFFFFE0C0;
	s11 =	simm.s32 @!p0 $0x7  }
0x179: {  	[spmem:s15] =	stream.indirect.scatter.add.f32 @!p0 [tilespmem:s5], [sflag:$0xB], $0x10, s10, s7, $0xb8;
	[tilespmem:$0x1B760] =	vst v63  }
0x17a: {  	_ =	swait.ge @!p0 [sflag:s11], $0x1F40  }
0x17b: {  	[sflag:s11] =	ssyncset.done @!p0 $0x0  }
0x17c: {  	[sflag:s11] =	ssyncadd.s32 @!p0 $0xFFFFE0C0  }
0x17d: {  	_ =	swait.ge @!p0 [sflag:s8], $0x7D0  }
0x17e: {  	[sflag:s8] =	ssyncset.done @!p0 $0x0  }
0x17f: {  	s9 =	sadd.s32 @!p2 $0x300, s9;
	s10 =	simm.s32 @!p2 $0x6F40;
	[sflag:s8] =	ssyncadd.s32 @!p0 $0xFFFFF830  }
0x180: {  	[tilespmem:s10], [sflag:$0x2] =	stream.indirect.gather @!p2 [hbm4b:s21+s12], $0x40, s9, s12, $0xb8;
	[tilespmem:$0x1B760] =	vst v63  }
0x181: {  	_ =	swait.ge [sflag:s4], $0x1F40  }
0x182: {  	[sflag:s4] =	ssyncset.done $0x0  }
0x183: {  	s2 =	sadd.s32 $0x2A00, s26;
	[sflag:s4] =	ssyncadd.s32 $0xFFFFE0C0  }
0x184: {  	[spmem:s14] =	stream.indirect.scatter.add.f32 [tilespmem:s30], [sflag:$0xA], $0x40, s2, s6, $0xb8;
	[tilespmem:$0x1B760] =	vst v63  }
0x185: {  	s23 =	simm.s32 $0x8  }
0x186: {  	[spmem:s15] =	stream.indirect.scatter.add.f32 @!p0 [tilespmem:s5], [sflag:$0xB], $0x10, s2, s7, $0xb8;
	[tilespmem:$0x1B760] =	vst v63  }
0x187: {  	_ =	swait.ge [sflag:s23], $0x1F40  }
0x188: {  	[sflag:s23] =	ssyncset.done $0x0  }
0x189: {  	s2 =	simm.s32 @p1 $0xB;
	[sflag:s23] =	ssyncadd.s32 $0xFFFFE0C0  }
0x18a: {  	_ =	swait.ge @p1 [sflag:s2], $0x7D0  }
0x18b: {  	[sflag:s2] =	ssyncset.done @p1 $0x0  }
0x18c: {  	s5 =	simm.s32 @p1 $0x9;
	[sflag:s2] =	ssyncadd.s32 @p1 $0xFFFFF830  }
0x18d: {  	_ =	swait.ge @p1 [sflag:s5], $0x1F40  }
0x18e: {  	[sflag:s5] =	ssyncset.done @p1 $0x0  }
0x18f: {  	[sflag:s5] =	ssyncadd.s32 @p1 $0xFFFFE0C0  }
0x190: {  	_ =	swait.ge @p1 [sflag:s2], $0x7D0  }
0x191: {  	[sflag:s2] =	ssyncset.done @p1 $0x0  }
0x192: {  	s5 =	simm.s32 @p1 $0xA;
	[sflag:s2] =	ssyncadd.s32 @p1 $0xFFFFF830  }
0x193: {  	_ =	swait.ge @p1 [sflag:s5], $0x1F40  }
0x194: {  	[sflag:s5] =	ssyncset.done @p1 $0x0  }
0x195: {  	[sflag:s5] =	ssyncadd.s32 @p1 $0xFFFFE0C0  }
0x196: {  	_ =	swait.ge @p1 [sflag:s2], $0x7D0  }
0x197: {  	[sflag:s2] =	ssyncset.done @p1 $0x0  }
0x198: {  	[sflag:s2] =	ssyncadd.s32 @p1 $0xFFFFF830;
	s2 =	simm.s32 @!p1 $0x9  }
0x199: {  	_ =	swait.ge @!p1 [sflag:s2], $0x1F40  }
0x19a: {  	[sflag:s2] =	ssyncset.done @!p1 $0x0  }
0x19b: {  	[sflag:s2] =	ssyncadd.s32 @!p1 $0xFFFFE0C0;
	s2 =	simm.s32 @!p1 $0xA  }
0x19c: {  	_ =	swait.ge @!p1 [sflag:s2], $0x1F40  }
0x19d: {  	[sflag:s2] =	ssyncset.done @!p1 $0x0  }
0x19e: {  	[sflag:s2] =	ssyncadd.s32 @!p1 $0xFFFFE0C0  }
0x19f: {  	[bflag:$0x0] =	sbarrier.arrive $0xFFFF  }
0x1a0: {  	s8 =	sld [smem:$0x7F2]  }
0x1a1: {  	s25 =	sld [smem:$0x7F1];
	_ =	sdelay $0x1  }
0x1a2: {  	s26 =	simm.s32 $0xC;
	s24 =	rddreg [dreg:$0x12]  }
0x1a3: {  	[hbm:s24], [sflag:s8] =	dma.local [spmem:s25], $0x1388  }
0x1a4: {  	_ =	swait.ge [sflag:s26], $0x1388  }
0x1a5: {  	s5 =	sld [smem:$0x7FB]  }
0x1a6: {  	[sflag:s26] =	ssyncset.done $0x0;
	s2 =	rddreg [dreg:$0x18]  }
0x1a7: {  	[sflag:s26] =	ssyncadd.s32 $0xFFFFEC78;
	s2 =	sshrl.u32 @!p0 s2, $0x3  }
0x1a8: {  	[hbm:s5], [sflag:s8] =	dma.local @!p0 [spmem:s2], $0x4E2  }
0x1a9: {  	s2 =	simm.s32 @!p0 $0xC  }
0x1aa: {  	_ =	swait.ge @!p0 [sflag:s2], $0x4E2  }
0x1ab: {  	[sflag:s2] =	ssyncset.done @!p0 $0x0  }
0x1ac: {  	s5 =	rddreg [dreg:$0x14];
	[sflag:s2] =	ssyncadd.s32 @!p0 $0xFFFFFB1E  }
0x1ad: {  	[spmem:s25], [sflag:s8] =	dma.local [hbm:s5], $0x1388  }
0x1ae: {  	_ =	swait.ge [sflag:s26], $0x1388  }
0x1af: {  	s11 =	sld [smem:$0x7F3]  }
0x1b0: {  	[sflag:s26] =	ssyncset.done $0x0  }
0x1b1: {  	s10 =	rddreg [dreg:$0x15];
	[sflag:s26] =	ssyncadd.s32 $0xFFFFEC78  }
0x1b2: {  	[spmem:s11], [sflag:s8] =	dma.local [hbm:s10], $0x4E2  }
0x1b3: {  	_ =	swait.ge [sflag:s26], $0x4E2  }
0x1b4: {  	[sflag:s26] =	ssyncset.done $0x0  }
0x1b5: {  	[sflag:s26] =	ssyncadd.s32 $0xFFFFFB1E  }
0x1b6: {  	[bflag:$0x0] =	sbarrier.arrive $0xFFFF  }
0x1b7: {  	s18 =	sld [smem:$0x7F8];
	_ =	sdelay $0x1  }
0x1b8: {  	s12 =	simm.s32 $0x0  }
0x1b9: {  	[tilespmem:s12], [sflag:$0xC] =	stream.linear.gather [hbm4b:s18+s12], $0x2800, $0x38;
	[tilespmem:$0x1B760] =	vst v63  }
0x1ba: {  	_ =	swait.ge [sflag:s26], $0x2800  }
0x1bb: {  	s19 =	sld [smem:$0x7FA]  }
0x1bc: {  	[sflag:s26] =	ssyncset.done $0x0  }
0x1bd: {  	s20 =	simm.s32 $0x2800;
	[sflag:s26] =	ssyncadd.s32 $0xFFFFD800  }
0x1be: {  	[tilespmem:s20], [sflag:$0xC] =	stream.linear.gather [hbm4b:s19+s12], $0x2800, $0x38;
	[tilespmem:$0x1B760] =	vst v63  }
0x1bf: {  	_ =	swait.ge [sflag:s26], $0x2800  }
0x1c0: {  	p5 =	por $0x1, $0x1;
	[sflag:s26] =	ssyncset.done $0x0  }
0x1c1: {  	p2 =	por p5, p5;
	[sflag:s26] =	ssyncadd.s32 $0xFFFFD800  }
0x1c2: {  	[tilespmem:s16], [sflag:$0x1] =	stream.indirect.gather [hbm4b:s22+s6], $0x40, s12, s6, $0xb8;
	[tilespmem:$0x1B760] =	vst v63  }
0x1c3: {  	s23 =	simm.s32 $0x80;
	s2 =	simm.s32 @!p2 $0x8  }
0x1c4: {  	[tilespmem:s17], [sflag:$0x2] =	stream.indirect.gather [hbm4b:s22+s6], $0x40, s23, s6, $0xb8;
	[tilespmem:$0x1B760] =	vst v63  }
0x1c5: {  	p3 =	seq.s32 @!p2 s1, $0x0;
	_ =	swait.ge @!p2 [sflag:s2], $0x1F40  }
0x1c6: {  	p3 =	por p3, p2;
	[sflag:s2] =	ssyncset.done @!p2 $0x0  }
0x1c7: {  	s5 =	simm.s32 @!p3 $0xB;
	[sflag:s2] =	ssyncadd.s32 @!p2 $0xFFFFE0C0  }
0x1c8: {  	_ =	swait.ge @!p3 [sflag:s5], $0x7D0  }
0x1c9: {  	[sflag:s5] =	ssyncset.done @!p3 $0x0  }
0x1ca: {  	s24 =	simm.s32 $0x100;
	[sflag:s5] =	ssyncadd.s32 @!p3 $0xFFFFF830  }
0x1cb: {  	[tilespmem:s28], [sflag:$0x3] =	stream.indirect.gather [hbm4b:s22+s6], $0x40, s24, s6, $0xb8;
	[tilespmem:$0x1B760] =	vst v63  }
0x1cc: {  	_ =	swait.ge [sflag:s31], $0x1F40  }
0x1cd: {  	[sflag:s31] =	ssyncset.done $0x0  }
0x1ce: {  	s2 =	simm.s32 $0x2800;
	p2 =	por @p0 $0x1, $0x1;
	[sflag:s31] =	ssyncadd.s32 $0xFFFFE0C0  }
0x1cf: {  	[spmem:s14] =	stream.indirect.scatter.add.f32 [tilespmem:s16], [sflag:$0x6], $0x40, s2, s6, $0xb8;
	[tilespmem:$0x1B760] =	vst v63  }
0x1d0: {  	s10 =	simm.s32 @p0 $0x7D;
	s11 =	simm.s32 @p0 $0xEC40;
	p2 =	por p2, !p0  }
0x1d1: {  	[spmem:s15] =	stream.indirect.scatter.add.f32 @p0 [tilespmem:s11], [sflag:$0xB], $0x10, s2, s10, $0xb8;
	[tilespmem:$0x1B760] =	vst v63  }
0x1d2: {  	s2 =	simm.s32 @!p2 $0x9  }
0x1d3: {  	_ =	swait.ge @!p2 [sflag:s2], $0x1F40  }
0x1d4: {  	[sflag:s2] =	ssyncset.done @!p2 $0x0  }
0x1d5: {  	s5 =	simm.s32 @!p2 $0xB;
	[sflag:s2] =	ssyncadd.s32 @!p2 $0xFFFFE0C0  }
0x1d6: {  	p3 =	por @!p0 $0x1, $0x1;
	_ =	swait.ge @!p2 [sflag:s5], $0x7D0  }
0x1d7: {  	p3 =	por p3, p0;
	[sflag:s5] =	ssyncset.done @!p2 $0x0  }
0x1d8: {  	s2 =	simm.s32 @!p3 $0x9;
	[sflag:s5] =	ssyncadd.s32 @!p2 $0xFFFFF830  }
0x1d9: {  	_ =	swait.ge @!p3 [sflag:s2], $0x1F40  }
0x1da: {  	[sflag:s2] =	ssyncset.done @!p3 $0x0  }
0x1db: {  	s25 =	simm.s32 $0x180;
	[sflag:s2] =	ssyncadd.s32 @!p3 $0xFFFFE0C0  }
0x1dc: {  	[tilespmem:s29], [sflag:$0x4] =	stream.indirect.gather [hbm4b:s22+s6], $0x40, s25, s6, $0xb8;
	[tilespmem:$0x1B760] =	vst v63  }
0x1dd: {  	_ =	swait.ge [sflag:s13], $0x1F40  }
0x1de: {  	[sflag:s13] =	ssyncset.done $0x0  }
0x1df: {  	s2 =	simm.s32 $0x2880;
	[sflag:s13] =	ssyncadd.s32 $0xFFFFE0C0  }
0x1e0: {  	[spmem:s14] =	stream.indirect.scatter.add.f32 [tilespmem:s17], [sflag:$0x7], $0x40, s2, s6, $0xb8;
	[tilespmem:$0x1B760] =	vst v63  }
0x1e1: {  	s7 =	simm.s32 @!p2 $0xA  }
0x1e2: {  	[spmem:s15] =	stream.indirect.scatter.add.f32 @p0 [tilespmem:s11], [sflag:$0xB], $0x10, s2, s10, $0xb8;
	[tilespmem:$0x1B760] =	vst v63  }
0x1e3: {  	_ =	swait.ge @!p2 [sflag:s7], $0x1F40  }
0x1e4: {  	[sflag:s7] =	ssyncset.done @!p2 $0x0  }
0x1e5: {  	[sflag:s7] =	ssyncadd.s32 @!p2 $0xFFFFE0C0  }
0x1e6: {  	_ =	swait.ge @!p2 [sflag:s5], $0x7D0  }
0x1e7: {  	[sflag:s5] =	ssyncset.done @!p2 $0x0  }
0x1e8: {  	s2 =	simm.s32 @!p3 $0xA;
	[sflag:s5] =	ssyncadd.s32 @!p2 $0xFFFFF830  }
0x1e9: {  	_ =	swait.ge @!p3 [sflag:s2], $0x1F40  }
0x1ea: {  	[sflag:s2] =	ssyncset.done @!p3 $0x0  }
0x1eb: {  	s26 =	simm.s32 $0x200;
	[sflag:s2] =	ssyncadd.s32 @!p3 $0xFFFFE0C0  }
0x1ec: {  	[tilespmem:s30], [sflag:$0x5] =	stream.indirect.gather [hbm4b:s22+s6], $0x40, s26, s6, $0xb8;
	[tilespmem:$0x1B760] =	vst v63  }
0x1ed: {  	_ =	swait.ge [sflag:s0], $0x1F40  }
0x1ee: {  	[sflag:s0] =	ssyncset.done $0x0  }
0x1ef: {  	s17 =	simm.s32 @p1 $0x6;
	s2 =	simm.s32 $0x2900;
	[sflag:s0] =	ssyncadd.s32 $0xFFFFE0C0  }
0x1f0: {  	[spmem:s14] =	stream.indirect.scatter.add.f32 [tilespmem:s28], [sflag:$0x8], $0x40, s2, s6, $0xb8;
	[tilespmem:$0x1B760] =	vst v63  }
0x1f1: {  	_ =	swait.ge @p1 [sflag:s17], $0x1F40  }
0x1f2: {  	s18 =	simm.s32 @!p1 $0x7D;
	[sflag:s17] =	ssyncset.done @p1 $0x0  }
0x1f3: {  	s19 =	simm.s32 @!p1 $0xEC40;
	s23 =	simm.s32 @!p1 $0x6;
	[sflag:s17] =	ssyncadd.s32 @p1 $0xFFFFE0C0  }
0x1f4: {  	[spmem:s15] =	stream.indirect.scatter.add.f32 @!p1 [tilespmem:s19], [sflag:$0xB], $0x10, s2, s18, $0xb8;
	[tilespmem:$0x1B760] =	vst v63  }
0x1f5: {  	_ =	swait.ge @!p1 [sflag:s23], $0x1F40  }
0x1f6: {  	[sflag:s23] =	ssyncset.done @!p1 $0x0  }
0x1f7: {  	s24 =	simm.s32 @!p1 $0xB;
	[sflag:s23] =	ssyncadd.s32 @!p1 $0xFFFFE0C0  }
0x1f8: {  	p2 =	por $0x0, $0x0;
	_ =	swait.ge @!p1 [sflag:s24], $0x7D0  }
0x1f9: {  	s5 =	simm.s32 @!p2 $0x280;
	[sflag:s24] =	ssyncset.done @!p1 $0x0  }
0x1fa: {  	s8 =	simm.s32 @!p2 $0x7D;
	s2 =	simm.s32 @!p2 $0x5000;
	[sflag:s24] =	ssyncadd.s32 @!p1 $0xFFFFF830  }
0x1fb: {  	[tilespmem:s2], [sflag:$0x1] =	stream.indirect.gather @!p2 [hbm4b:s22+s8], $0x40, s5, s8, $0xb8;
	[tilespmem:$0x1B760] =	vst v63  }
0x1fc: {  	_ =	swait.ge [sflag:s3], $0x1F40  }
0x1fd: {  	[sflag:s3] =	ssyncset.done $0x0  }
0x1fe: {  	s7 =	simm.s32 @p1 $0x7;
	s2 =	simm.s32 $0x2980;
	[sflag:s3] =	ssyncadd.s32 $0xFFFFE0C0  }
0x1ff: {  	[spmem:s14] =	stream.indirect.scatter.add.f32 [tilespmem:s29], [sflag:$0x9], $0x40, s2, s6, $0xb8;
	[tilespmem:$0x1B760] =	vst v63  }
0x200: {  	_ =	swait.ge @p1 [sflag:s7], $0x1F40  }
0x201: {  	[sflag:s7] =	ssyncset.done @p1 $0x0  }
0x202: {  	s16 =	simm.s32 @!p1 $0x7;
	[sflag:s7] =	ssyncadd.s32 @p1 $0xFFFFE0C0  }
0x203: {  	[spmem:s15] =	stream.indirect.scatter.add.f32 @!p1 [tilespmem:s19], [sflag:$0xB], $0x10, s2, s18, $0xb8;
	[tilespmem:$0x1B760] =	vst v63  }
0x204: {  	_ =	swait.ge @!p1 [sflag:s16], $0x1F40  }
0x205: {  	[sflag:s16] =	ssyncset.done @!p1 $0x0  }
0x206: {  	[sflag:s16] =	ssyncadd.s32 @!p1 $0xFFFFE0C0  }
0x207: {  	_ =	swait.ge @!p1 [sflag:s24], $0x7D0  }
0x208: {  	[sflag:s24] =	ssyncset.done @!p1 $0x0  }
0x209: {  	s5 =	simm.s32 @!p2 $0x6F40;
	s2 =	simm.s32 @!p2 $0x300;
	[sflag:s24] =	ssyncadd.s32 @!p1 $0xFFFFF830  }
0x20a: {  	[tilespmem:s5], [sflag:$0x2] =	stream.indirect.gather @!p2 [hbm4b:s22+s8], $0x40, s2, s8, $0xb8;
	[tilespmem:$0x1B760] =	vst v63  }
0x20b: {  	p6 =	por $0x0, $0x0;
	_ =	swait.ge [sflag:s4], $0x1F40  }
0x20c: {  	s20 =	simm.s32 $0x1400;
	s2 =	simm.s32 $0x2A00;
	[sflag:s4] =	ssyncset.done $0x0  }
0x20d: {  	s5 =	simm.s32 $0xA00;
	p2 =	por p6, p6;
	[sflag:s4] =	ssyncadd.s32 $0xFFFFE0C0  }
0x20e: {  	[spmem:s14] =	stream.indirect.scatter.add.f32 [tilespmem:s30], [sflag:$0xA], $0x40, s2, s6, $0xb8;
	[tilespmem:$0x1B760] =	vst v63  }
.LBB2_4:
0x20f: {  	p4 =	seq.s32 s20, $0x0  }
0x210: {  	p3 =	seq.s32 @!p2 s1, $0x0;
	s9 =	simm.s32 @!p2 $0x8;
	s8 =	smov.u32 s20  }
0x211: {  	[spmem:s15] =	stream.indirect.scatter.add.f32 @!p1 [tilespmem:s19], [sflag:$0xB], $0x10, s2, s18, $0xb8;
	[tilespmem:$0x1B760] =	vst v63  }
0x212: {  	s20 =	sadd.s32 $0xA00, s20;
	p5 =	por p3, p2;
	_ =	swait.ge @!p2 [sflag:s9], $0x1F40  }
0x213: {  	p3 =	sne.s32 s20, $0xA000;
	s12 =	simm.s32 @!p5 $0xB;
	[sflag:s9] =	ssyncset.done @!p2 $0x0  }
0x214: {  	[sflag:s9] =	ssyncadd.s32 @!p2 $0xFFFFE0C0;
	p2 =	por p4, p4  }
0x215: {  	_ =	swait.ge @!p5 [sflag:s12], $0x7D0  }
0x216: {  	s2 =	sshra.s32 s5, $0x2;
	[sflag:s12] =	ssyncset.done @!p5 $0x0  }
0x217: {  	s9 =	sadd.s32 $0x100, s2;
	[sflag:s12] =	ssyncadd.s32 @!p5 $0xFFFFF830  }
0x218: {  	[tilespmem:s28], [sflag:$0x3] =	stream.indirect.gather [hbm4b:s22+s6], $0x40, s9, s6, $0xb8;
	[tilespmem:$0x1B760] =	vst v63  }
0x219: {  	_ =	swait.ge [sflag:s31], $0x1F40  }
0x21a: {  	p4 =	seq.s32 @p0 s5, $0x0;
	[sflag:s31] =	ssyncset.done $0x0  }
0x21b: {  	s12 =	simm.s32 $0x5000;
	s9 =	sadd.s32 $0x2800, s2;
	[sflag:s31] =	ssyncadd.s32 $0xFFFFE0C0  }
0x21c: {  	[spmem:s14] =	stream.indirect.scatter.add.f32 [tilespmem:s12], [sflag:$0x6], $0x40, s9, s6, $0xb8;
	[tilespmem:$0x1B760] =	vst v63  }
0x21d: {  	p4 =	por p4, !p0  }
0x21e: {  	[spmem:s15] =	stream.indirect.scatter.add.f32 @p0 [tilespmem:s11], [sflag:$0xB], $0x10, s9, s10, $0xb8;
	[tilespmem:$0x1B760] =	vst v63  }
0x21f: {  	s9 =	simm.s32 @!p4 $0x9  }
0x220: {  	_ =	swait.ge @!p4 [sflag:s9], $0x1F40  }
0x221: {  	s12 =	simm.s32 @!p4 $0xB;
	[sflag:s9] =	ssyncset.done @!p4 $0x0  }
0x222: {  	p5 =	seq.s32 @!p0 s5, $0x0;
	[sflag:s9] =	ssyncadd.s32 @!p4 $0xFFFFE0C0  }
0x223: {  	p5 =	por p5, p0;
	_ =	swait.ge @!p4 [sflag:s12], $0x7D0  }
0x224: {  	s9 =	simm.s32 @!p5 $0x9;
	[sflag:s12] =	ssyncset.done @!p4 $0x0  }
0x225: {  	[sflag:s12] =	ssyncadd.s32 @!p4 $0xFFFFF830  }
0x226: {  	_ =	swait.ge @!p5 [sflag:s9], $0x1F40  }
0x227: {  	s25 =	sadd.s32 $0x180, s2;
	[sflag:s9] =	ssyncset.done @!p5 $0x0  }
0x228: {  	[sflag:s9] =	ssyncadd.s32 @!p5 $0xFFFFE0C0  }
0x229: {  	[tilespmem:s29], [sflag:$0x4] =	stream.indirect.gather [hbm4b:s22+s6], $0x40, s25, s6, $0xb8;
	[tilespmem:$0x1B760] =	vst v63  }
0x22a: {  	_ =	swait.ge [sflag:s13], $0x1F40  }
0x22b: {  	s9 =	sadd.s32 $0x2880, s2;
	[sflag:s13] =	ssyncset.done $0x0  }
0x22c: {  	s25 =	simm.s32 $0x6F40;
	[sflag:s13] =	ssyncadd.s32 $0xFFFFE0C0  }
0x22d: {  	[spmem:s14] =	stream.indirect.scatter.add.f32 [tilespmem:s25], [sflag:$0x7], $0x40, s9, s6, $0xb8;
	[tilespmem:$0x1B760] =	vst v63  }
0x22e: {  	s25 =	simm.s32 @!p4 $0xA  }
0x22f: {  	[spmem:s15] =	stream.indirect.scatter.add.f32 @p0 [tilespmem:s11], [sflag:$0xB], $0x10, s9, s10, $0xb8;
	[tilespmem:$0x1B760] =	vst v63  }
0x230: {  	_ =	swait.ge @!p4 [sflag:s25], $0x1F40  }
0x231: {  	[sflag:s25] =	ssyncset.done @!p4 $0x0  }
0x232: {  	[sflag:s25] =	ssyncadd.s32 @!p4 $0xFFFFE0C0  }
0x233: {  	_ =	swait.ge @!p4 [sflag:s12], $0x7D0  }
0x234: {  	s9 =	simm.s32 @!p5 $0xA;
	[sflag:s12] =	ssyncset.done @!p4 $0x0  }
0x235: {  	[sflag:s12] =	ssyncadd.s32 @!p4 $0xFFFFF830  }
0x236: {  	_ =	swait.ge @!p5 [sflag:s9], $0x1F40  }
0x237: {  	s12 =	sadd.s32 $0x200, s2;
	[sflag:s9] =	ssyncset.done @!p5 $0x0  }
0x238: {  	[sflag:s9] =	ssyncadd.s32 @!p5 $0xFFFFE0C0  }
0x239: {  	[tilespmem:s30], [sflag:$0x5] =	stream.indirect.gather [hbm4b:s22+s6], $0x40, s12, s6, $0xb8;
	[tilespmem:$0x1B760] =	vst v63  }
0x23a: {  	_ =	swait.ge [sflag:s0], $0x1F40  }
0x23b: {  	s9 =	sadd.s32 $0x2900, s2;
	[sflag:s0] =	ssyncset.done $0x0  }
0x23c: {  	[sflag:s0] =	ssyncadd.s32 $0xFFFFE0C0  }
0x23d: {  	[spmem:s14] =	stream.indirect.scatter.add.f32 [tilespmem:s28], [sflag:$0x8], $0x40, s9, s6, $0xb8;
	[tilespmem:$0x1B760] =	vst v63  }
0x23e: {  	_ =	swait.ge @p1 [sflag:s17], $0x1F40  }
0x23f: {  	[sflag:s17] =	ssyncset.done @p1 $0x0  }
0x240: {  	[sflag:s17] =	ssyncadd.s32 @p1 $0xFFFFE0C0  }
0x241: {  	[spmem:s15] =	stream.indirect.scatter.add.f32 @!p1 [tilespmem:s19], [sflag:$0xB], $0x10, s9, s18, $0xb8;
	[tilespmem:$0x1B760] =	vst v63  }
0x242: {  	_ =	swait.ge @!p1 [sflag:s23], $0x1F40  }
0x243: {  	[sflag:s23] =	ssyncset.done @!p1 $0x0  }
0x244: {  	p4 =	seq.s32 s5, $0x9600;
	[sflag:s23] =	ssyncadd.s32 @!p1 $0xFFFFE0C0  }
0x245: {  	s5 =	sshra.s32 @!p4 s5, $0x2;
	s9 =	simm.s32 @!p4 $0x5000;
	_ =	swait.ge @!p1 [sflag:s24], $0x7D0  }
0x246: {  	s25 =	simm.s32 @!p4 $0x7D;
	s12 =	sadd.s32 @!p4 $0x280, s5;
	[sflag:s24] =	ssyncset.done @!p1 $0x0  }
0x247: {  	s26 =	sadd.s32 @!p4 $0x300, s5;
	s5 =	smov.u32 s8;
	[sflag:s24] =	ssyncadd.s32 @!p1 $0xFFFFF830  }
0x248: {  	[tilespmem:s9], [sflag:$0x1] =	stream.indirect.gather @!p4 [hbm4b:s22+s25], $0x40, s12, s25, $0xb8;
	[tilespmem:$0x1B760] =	vst v63  }
0x249: {  	_ =	swait.ge [sflag:s3], $0x1F40  }
0x24a: {  	s8 =	sadd.s32 $0x2980, s2;
	[sflag:s3] =	ssyncset.done $0x0  }
0x24b: {  	[sflag:s3] =	ssyncadd.s32 $0xFFFFE0C0  }
0x24c: {  	[spmem:s14] =	stream.indirect.scatter.add.f32 [tilespmem:s29], [sflag:$0x9], $0x40, s8, s6, $0xb8;
	[tilespmem:$0x1B760] =	vst v63  }
0x24d: {  	_ =	swait.ge @p1 [sflag:s7], $0x1F40  }
0x24e: {  	[sflag:s7] =	ssyncset.done @p1 $0x0  }
0x24f: {  	[sflag:s7] =	ssyncadd.s32 @p1 $0xFFFFE0C0  }
0x250: {  	[spmem:s15] =	stream.indirect.scatter.add.f32 @!p1 [tilespmem:s19], [sflag:$0xB], $0x10, s8, s18, $0xb8;
	[tilespmem:$0x1B760] =	vst v63  }
0x251: {  	_ =	swait.ge @!p1 [sflag:s16], $0x1F40  }
0x252: {  	[sflag:s16] =	ssyncset.done @!p1 $0x0  }
0x253: {  	[sflag:s16] =	ssyncadd.s32 @!p1 $0xFFFFE0C0  }
0x254: {  	_ =	swait.ge @!p1 [sflag:s24], $0x7D0  }
0x255: {  	s8 =	simm.s32 @!p4 $0x6F40;
	[sflag:s24] =	ssyncset.done @!p1 $0x0  }
0x256: {  	[sflag:s24] =	ssyncadd.s32 @!p1 $0xFFFFF830  }
0x257: {  	[tilespmem:s8], [sflag:$0x2] =	stream.indirect.gather @!p4 [hbm4b:s22+s25], $0x40, s26, s25, $0xb8;
	[tilespmem:$0x1B760] =	vst v63  }
.Ltmp1:
0x258: {  	_ = 	snop;
	(pc) =	sbr.rel @p3 .LBB2_4-.Ltmp1, $4  }
0x259: {  	_ =	swait.ge [sflag:s4], $0x1F40  }
0x25a: {  	s2 =	sadd.s32 $0x2A00, s2;
	[sflag:s4] =	ssyncset.done $0x0  }
0x25b: {  	[sflag:s4] =	ssyncadd.s32 $0xFFFFE0C0  }
0x25c: {  	[spmem:s14] =	stream.indirect.scatter.add.f32 [tilespmem:s30], [sflag:$0xA], $0x40, s2, s6, $0xb8;
	[tilespmem:$0x1B760] =	vst v63  }
0x25d: {  	s7 =	simm.s32 @!p2 $0x8  }
0x25e: {  	[spmem:s15] =	stream.indirect.scatter.add.f32 @!p1 [tilespmem:s19], [sflag:$0xB], $0x10, s2, s18, $0xb8;
	[tilespmem:$0x1B760] =	vst v63  }
0x25f: {  	p3 =	seq.s32 @!p2 s1, $0x0;
	_ =	swait.ge @!p2 [sflag:s7], $0x1F40  }
0x260: {  	p3 =	por p3, p2;
	[sflag:s7] =	ssyncset.done @!p2 $0x0  }
0x261: {  	s8 =	simm.s32 @!p3 $0xB;
	[sflag:s7] =	ssyncadd.s32 @!p2 $0xFFFFE0C0  }
0x262: {  	_ =	swait.ge @!p3 [sflag:s8], $0x7D0  }
0x263: {  	s17 =	sshra.s32 s5, $0x2;
	[sflag:s8] =	ssyncset.done @!p3 $0x0  }
0x264: {  	s18 =	sadd.s32 $0x100, s17;
	[sflag:s8] =	ssyncadd.s32 @!p3 $0xFFFFF830  }
0x265: {  	[tilespmem:s28], [sflag:$0x3] =	stream.indirect.gather [hbm4b:s22+s6], $0x40, s18, s6, $0xb8;
	[tilespmem:$0x1B760] =	vst v63  }
0x266: {  	_ =	swait.ge [sflag:s31], $0x1F40  }
0x267: {  	s19 =	simm.s32 $0x5000;
	[sflag:s31] =	ssyncset.done $0x0  }
0x268: {  	s7 =	sadd.s32 $0x2800, s17;
	p2 =	seq.s32 @p0 s5, $0x0;
	[sflag:s31] =	ssyncadd.s32 $0xFFFFE0C0  }
0x269: {  	[spmem:s14] =	stream.indirect.scatter.add.f32 [tilespmem:s19], [sflag:$0x6], $0x40, s7, s6, $0xb8;
	[tilespmem:$0x1B760] =	vst v63  }
0x26a: {  	s9 =	simm.s32 @p0 $0xEC40;
	p2 =	por p2, !p0;
	s8 =	simm.s32 @p0 $0x7D  }
0x26b: {  	[spmem:s15] =	stream.indirect.scatter.add.f32 @p0 [tilespmem:s9], [sflag:$0xB], $0x10, s7, s8, $0xb8;
	[tilespmem:$0x1B760] =	vst v63  }
0x26c: {  	s7 =	simm.s32 @!p2 $0x9  }
0x26d: {  	_ =	swait.ge @!p2 [sflag:s7], $0x1F40  }
0x26e: {  	[sflag:s7] =	ssyncset.done @!p2 $0x0  }
0x26f: {  	s10 =	simm.s32 @!p2 $0xB;
	[sflag:s7] =	ssyncadd.s32 @!p2 $0xFFFFE0C0  }
0x270: {  	p3 =	seq.s32 @!p0 s5, $0x0;
	_ =	swait.ge @!p2 [sflag:s10], $0x7D0  }
0x271: {  	p3 =	por p3, p0;
	[sflag:s10] =	ssyncset.done @!p2 $0x0  }
0x272: {  	s7 =	simm.s32 @!p3 $0x9;
	[sflag:s10] =	ssyncadd.s32 @!p2 $0xFFFFF830  }
0x273: {  	_ =	swait.ge @!p3 [sflag:s7], $0x1F40  }
0x274: {  	[sflag:s7] =	ssyncset.done @!p3 $0x0  }
0x275: {  	s11 =	sadd.s32 $0x180, s17;
	[sflag:s7] =	ssyncadd.s32 @!p3 $0xFFFFE0C0  }
0x276: {  	[tilespmem:s29], [sflag:$0x4] =	stream.indirect.gather [hbm4b:s22+s6], $0x40, s11, s6, $0xb8;
	[tilespmem:$0x1B760] =	vst v63  }
0x277: {  	_ =	swait.ge [sflag:s13], $0x1F40  }
0x278: {  	[sflag:s13] =	ssyncset.done $0x0  }
0x279: {  	s20 =	simm.s32 $0x6F40;
	s7 =	sadd.s32 $0x2880, s17;
	[sflag:s13] =	ssyncadd.s32 $0xFFFFE0C0  }
0x27a: {  	[spmem:s14] =	stream.indirect.scatter.add.f32 [tilespmem:s20], [sflag:$0x7], $0x40, s7, s6, $0xb8;
	[tilespmem:$0x1B760] =	vst v63  }
0x27b: {  	s11 =	simm.s32 @!p2 $0xA  }
0x27c: {  	[spmem:s15] =	stream.indirect.scatter.add.f32 @p0 [tilespmem:s9], [sflag:$0xB], $0x10, s7, s8, $0xb8;
	[tilespmem:$0x1B760] =	vst v63  }
0x27d: {  	_ =	swait.ge @!p2 [sflag:s11], $0x1F40  }
0x27e: {  	[sflag:s11] =	ssyncset.done @!p2 $0x0  }
0x27f: {  	[sflag:s11] =	ssyncadd.s32 @!p2 $0xFFFFE0C0  }
0x280: {  	_ =	swait.ge @!p2 [sflag:s10], $0x7D0  }
0x281: {  	[sflag:s10] =	ssyncset.done @!p2 $0x0  }
0x282: {  	s7 =	simm.s32 @!p3 $0xA;
	[sflag:s10] =	ssyncadd.s32 @!p2 $0xFFFFF830  }
0x283: {  	_ =	swait.ge @!p3 [sflag:s7], $0x1F40  }
0x284: {  	[sflag:s7] =	ssyncset.done @!p3 $0x0  }
0x285: {  	s23 =	sadd.s32 $0x200, s17;
	[sflag:s7] =	ssyncadd.s32 @!p3 $0xFFFFE0C0  }
0x286: {  	[tilespmem:s30], [sflag:$0x5] =	stream.indirect.gather [hbm4b:s22+s6], $0x40, s23, s6, $0xb8;
	[tilespmem:$0x1B760] =	vst v63  }
0x287: {  	_ =	swait.ge [sflag:s0], $0x1F40  }
0x288: {  	[sflag:s0] =	ssyncset.done $0x0  }
0x289: {  	s8 =	simm.s32 @p1 $0x6;
	s7 =	sadd.s32 $0x2900, s17;
	[sflag:s0] =	ssyncadd.s32 $0xFFFFE0C0  }
0x28a: {  	[spmem:s14] =	stream.indirect.scatter.add.f32 [tilespmem:s28], [sflag:$0x8], $0x40, s7, s6, $0xb8;
	[tilespmem:$0x1B760] =	vst v63  }
0x28b: {  	_ =	swait.ge @p1 [sflag:s8], $0x1F40  }
0x28c: {  	s9 =	simm.s32 @!p1 $0x7D;
	[sflag:s8] =	ssyncset.done @p1 $0x0  }
0x28d: {  	s10 =	simm.s32 @!p1 $0xEC40;
	[sflag:s8] =	ssyncadd.s32 @p1 $0xFFFFE0C0;
	s8 =	simm.s32 @!p1 $0x6  }
0x28e: {  	[spmem:s15] =	stream.indirect.scatter.add.f32 @!p1 [tilespmem:s10], [sflag:$0xB], $0x10, s7, s9, $0xb8;
	[tilespmem:$0x1B760] =	vst v63  }
0x28f: {  	_ =	swait.ge @!p1 [sflag:s8], $0x1F40  }
0x290: {  	[sflag:s8] =	ssyncset.done @!p1 $0x0  }
0x291: {  	s7 =	simm.s32 @!p1 $0xB;
	[sflag:s8] =	ssyncadd.s32 @!p1 $0xFFFFE0C0  }
0x292: {  	p2 =	seq.s32 s5, $0x9600;
	_ =	swait.ge @!p1 [sflag:s7], $0x7D0  }
0x293: {  	s5 =	sshra.s32 @!p2 s5, $0x2;
	s12 =	simm.s32 @!p2 $0x7D;
	[sflag:s7] =	ssyncset.done @!p1 $0x0  }
0x294: {  	s11 =	sadd.s32 @!p2 $0x280, s5;
	s8 =	simm.s32 @!p2 $0x5000;
	[sflag:s7] =	ssyncadd.s32 @!p1 $0xFFFFF830  }
0x295: {  	[tilespmem:s8], [sflag:$0x1] =	stream.indirect.gather @!p2 [hbm4b:s22+s12], $0x40, s11, s12, $0xb8;
	[tilespmem:$0x1B760] =	vst v63  }
0x296: {  	_ =	swait.ge [sflag:s3], $0x1F40  }
0x297: {  	[sflag:s3] =	ssyncset.done $0x0  }
0x298: {  	s8 =	sadd.s32 $0x2980, s17;
	s11 =	simm.s32 @p1 $0x7;
	[sflag:s3] =	ssyncadd.s32 $0xFFFFE0C0  }
0x299: {  	[spmem:s14] =	stream.indirect.scatter.add.f32 [tilespmem:s29], [sflag:$0x9], $0x40, s8, s6, $0xb8;
	[tilespmem:$0x1B760] =	vst v63  }
0x29a: {  	_ =	swait.ge @p1 [sflag:s11], $0x1F40  }
0x29b: {  	[sflag:s11] =	ssyncset.done @p1 $0x0  }
0x29c: {  	[sflag:s11] =	ssyncadd.s32 @p1 $0xFFFFE0C0  }
0x29d: {  	[spmem:s15] =	stream.indirect.scatter.add.f32 @!p1 [tilespmem:s10], [sflag:$0xB], $0x10, s8, s9, $0xb8;
	[tilespmem:$0x1B760] =	vst v63  }
0x29e: {  	s8 =	simm.s32 @!p1 $0x7  }
0x29f: {  	_ =	swait.ge @!p1 [sflag:s8], $0x1F40  }
0x2a0: {  	[sflag:s8] =	ssyncset.done @!p1 $0x0  }
0x2a1: {  	[sflag:s8] =	ssyncadd.s32 @!p1 $0xFFFFE0C0  }
0x2a2: {  	_ =	swait.ge @!p1 [sflag:s7], $0x7D0  }
0x2a3: {  	[sflag:s7] =	ssyncset.done @!p1 $0x0  }
0x2a4: {  	s5 =	sadd.s32 @!p2 $0x300, s5;
	s8 =	simm.s32 @!p2 $0x6F40;
	[sflag:s7] =	ssyncadd.s32 @!p1 $0xFFFFF830  }
0x2a5: {  	[tilespmem:s8], [sflag:$0x2] =	stream.indirect.gather @!p2 [hbm4b:s22+s12], $0x40, s5, s12, $0xb8;
	[tilespmem:$0x1B760] =	vst v63  }
0x2a6: {  	_ =	swait.ge [sflag:s4], $0x1F40  }
0x2a7: {  	[sflag:s4] =	ssyncset.done $0x0  }
0x2a8: {  	s2 =	sadd.s32 $0x2A00, s17;
	[sflag:s4] =	ssyncadd.s32 $0xFFFFE0C0  }
0x2a9: {  	[spmem:s14] =	stream.indirect.scatter.add.f32 [tilespmem:s30], [sflag:$0xA], $0x40, s2, s6, $0xb8;
	[tilespmem:$0x1B760] =	vst v63  }
0x2aa: {  	s24 =	simm.s32 $0x8  }
0x2ab: {  	[spmem:s15] =	stream.indirect.scatter.add.f32 @!p1 [tilespmem:s10], [sflag:$0xB], $0x10, s2, s9, $0xb8;
	[tilespmem:$0x1B760] =	vst v63  }
0x2ac: {  	_ =	swait.ge [sflag:s24], $0x1F40  }
0x2ad: {  	[sflag:s24] =	ssyncset.done $0x0  }
0x2ae: {  	s2 =	simm.s32 @p1 $0x9;
	[sflag:s24] =	ssyncadd.s32 $0xFFFFE0C0  }
0x2af: {  	_ =	swait.ge @p1 [sflag:s2], $0x1F40  }
0x2b0: {  	[sflag:s2] =	ssyncset.done @p1 $0x0  }
0x2b1: {  	[sflag:s2] =	ssyncadd.s32 @p1 $0xFFFFE0C0;
	s2 =	simm.s32 @p1 $0xA  }
0x2b2: {  	_ =	swait.ge @p1 [sflag:s2], $0x1F40  }
0x2b3: {  	[sflag:s2] =	ssyncset.done @p1 $0x0  }
0x2b4: {  	[sflag:s2] =	ssyncadd.s32 @p1 $0xFFFFE0C0  }
0x2b5: {  	[bflag:$0x0] =	sbarrier.arrive @p1 $0xFFFF  }
0x2b6: {  	s9 =	sld [smem:$0x7F2]  }
0x2b7: {  	s10 =	rddreg [dreg:$0x17]  }
0x2b8: {  	s5 =	rddreg [dreg:$0x13];
	s2 =	sshrl.u32 @p1 s10, $0x3  }
0x2b9: {  	[hbm:s5], [sflag:s9] =	dma.local @p1 [spmem:s2], $0x1388  }
0x2ba: {  	s2 =	simm.s32 @p1 $0xC  }
0x2bb: {  	_ =	swait.ge @p1 [sflag:s2], $0x1388  }
0x2bc: {  	[sflag:s2] =	ssyncset.done @p1 $0x0  }
0x2bd: {  	[sflag:s2] =	ssyncadd.s32 @p1 $0xFFFFEC78  }
0x2be: {  	_ =	swait.ge @!p1 [sflag:s7], $0x7D0  }
0x2bf: {  	[sflag:s7] =	ssyncset.done @!p1 $0x0  }
0x2c0: {  	s2 =	simm.s32 @!p1 $0x9;
	[sflag:s7] =	ssyncadd.s32 @!p1 $0xFFFFF830  }
0x2c1: {  	_ =	swait.ge @!p1 [sflag:s2], $0x1F40  }
0x2c2: {  	[sflag:s2] =	ssyncset.done @!p1 $0x0  }
0x2c3: {  	[sflag:s2] =	ssyncadd.s32 @!p1 $0xFFFFE0C0  }
0x2c4: {  	_ =	swait.ge @!p1 [sflag:s7], $0x7D0  }
0x2c5: {  	[sflag:s7] =	ssyncset.done @!p1 $0x0  }
0x2c6: {  	s2 =	simm.s32 @!p1 $0xA;
	[sflag:s7] =	ssyncadd.s32 @!p1 $0xFFFFF830  }
0x2c7: {  	_ =	swait.ge @!p1 [sflag:s2], $0x1F40  }
0x2c8: {  	[sflag:s2] =	ssyncset.done @!p1 $0x0  }
0x2c9: {  	[sflag:s2] =	ssyncadd.s32 @!p1 $0xFFFFE0C0  }
0x2ca: {  	_ =	swait.ge @!p1 [sflag:s7], $0x7D0  }
0x2cb: {  	[sflag:s7] =	ssyncset.done @!p1 $0x0  }
0x2cc: {  	[sflag:s7] =	ssyncadd.s32 @!p1 $0xFFFFF830  }
0x2cd: {  	s2 =	sshrl.u32 @!p1 s10, $0x3;
	[bflag:$0x0] =	sbarrier.arrive @!p1 $0xFFFF  }
0x2ce: {  	[hbm:s5], [sflag:s9] =	dma.local @!p1 [spmem:s2], $0x1388  }
0x2cf: {  	s2 =	simm.s32 @!p1 $0xC  }
0x2d0: {  	_ =	swait.ge @!p1 [sflag:s2], $0x1388  }
0x2d1: {  	s7 =	sld [smem:$0x7FC]  }
0x2d2: {  	[sflag:s2] =	ssyncset.done @!p1 $0x0;
	s8 =	rddreg [dreg:$0x18]  }
0x2d3: {  	[sflag:s2] =	ssyncadd.s32 @!p1 $0xFFFFEC78;
	s5 =	sshrl.u32 @!p1 s8, $0x3  }
0x2d4: {  	[hbm:s7], [sflag:s9] =	dma.local @!p1 [spmem:s5], $0x4E2  }
0x2d5: {  	_ =	swait.ge @!p1 [sflag:s2], $0x4E2  }
0x2d6: {  	s25 =	sld [smem:$0x7F0]  }
0x2d7: {  	s26 =	sld [smem:$0x7FD];
	_ =	sdelay $0x1  }
0x2d8: {  	s7 =	sadd.s32 $0x1, s25  }
0x2d9: {  	p2 =	sne.s32 s7, s26  }
.Ltmp2:
0x2da: {  	_ = 	snop;
	(pc) =	sbr.rel @p2 .LBB2_1-.Ltmp2, $3  }
0x2db: {  	_ =	sdelay $0x1  }
0x2dc: {  	[sflag:s2] =	ssyncset.done @!p1 $0x0;
	s17 =	rddreg [dreg:$0x14]  }
0x2dd: {  	s16 =	rddreg [dreg:$0x15];
	[sflag:s2] =	ssyncadd.s32 @!p1 $0xFFFFFB1E  }
0x2de: {  	_ =	sfence.sel $0x180000  }
0x2df: {  	[bflag:$0x0] =	sbarrier.arrive $0xFFFF  }
0x2e0: {  	_ =	strace $0x90000047  }
0x2e1: {  	s0 =	stileid.u32;
	[bflag:$0x2] =	sbarrier.arrive $0xFFFF  }
0x2e2: {  	p0 =	sne.s32 s0, $0x0;
	s0 =	rddreg [dreg:$0x7]  }
0x2e3: {  	s0 =	sadd.s32 @!p0 $0x100000, s0  }
0x2e4: {  	[sflag:s0] =	ssyncadd.tile.s32 @!p0 $0x1;
	_ =	shalt  }
.Lfunc_end2:
_tile_overlayer_lowered:
.L_overlay_start_2:
0x2e5: {  	(tag) =	ssettag $0x2  }
0x2e6: {  	s0 =	rddreg [dreg:$0x0];
	s2 =	stileid.u32  }
0x2e7: {  	s1 =	rddreg [dreg:$0x1];
	p0 =	sne.s32 s2, $0x0  }
0x2e8: {  	s3 =	rddreg [dreg:$0x2];
	[bflag:$0x3] =	sbarrier.arrive $0xFFFF;
	s2 =	simm.s32 @!p0 $0x1C0C  }
0x2e9: {  	[timem:s3], [sflag:s2] =	dma.local @!p0 [hbm:s0], s1  }
0x2ea: {  	s0 =	simm.s32 @!p0 $0xC  }
0x2eb: {  	_ =	swait.ge @!p0 [sflag:s0], s1  }
0x2ec: {  	s1 =	ssub.s32 @!p0 $0x0, s1;
	[sflag:s0] =	ssyncset.done @!p0 $0x0  }
0x2ed: {  	[sflag:s0] =	ssyncadd.s32 @!p0 s1  }
0x2ee: {  	[bflag:$0x3] =	sbarrier.arrive $0xFFFF  }
0x2ef: {  	_ =	shalt  }

</sc_bundles>
